<compile_context>
chip_gen: v7x
topology: tpu7x:2x2x1
jax: 0.10.2.dev20260603
libtpu: 0.0.44.dev20260713+nightly
codegen_flags: <defaults>
</compile_context>

<pallas_src>
import functools

import jax
import jax.numpy as jnp
from jax import lax
from jax.experimental import pallas as pl
from jax.experimental.pallas import tpu as pltpu
from jax.experimental.pallas import tpu_sc as plsc

D_MODEL = 1024
N_ROWS = 32768
NC = 2
NS = 16
NW = NC * NS
PER_W = N_ROWS // NW
CHUNK = 8
NCHUNK = PER_W // CHUNK
NBUF = 8
LOOK = NBUF - 1


def _sc_gather(table, idx):
    mesh = plsc.VectorSubcoreMesh(core_axis_name="c", subcore_axis_name="s")

    @functools.partial(
        pl.kernel,
        mesh=mesh,
        out_type=jax.ShapeDtypeStruct((N_ROWS, D_MODEL), jnp.float32),
        scratch_types=[
            pltpu.VMEM((PER_W,), jnp.int32),
            pltpu.VMEM((NBUF, CHUNK, D_MODEL), jnp.float32),
            pltpu.SemaphoreType.DMA((NBUF,)),
            pltpu.SemaphoreType.DMA((NBUF,)),
        ],
    )
    def k(table_hbm, idx_hbm, out_hbm, idx_v, bufs, gsem, psem):
        wid = lax.axis_index("s") * NC + lax.axis_index("c")
        base = wid * PER_W
        pltpu.sync_copy(idx_hbm.at[pl.ds(base, PER_W)], idx_v)

        def g_start(i, b):
            pltpu.async_copy(
                table_hbm.at[idx_v.at[pl.ds(i * CHUNK, CHUNK)]],
                bufs.at[b], gsem.at[b])

        def g_wait(i, b):
            pltpu.make_async_copy(
                table_hbm.at[idx_v.at[pl.ds(i * CHUNK, CHUNK)]],
                bufs.at[b], gsem.at[b]).wait()

        def p_start(i, b):
            pltpu.async_copy(
                bufs.at[b], out_hbm.at[pl.ds(base + i * CHUNK, CHUNK)],
                psem.at[b])

        def p_wait(i, b):
            pltpu.make_async_copy(
                bufs.at[b], out_hbm.at[pl.ds(base + i * CHUNK, CHUNK)],
                psem.at[b]).wait()

        def step(i, b, do_pwait, do_refill):
            g_wait(i, b)
            p_start(i, b)
            if do_pwait:
                p_wait(i - 1, (i - 1) % NBUF)
            if do_refill:
                g_start(i + LOOK, (i + LOOK) % NBUF)

        for j in range(LOOK):
            g_start(j, j)

        for i in range(NBUF):
            step(i, i, i >= 1, i + LOOK < NCHUNK)

        assert NCHUNK % NBUF == 0 and NCHUNK >= 3 * NBUF

        def body(g, _):
            for u in range(NBUF):
                i = NBUF * (g + 1) + u
                step(i, u, True, True)
            return 0

        lax.fori_loop(0, (NCHUNK - 2 * NBUF) // NBUF, body, 0)

        for i in range(NCHUNK - NBUF, NCHUNK):
            step(i, i % NBUF, True, i + LOOK < NCHUNK)
        p_wait(NCHUNK - 1, (NCHUNK - 1) % NBUF)

    return k(table, idx)


def kernel(positions, pe):
    idx = positions.reshape(-1).astype(jnp.int32)
    table = pe.reshape(pe.shape[-2], pe.shape[-1])
    out = _sc_gather(table, idx)
    return out.reshape(positions.shape[0], positions.shape[1], D_MODEL)

# --- scband reference (transcript-rebuilt; emitter-appended) ---
"""Pipeline reference for scband-positional-encoding-1846835937659 (READ-ONLY COPY).

The authoritative reference and input builder live on the scoring server;
editing this copy changes nothing except your own understanding.
"""

import jax, jax.numpy as jnp
import numpy as np
import math

D_MODEL = 1024
MAX_LEN = 8192
B = 4
S = 8192

def _make_pe():
    pe = np.zeros((MAX_LEN, D_MODEL), dtype=np.float32)
    position = np.arange(0, MAX_LEN, dtype=np.float32)[:, None]
    div_term = np.exp(np.arange(0, D_MODEL, 2).astype(np.float32) * (-math.log(10000.0) / D_MODEL))
    pe[:, 0::2] = np.sin(position * div_term)
    pe[:, 1::2] = np.cos(position * div_term)
    return jnp.asarray(pe)[None, :, :]  # [1, max_len, d_model]

def setup_inputs(seed: int = 0) -> dict:
    key = jax.random.key(seed)
    positions = jax.random.randint(key, (B, S), 0, MAX_LEN)
    return {"positions": positions, "pe": _make_pe()}

def reference(positions, pe):
    # include_cls_token=False path: out = pe[:, positions] -> [1, B, S, d_model]
    out = pe[:, positions]
    # out.size(0) == 1 -> squeeze(0)
    return out[0]

if __name__ == "__main__":
    import jax
    _d = setup_inputs()
    print(jax.jit(kernel)(*tuple(_d.values())))

</pallas_src>

<mosaic_0001>
#map = affine_map<(d0, d1) -> (0, 0)>
#map1 = affine_map<(d0, d1) -> (0)>
module attributes {stable_mosaic.version = 14 : i64} {
  func.func @k(%arg0: i32, %arg1: i32, %arg2: memref<8192x1024xf32, #tpu.memory_space<hbm>>, %arg3: memref<32768xi32, #tpu.memory_space<hbm>>, %arg4: memref<32768x1024xf32, #tpu.memory_space<hbm>>, %arg5: memref<1024xi32, #tpu.memory_space<vmem>>, %arg6: memref<8x8x1024xf32, #tpu.memory_space<vmem>>, %arg7: memref<8x!tpu.dma_semaphore, #tpu.memory_space<semaphore_mem>>, %arg8: memref<8x!tpu.dma_semaphore, #tpu.memory_space<semaphore_mem>>) attributes {dimension_semantics = [#tpu.dimension_semantics<core_parallel>, #tpu.dimension_semantics<subcore_parallel>], iteration_bounds = array<i64: 2, 16>, scalar_prefetch = 0 : i64, scratch_operands = 4 : i64, tpu.core_type = #tpu.core_type<sc_vector_subcore>, window_params = [{transform_indices = #map}, {transform_indices = #map1}, {transform_indices = #map}]} {
    %mul3A = arith.constant 2 : i32
    %mul3A_0 = arith.muli %arg1, %mul3A : i32
    %add3A = arith.addi %mul3A_0, %arg0 : i32
    %mul3A_1 = arith.constant 1024 : i32
    %mul3A_2 = arith.muli %add3A, %mul3A_1 : i32
    "tpu.region"() ({
      %run_scoped3A = tpu.sem_alloc : memref<!tpu.dma_semaphore, #tpu.memory_space<semaphore_mem>>
      %dma_start3A_999 = tpu.memref_slice %arg3[%mul3A_2] : memref<32768xi32, #tpu.memory_space<hbm>> -> memref<1024xi32, #tpu.memory_space<hbm>>
      %dma_start3A_1000 = tpu.memref_slice %arg3[%mul3A_2] : memref<32768xi32, #tpu.memory_space<hbm>> -> memref<1024xi32, #tpu.memory_space<hbm>>
      tpu.enqueue_dma source(%dma_start3A_1000 : memref<1024xi32, #tpu.memory_space<hbm>>) target(%arg5 : memref<1024xi32, #tpu.memory_space<vmem>>) target_semaphore(%run_scoped3A : memref<!tpu.dma_semaphore, #tpu.memory_space<semaphore_mem>>)
      %dma_wait3A_1001 = tpu.memref_slice %arg3[%mul3A_2] : memref<32768xi32, #tpu.memory_space<hbm>> -> memref<1024xi32, #tpu.memory_space<hbm>>
      %dma_wait3A_1002 = tpu.memref_slice %arg3[%mul3A_2] : memref<32768xi32, #tpu.memory_space<hbm>> -> memref<1024xi32, #tpu.memory_space<hbm>>
      tpu.wait_dma2 semaphore(%run_scoped3A : memref<!tpu.dma_semaphore, #tpu.memory_space<semaphore_mem>>) src(%dma_wait3A_1002 : memref<1024xi32, #tpu.memory_space<hbm>>) dst(%arg5 : memref<1024xi32, #tpu.memory_space<vmem>>)
      tpu.yield
    }) : () -> ()
    %dma_start3A = arith.constant 0 : i32
    %dma_start3A_3 = arith.constant 0 : i32
    %dma_start3A_4 = arith.constant 0 : i32
    %dma_start3A_5 = arith.constant 0 : i32
    %dma_start3A_6 = tpu.memref_slice %arg6[%dma_start3A, %dma_start3A_4, %dma_start3A_5] : memref<8x8x1024xf32, #tpu.memory_space<vmem>> -> memref<1x8x1024xf32, #tpu.memory_space<vmem>>
    %dma_start3A_7 = tpu.memref_squeeze %dma_start3A_6 : memref<1x8x1024xf32, #tpu.memory_space<vmem>> -> memref<8x1024xf32, #tpu.memory_space<vmem>>
    %dma_start3A_8 = arith.constant 0 : i32
    %dma_start3A_9 = tpu.memref_slice %arg5[%dma_start3A_8] : memref<1024xi32, #tpu.memory_space<vmem>> -> memref<8xi32, #tpu.memory_space<vmem>>
    %dma_start3A_10 = arith.constant 0 : i32
    %dma_start3A_11 = arith.constant 0 : i32
    %dma_start3A_12 = tpu.memref_slice %arg2[%dma_start3A_10, %dma_start3A_11] : memref<8192x1024xf32, #tpu.memory_space<hbm>> -> memref<8192x1024xf32, #tpu.memory_space<hbm>>
    %dma_start3A_13 = tpu.memref_slice %arg7[%dma_start3A_3] : memref<8x!tpu.dma_semaphore, #tpu.memory_space<semaphore_mem>> -> memref<1x!tpu.dma_semaphore, #tpu.memory_space<semaphore_mem>>
    %dma_start3A_14 = tpu.memref_squeeze %dma_start3A_13 : memref<1x!tpu.dma_semaphore, #tpu.memory_space<semaphore_mem>> -> memref<!tpu.dma_semaphore, #tpu.memory_space<semaphore_mem>>
    tpu.enqueue_indirect_dma source(%dma_start3A_12 : memref<8192x1024xf32, #tpu.memory_space<hbm>>) target(%dma_start3A_7 : memref<8x1024xf32, #tpu.memory_space<vmem>>) offsets(%dma_start3A_9 : memref<8xi32, #tpu.memory_space<vmem>>) semaphore(%dma_start3A_14 : memref<!tpu.dma_semaphore, #tpu.memory_space<semaphore_mem>>)
    %dma_start3A_15 = arith.constant 1 : i32
    %dma_start3A_16 = arith.constant 1 : i32
    %dma_start3A_17 = arith.constant 0 : i32
    %dma_start3A_18 = arith.constant 0 : i32
    %dma_start3A_19 = tpu.memref_slice %arg6[%dma_start3A_15, %dma_start3A_17, %dma_start3A_18] : memref<8x8x1024xf32, #tpu.memory_space<vmem>> -> memref<1x8x1024xf32, #tpu.memory_space<vmem>>
    %dma_start3A_20 = tpu.memref_squeeze %dma_start3A_19 : memref<1x8x1024xf32, #tpu.memory_space<vmem>> -> memref<8x1024xf32, #tpu.memory_space<vmem>>
    %dma_start3A_21 = arith.constant 8 : i32
    %dma_start3A_22 = tpu.memref_slice %arg5[%dma_start3A_21] : memref<1024xi32, #tpu.memory_space<vmem>> -> memref<8xi32, #tpu.memory_space<vmem>>
    %dma_start3A_23 = arith.constant 0 : i32
    %dma_start3A_24 = arith.constant 0 : i32
    %dma_start3A_25 = tpu.memref_slice %arg2[%dma_start3A_23, %dma_start3A_24] : memref<8192x1024xf32, #tpu.memory_space<hbm>> -> memref<8192x1024xf32, #tpu.memory_space<hbm>>
    %dma_start3A_26 = tpu.memref_slice %arg7[%dma_start3A_16] : memref<8x!tpu.dma_semaphore, #tpu.memory_space<semaphore_mem>> -> memref<1x!tpu.dma_semaphore, #tpu.memory_space<semaphore_mem>>
    %dma_start3A_27 = tpu.memref_squeeze %dma_start3A_26 : memref<1x!tpu.dma_semaphore, #tpu.memory_space<semaphore_mem>> -> memref<!tpu.dma_semaphore, #tpu.memory_space<semaphore_mem>>
    tpu.enqueue_indirect_dma source(%dma_start3A_25 : memref<8192x1024xf32, #tpu.memory_space<hbm>>) target(%dma_start3A_20 : memref<8x1024xf32, #tpu.memory_space<vmem>>) offsets(%dma_start3A_22 : memref<8xi32, #tpu.memory_space<vmem>>) semaphore(%dma_start3A_27 : memref<!tpu.dma_semaphore, #tpu.memory_space<semaphore_mem>>)
    %dma_start3A_28 = arith.constant 2 : i32
    %dma_start3A_29 = arith.constant 2 : i32
    %dma_start3A_30 = arith.constant 0 : i32
    %dma_start3A_31 = arith.constant 0 : i32
    %dma_start3A_32 = tpu.memref_slice %arg6[%dma_start3A_28, %dma_start3A_30, %dma_start3A_31] : memref<8x8x1024xf32, #tpu.memory_space<vmem>> -> memref<1x8x1024xf32, #tpu.memory_space<vmem>>
    %dma_start3A_33 = tpu.memref_squeeze %dma_start3A_32 : memref<1x8x1024xf32, #tpu.memory_space<vmem>> -> memref<8x1024xf32, #tpu.memory_space<vmem>>
    %dma_start3A_34 = arith.constant 16 : i32
    %dma_start3A_35 = tpu.memref_slice %arg5[%dma_start3A_34] : memref<1024xi32, #tpu.memory_space<vmem>> -> memref<8xi32, #tpu.memory_space<vmem>>
    %dma_start3A_36 = arith.constant 0 : i32
    %dma_start3A_37 = arith.constant 0 : i32
    %dma_start3A_38 = tpu.memref_slice %arg2[%dma_start3A_36, %dma_start3A_37] : memref<8192x1024xf32, #tpu.memory_space<hbm>> -> memref<8192x1024xf32, #tpu.memory_space<hbm>>
    %dma_start3A_39 = tpu.memref_slice %arg7[%dma_start3A_29] : memref<8x!tpu.dma_semaphore, #tpu.memory_space<semaphore_mem>> -> memref<1x!tpu.dma_semaphore, #tpu.memory_space<semaphore_mem>>
    %dma_start3A_40 = tpu.memref_squeeze %dma_start3A_39 : memref<1x!tpu.dma_semaphore, #tpu.memory_space<semaphore_mem>> -> memref<!tpu.dma_semaphore, #tpu.memory_space<semaphore_mem>>
    tpu.enqueue_indirect_dma source(%dma_start3A_38 : memref<8192x1024xf32, #tpu.memory_space<hbm>>) target(%dma_start3A_33 : memref<8x1024xf32, #tpu.memory_space<vmem>>) offsets(%dma_start3A_35 : memref<8xi32, #tpu.memory_space<vmem>>) semaphore(%dma_start3A_40 : memref<!tpu.dma_semaphore, #tpu.memory_space<semaphore_mem>>)
    %dma_start3A_41 = arith.constant 3 : i32
    %dma_start3A_42 = arith.constant 3 : i32
    %dma_start3A_43 = arith.constant 0 : i32
    %dma_start3A_44 = arith.constant 0 : i32
    %dma_start3A_45 = tpu.memref_slice %arg6[%dma_start3A_41, %dma_start3A_43, %dma_start3A_44] : memref<8x8x1024xf32, #tpu.memory_space<vmem>> -> memref<1x8x1024xf32, #tpu.memory_space<vmem>>
    %dma_start3A_46 = tpu.memref_squeeze %dma_start3A_45 : memref<1x8x1024xf32, #tpu.memory_space<vmem>> -> memref<8x1024xf32, #tpu.memory_space<vmem>>
    %dma_start3A_47 = arith.constant 24 : i32
    %dma_start3A_48 = tpu.memref_slice %arg5[%dma_start3A_47] : memref<1024xi32, #tpu.memory_space<vmem>> -> memref<8xi32, #tpu.memory_space<vmem>>
    %dma_start3A_49 = arith.constant 0 : i32
    %dma_start3A_50 = arith.constant 0 : i32
    %dma_start3A_51 = tpu.memref_slice %arg2[%dma_start3A_49, %dma_start3A_50] : memref<8192x1024xf32, #tpu.memory_space<hbm>> -> memref<8192x1024xf32, #tpu.memory_space<hbm>>
    %dma_start3A_52 = tpu.memref_slice %arg7[%dma_start3A_42] : memref<8x!tpu.dma_semaphore, #tpu.memory_space<semaphore_mem>> -> memref<1x!tpu.dma_semaphore, #tpu.memory_space<semaphore_mem>>
    %dma_start3A_53 = tpu.memref_squeeze %dma_start3A_52 : memref<1x!tpu.dma_semaphore, #tpu.memory_space<semaphore_mem>> -> memref<!tpu.dma_semaphore, #tpu.memory_space<semaphore_mem>>
    tpu.enqueue_indirect_dma source(%dma_start3A_51 : memref<8192x1024xf32, #tpu.memory_space<hbm>>) target(%dma_start3A_46 : memref<8x1024xf32, #tpu.memory_space<vmem>>) offsets(%dma_start3A_48 : memref<8xi32, #tpu.memory_space<vmem>>) semaphore(%dma_start3A_53 : memref<!tpu.dma_semaphore, #tpu.memory_space<semaphore_mem>>)
    %dma_start3A_54 = arith.constant 4 : i32
    %dma_start3A_55 = arith.constant 4 : i32
    %dma_start3A_56 = arith.constant 0 : i32
    %dma_start3A_57 = arith.constant 0 : i32
    %dma_start3A_58 = tpu.memref_slice %arg6[%dma_start3A_54, %dma_start3A_56, %dma_start3A_57] : memref<8x8x1024xf32, #tpu.memory_space<vmem>> -> memref<1x8x1024xf32, #tpu.memory_space<vmem>>
    %dma_start3A_59 = tpu.memref_squeeze %dma_start3A_58 : memref<1x8x1024xf32, #tpu.memory_space<vmem>> -> memref<8x1024xf32, #tpu.memory_space<vmem>>
    %dma_start3A_60 = arith.constant 32 : i32
    %dma_start3A_61 = tpu.memref_slice %arg5[%dma_start3A_60] : memref<1024xi32, #tpu.memory_space<vmem>> -> memref<8xi32, #tpu.memory_space<vmem>>
    %dma_start3A_62 = arith.constant 0 : i32
    %dma_start3A_63 = arith.constant 0 : i32
    %dma_start3A_64 = tpu.memref_slice %arg2[%dma_start3A_62, %dma_start3A_63] : memref<8192x1024xf32, #tpu.memory_space<hbm>> -> memref<8192x1024xf32, #tpu.memory_space<hbm>>
    %dma_start3A_65 = tpu.memref_slice %arg7[%dma_start3A_55] : memref<8x!tpu.dma_semaphore, #tpu.memory_space<semaphore_mem>> -> memref<1x!tpu.dma_semaphore, #tpu.memory_space<semaphore_mem>>
    %dma_start3A_66 = tpu.memref_squeeze %dma_start3A_65 : memref<1x!tpu.dma_semaphore, #tpu.memory_space<semaphore_mem>> -> memref<!tpu.dma_semaphore, #tpu.memory_space<semaphore_mem>>
    tpu.enqueue_indirect_dma source(%dma_start3A_64 : memref<8192x1024xf32, #tpu.memory_space<hbm>>) target(%dma_start3A_59 : memref<8x1024xf32, #tpu.memory_space<vmem>>) offsets(%dma_start3A_61 : memref<8xi32, #tpu.memory_space<vmem>>) semaphore(%dma_start3A_66 : memref<!tpu.dma_semaphore, #tpu.memory_space<semaphore_mem>>)
    %dma_start3A_67 = arith.constant 5 : i32
    %dma_start3A_68 = arith.constant 5 : i32
    %dma_start3A_69 = arith.constant 0 : i32
    %dma_start3A_70 = arith.constant 0 : i32
    %dma_start3A_71 = tpu.memref_slice %arg6[%dma_start3A_67, %dma_start3A_69, %dma_start3A_70] : memref<8x8x1024xf32, #tpu.memory_space<vmem>> -> memref<1x8x1024xf32, #tpu.memory_space<vmem>>
    %dma_start3A_72 = tpu.memref_squeeze %dma_start3A_71 : memref<1x8x1024xf32, #tpu.memory_space<vmem>> -> memref<8x1024xf32, #tpu.memory_space<vmem>>
    %dma_start3A_73 = arith.constant 40 : i32
    %dma_start3A_74 = tpu.memref_slice %arg5[%dma_start3A_73] : memref<1024xi32, #tpu.memory_space<vmem>> -> memref<8xi32, #tpu.memory_space<vmem>>
    %dma_start3A_75 = arith.constant 0 : i32
    %dma_start3A_76 = arith.constant 0 : i32
    %dma_start3A_77 = tpu.memref_slice %arg2[%dma_start3A_75, %dma_start3A_76] : memref<8192x1024xf32, #tpu.memory_space<hbm>> -> memref<8192x1024xf32, #tpu.memory_space<hbm>>
    %dma_start3A_78 = tpu.memref_slice %arg7[%dma_start3A_68] : memref<8x!tpu.dma_semaphore, #tpu.memory_space<semaphore_mem>> -> memref<1x!tpu.dma_semaphore, #tpu.memory_space<semaphore_mem>>
    %dma_start3A_79 = tpu.memref_squeeze %dma_start3A_78 : memref<1x!tpu.dma_semaphore, #tpu.memory_space<semaphore_mem>> -> memref<!tpu.dma_semaphore, #tpu.memory_space<semaphore_mem>>
    tpu.enqueue_indirect_dma source(%dma_start3A_77 : memref<8192x1024xf32, #tpu.memory_space<hbm>>) target(%dma_start3A_72 : memref<8x1024xf32, #tpu.memory_space<vmem>>) offsets(%dma_start3A_74 : memref<8xi32, #tpu.memory_space<vmem>>) semaphore(%dma_start3A_79 : memref<!tpu.dma_semaphore, #tpu.memory_space<semaphore_mem>>)
    %dma_start3A_80 = arith.constant 6 : i32
    %dma_start3A_81 = arith.constant 6 : i32
    %dma_start3A_82 = arith.constant 0 : i32
    %dma_start3A_83 = arith.constant 0 : i32
    %dma_start3A_84 = tpu.memref_slice %arg6[%dma_start3A_80, %dma_start3A_82, %dma_start3A_83] : memref<8x8x1024xf32, #tpu.memory_space<vmem>> -> memref<1x8x1024xf32, #tpu.memory_space<vmem>>
    %dma_start3A_85 = tpu.memref_squeeze %dma_start3A_84 : memref<1x8x1024xf32, #tpu.memory_space<vmem>> -> memref<8x1024xf32, #tpu.memory_space<vmem>>
    %dma_start3A_86 = arith.constant 48 : i32
    %dma_start3A_87 = tpu.memref_slice %arg5[%dma_start3A_86] : memref<1024xi32, #tpu.memory_space<vmem>> -> memref<8xi32, #tpu.memory_space<vmem>>
    %dma_start3A_88 = arith.constant 0 : i32
    %dma_start3A_89 = arith.constant 0 : i32
    %dma_start3A_90 = tpu.memref_slice %arg2[%dma_start3A_88, %dma_start3A_89] : memref<8192x1024xf32, #tpu.memory_space<hbm>> -> memref<8192x1024xf32, #tpu.memory_space<hbm>>
    %dma_start3A_91 = tpu.memref_slice %arg7[%dma_start3A_81] : memref<8x!tpu.dma_semaphore, #tpu.memory_space<semaphore_mem>> -> memref<1x!tpu.dma_semaphore, #tpu.memory_space<semaphore_mem>>
    %dma_start3A_92 = tpu.memref_squeeze %dma_start3A_91 : memref<1x!tpu.dma_semaphore, #tpu.memory_space<semaphore_mem>> -> memref<!tpu.dma_semaphore, #tpu.memory_space<semaphore_mem>>
    tpu.enqueue_indirect_dma source(%dma_start3A_90 : memref<8192x1024xf32, #tpu.memory_space<hbm>>) target(%dma_start3A_85 : memref<8x1024xf32, #tpu.memory_space<vmem>>) offsets(%dma_start3A_87 : memref<8xi32, #tpu.memory_space<vmem>>) semaphore(%dma_start3A_92 : memref<!tpu.dma_semaphore, #tpu.memory_space<semaphore_mem>>)
    %dma_wait3A = arith.constant 0 : i32
    %dma_wait3A_93 = arith.constant 0 : i32
    %dma_wait3A_94 = arith.constant 0 : i32
    %dma_wait3A_95 = arith.constant 0 : i32
    %dma_wait3A_96 = tpu.memref_slice %arg6[%dma_wait3A, %dma_wait3A_94, %dma_wait3A_95] : memref<8x8x1024xf32, #tpu.memory_space<vmem>> -> memref<1x8x1024xf32, #tpu.memory_space<vmem>>
    %dma_wait3A_97 = tpu.memref_squeeze %dma_wait3A_96 : memref<1x8x1024xf32, #tpu.memory_space<vmem>> -> memref<8x1024xf32, #tpu.memory_space<vmem>>
    %dma_wait3A_98 = arith.constant 0 : i32
    %dma_wait3A_99 = tpu.memref_slice %arg5[%dma_wait3A_98] : memref<1024xi32, #tpu.memory_space<vmem>> -> memref<8xi32, #tpu.memory_space<vmem>>
    %dma_wait3A_100 = arith.constant 0 : i32
    %dma_wait3A_101 = arith.constant 0 : i32
    %dma_wait3A_102 = tpu.memref_slice %arg2[%dma_wait3A_100, %dma_wait3A_101] : memref<8192x1024xf32, #tpu.memory_space<hbm>> -> memref<8192x1024xf32, #tpu.memory_space<hbm>>
    %dma_wait3A_103 = tpu.memref_slice %arg7[%dma_wait3A_93] : memref<8x!tpu.dma_semaphore, #tpu.memory_space<semaphore_mem>> -> memref<1x!tpu.dma_semaphore, #tpu.memory_space<semaphore_mem>>
    %dma_wait3A_104 = tpu.memref_squeeze %dma_wait3A_103 : memref<1x!tpu.dma_semaphore, #tpu.memory_space<semaphore_mem>> -> memref<!tpu.dma_semaphore, #tpu.memory_space<semaphore_mem>>
    tpu.wait_indirect_dma semaphore(%dma_wait3A_104 : memref<!tpu.dma_semaphore, #tpu.memory_space<semaphore_mem>>) src(%dma_wait3A_102 : memref<8192x1024xf32, #tpu.memory_space<hbm>>) dst(%dma_wait3A_97 : memref<8x1024xf32, #tpu.memory_space<vmem>>)
    %add3A_105 = arith.constant 0 : i32
    %add3A_106 = arith.addi %mul3A_2, %add3A_105 : i32
    %dma_start3A_107 = arith.constant 0 : i32
    %dma_start3A_108 = arith.constant 0 : i32
    %dma_start3A_109 = arith.constant 0 : i32
    %dma_start3A_110 = arith.constant 0 : i32
    %dma_start3A_111 = tpu.memref_slice %arg6[%dma_start3A_107, %dma_start3A_109, %dma_start3A_110] : memref<8x8x1024xf32, #tpu.memory_space<vmem>> -> memref<1x8x1024xf32, #tpu.memory_space<vmem>>
    %dma_start3A_112 = tpu.memref_squeeze %dma_start3A_111 : memref<1x8x1024xf32, #tpu.memory_space<vmem>> -> memref<8x1024xf32, #tpu.memory_space<vmem>>
    %dma_start3A_113 = arith.constant 0 : i32
    %dma_start3A_114 = tpu.memref_slice %arg4[%add3A_106, %dma_start3A_113] : memref<32768x1024xf32, #tpu.memory_space<hbm>> -> memref<8x1024xf32, #tpu.memory_space<hbm>>
    %dma_start3A_115 = tpu.memref_slice %arg8[%dma_start3A_108] : memref<8x!tpu.dma_semaphore, #tpu.memory_space<semaphore_mem>> -> memref<1x!tpu.dma_semaphore, #tpu.memory_space<semaphore_mem>>
    %dma_start3A_116 = tpu.memref_squeeze %dma_start3A_115 : memref<1x!tpu.dma_semaphore, #tpu.memory_space<semaphore_mem>> -> memref<!tpu.dma_semaphore, #tpu.memory_space<semaphore_mem>>
    %dma_start3A_117 = arith.constant 0 : i32
    %dma_start3A_118 = tpu.memref_slice %arg4[%add3A_106, %dma_start3A_117] : memref<32768x1024xf32, #tpu.memory_space<hbm>> -> memref<8x1024xf32, #tpu.memory_space<hbm>>
    %dma_start3A_119 = arith.constant 0 : i32
    %dma_start3A_120 = arith.constant 0 : i32
    %dma_start3A_121 = tpu.memref_slice %arg6[%dma_start3A_107, %dma_start3A_119, %dma_start3A_120] : memref<8x8x1024xf32, #tpu.memory_space<vmem>> -> memref<1x8x1024xf32, #tpu.memory_space<vmem>>
    %dma_start3A_122 = tpu.memref_squeeze %dma_start3A_121 : memref<1x8x1024xf32, #tpu.memory_space<vmem>> -> memref<8x1024xf32, #tpu.memory_space<vmem>>
    tpu.enqueue_dma source(%dma_start3A_122 : memref<8x1024xf32, #tpu.memory_space<vmem>>) target(%dma_start3A_118 : memref<8x1024xf32, #tpu.memory_space<hbm>>) target_semaphore(%dma_start3A_116 : memref<!tpu.dma_semaphore, #tpu.memory_space<semaphore_mem>>)
    %dma_start3A_123 = arith.constant 7 : i32
    %dma_start3A_124 = arith.constant 7 : i32
    %dma_start3A_125 = arith.constant 0 : i32
    %dma_start3A_126 = arith.constant 0 : i32
    %dma_start3A_127 = tpu.memref_slice %arg6[%dma_start3A_123, %dma_start3A_125, %dma_start3A_126] : memref<8x8x1024xf32, #tpu.memory_space<vmem>> -> memref<1x8x1024xf32, #tpu.memory_space<vmem>>
    %dma_start3A_128 = tpu.memref_squeeze %dma_start3A_127 : memref<1x8x1024xf32, #tpu.memory_space<vmem>> -> memref<8x1024xf32, #tpu.memory_space<vmem>>
    %dma_start3A_129 = arith.constant 56 : i32
    %dma_start3A_130 = tpu.memref_slice %arg5[%dma_start3A_129] : memref<1024xi32, #tpu.memory_space<vmem>> -> memref<8xi32, #tpu.memory_space<vmem>>
    %dma_start3A_131 = arith.constant 0 : i32
    %dma_start3A_132 = arith.constant 0 : i32
    %dma_start3A_133 = tpu.memref_slice %arg2[%dma_start3A_131, %dma_start3A_132] : memref<8192x1024xf32, #tpu.memory_space<hbm>> -> memref<8192x1024xf32, #tpu.memory_space<hbm>>
    %dma_start3A_134 = tpu.memref_slice %arg7[%dma_start3A_124] : memref<8x!tpu.dma_semaphore, #tpu.memory_space<semaphore_mem>> -> memref<1x!tpu.dma_semaphore, #tpu.memory_space<semaphore_mem>>
    %dma_start3A_135 = tpu.memref_squeeze %dma_start3A_134 : memref<1x!tpu.dma_semaphore, #tpu.memory_space<semaphore_mem>> -> memref<!tpu.dma_semaphore, #tpu.memory_space<semaphore_mem>>
    tpu.enqueue_indirect_dma source(%dma_start3A_133 : memref<8192x1024xf32, #tpu.memory_space<hbm>>) target(%dma_start3A_128 : memref<8x1024xf32, #tpu.memory_space<vmem>>) offsets(%dma_start3A_130 : memref<8xi32, #tpu.memory_space<vmem>>) semaphore(%dma_start3A_135 : memref<!tpu.dma_semaphore, #tpu.memory_space<semaphore_mem>>)
    %dma_wait3A_136 = arith.constant 1 : i32
    %dma_wait3A_137 = arith.constant 1 : i32
    %dma_wait3A_138 = arith.constant 0 : i32
    %dma_wait3A_139 = arith.constant 0 : i32
    %dma_wait3A_140 = tpu.memref_slice %arg6[%dma_wait3A_136, %dma_wait3A_138, %dma_wait3A_139] : memref<8x8x1024xf32, #tpu.memory_space<vmem>> -> memref<1x8x1024xf32, #tpu.memory_space<vmem>>
    %dma_wait3A_141 = tpu.memref_squeeze %dma_wait3A_140 : memref<1x8x1024xf32, #tpu.memory_space<vmem>> -> memref<8x1024xf32, #tpu.memory_space<vmem>>
    %dma_wait3A_142 = arith.constant 8 : i32
    %dma_wait3A_143 = tpu.memref_slice %arg5[%dma_wait3A_142] : memref<1024xi32, #tpu.memory_space<vmem>> -> memref<8xi32, #tpu.memory_space<vmem>>
    %dma_wait3A_144 = arith.constant 0 : i32
    %dma_wait3A_145 = arith.constant 0 : i32
    %dma_wait3A_146 = tpu.memref_slice %arg2[%dma_wait3A_144, %dma_wait3A_145] : memref<8192x1024xf32, #tpu.memory_space<hbm>> -> memref<8192x1024xf32, #tpu.memory_space<hbm>>
    %dma_wait3A_147 = tpu.memref_slice %arg7[%dma_wait3A_137] : memref<8x!tpu.dma_semaphore, #tpu.memory_space<semaphore_mem>> -> memref<1x!tpu.dma_semaphore, #tpu.memory_space<semaphore_mem>>
    %dma_wait3A_148 = tpu.memref_squeeze %dma_wait3A_147 : memref<1x!tpu.dma_semaphore, #tpu.memory_space<semaphore_mem>> -> memref<!tpu.dma_semaphore, #tpu.memory_space<semaphore_mem>>
    tpu.wait_indirect_dma semaphore(%dma_wait3A_148 : memref<!tpu.dma_semaphore, #tpu.memory_space<semaphore_mem>>) src(%dma_wait3A_146 : memref<8192x1024xf32, #tpu.memory_space<hbm>>) dst(%dma_wait3A_141 : memref<8x1024xf32, #tpu.memory_space<vmem>>)
    %add3A_149 = arith.constant 8 : i32
    %add3A_150 = arith.addi %mul3A_2, %add3A_149 : i32
    %dma_start3A_151 = arith.constant 1 : i32
    %dma_start3A_152 = arith.constant 1 : i32
    %dma_start3A_153 = arith.constant 0 : i32
    %dma_start3A_154 = arith.constant 0 : i32
    %dma_start3A_155 = tpu.memref_slice %arg6[%dma_start3A_151, %dma_start3A_153, %dma_start3A_154] : memref<8x8x1024xf32, #tpu.memory_space<vmem>> -> memref<1x8x1024xf32, #tpu.memory_space<vmem>>
    %dma_start3A_156 = tpu.memref_squeeze %dma_start3A_155 : memref<1x8x1024xf32, #tpu.memory_space<vmem>> -> memref<8x1024xf32, #tpu.memory_space<vmem>>
    %dma_start3A_157 = arith.constant 0 : i32
    %dma_start3A_158 = tpu.memref_slice %arg4[%add3A_150, %dma_start3A_157] : memref<32768x1024xf32, #tpu.memory_space<hbm>> -> memref<8x1024xf32, #tpu.memory_space<hbm>>
    %dma_start3A_159 = tpu.memref_slice %arg8[%dma_start3A_152] : memref<8x!tpu.dma_semaphore, #tpu.memory_space<semaphore_mem>> -> memref<1x!tpu.dma_semaphore, #tpu.memory_space<semaphore_mem>>
    %dma_start3A_160 = tpu.memref_squeeze %dma_start3A_159 : memref<1x!tpu.dma_semaphore, #tpu.memory_space<semaphore_mem>> -> memref<!tpu.dma_semaphore, #tpu.memory_space<semaphore_mem>>
    %dma_start3A_161 = arith.constant 0 : i32
    %dma_start3A_162 = tpu.memref_slice %arg4[%add3A_150, %dma_start3A_161] : memref<32768x1024xf32, #tpu.memory_space<hbm>> -> memref<8x1024xf32, #tpu.memory_space<hbm>>
    %dma_start3A_163 = arith.constant 0 : i32
    %dma_start3A_164 = arith.constant 0 : i32
    %dma_start3A_165 = tpu.memref_slice %arg6[%dma_start3A_151, %dma_start3A_163, %dma_start3A_164] : memref<8x8x1024xf32, #tpu.memory_space<vmem>> -> memref<1x8x1024xf32, #tpu.memory_space<vmem>>
    %dma_start3A_166 = tpu.memref_squeeze %dma_start3A_165 : memref<1x8x1024xf32, #tpu.memory_space<vmem>> -> memref<8x1024xf32, #tpu.memory_space<vmem>>
    tpu.enqueue_dma source(%dma_start3A_166 : memref<8x1024xf32, #tpu.memory_space<vmem>>) target(%dma_start3A_162 : memref<8x1024xf32, #tpu.memory_space<hbm>>) target_semaphore(%dma_start3A_160 : memref<!tpu.dma_semaphore, #tpu.memory_space<semaphore_mem>>)
    %add3A_167 = arith.constant 0 : i32
    %add3A_168 = arith.addi %mul3A_2, %add3A_167 : i32
    %dma_wait3A_169 = arith.constant 0 : i32
    %dma_wait3A_170 = arith.constant 0 : i32
    %dma_wait3A_171 = arith.constant 0 : i32
    %dma_wait3A_172 = arith.constant 0 : i32
    %dma_wait3A_173 = tpu.memref_slice %arg6[%dma_wait3A_169, %dma_wait3A_171, %dma_wait3A_172] : memref<8x8x1024xf32, #tpu.memory_space<vmem>> -> memref<1x8x1024xf32, #tpu.memory_space<vmem>>
    %dma_wait3A_174 = tpu.memref_squeeze %dma_wait3A_173 : memref<1x8x1024xf32, #tpu.memory_space<vmem>> -> memref<8x1024xf32, #tpu.memory_space<vmem>>
    %dma_wait3A_175 = arith.constant 0 : i32
    %dma_wait3A_176 = tpu.memref_slice %arg4[%add3A_168, %dma_wait3A_175] : memref<32768x1024xf32, #tpu.memory_space<hbm>> -> memref<8x1024xf32, #tpu.memory_space<hbm>>
    %dma_wait3A_177 = tpu.memref_slice %arg8[%dma_wait3A_170] : memref<8x!tpu.dma_semaphore, #tpu.memory_space<semaphore_mem>> -> memref<1x!tpu.dma_semaphore, #tpu.memory_space<semaphore_mem>>
    %dma_wait3A_178 = tpu.memref_squeeze %dma_wait3A_177 : memref<1x!tpu.dma_semaphore, #tpu.memory_space<semaphore_mem>> -> memref<!tpu.dma_semaphore, #tpu.memory_space<semaphore_mem>>
    %dma_wait3A_179 = arith.constant 0 : i32
    %dma_wait3A_180 = tpu.memref_slice %arg4[%add3A_168, %dma_wait3A_179] : memref<32768x1024xf32, #tpu.memory_space<hbm>> -> memref<8x1024xf32, #tpu.memory_space<hbm>>
    %dma_wait3A_181 = arith.constant 0 : i32
    %dma_wait3A_182 = arith.constant 0 : i32
    %dma_wait3A_183 = tpu.memref_slice %arg6[%dma_wait3A_169, %dma_wait3A_181, %dma_wait3A_182] : memref<8x8x1024xf32, #tpu.memory_space<vmem>> -> memref<1x8x1024xf32, #tpu.memory_space<vmem>>
    %dma_wait3A_184 = tpu.memref_squeeze %dma_wait3A_183 : memref<1x8x1024xf32, #tpu.memory_space<vmem>> -> memref<8x1024xf32, #tpu.memory_space<vmem>>
    tpu.wait_dma2 semaphore(%dma_wait3A_178 : memref<!tpu.dma_semaphore, #tpu.memory_space<semaphore_mem>>) src(%dma_wait3A_184 : memref<8x1024xf32, #tpu.memory_space<vmem>>) dst(%dma_wait3A_180 : memref<8x1024xf32, #tpu.memory_space<hbm>>)
    %dma_start3A_185 = arith.constant 0 : i32
    %dma_start3A_186 = arith.constant 0 : i32
    %dma_start3A_187 = arith.constant 0 : i32
    %dma_start3A_188 = arith.constant 0 : i32
    %dma_start3A_189 = tpu.memref_slice %arg6[%dma_start3A_185, %dma_start3A_187, %dma_start3A_188] : memref<8x8x1024xf32, #tpu.memory_space<vmem>> -> memref<1x8x1024xf32, #tpu.memory_space<vmem>>
    %dma_start3A_190 = tpu.memref_squeeze %dma_start3A_189 : memref<1x8x1024xf32, #tpu.memory_space<vmem>> -> memref<8x1024xf32, #tpu.memory_space<vmem>>
    %dma_start3A_191 = arith.constant 64 : i32
    %dma_start3A_192 = tpu.memref_slice %arg5[%dma_start3A_191] : memref<1024xi32, #tpu.memory_space<vmem>> -> memref<8xi32, #tpu.memory_space<vmem>>
    %dma_start3A_193 = arith.constant 0 : i32
    %dma_start3A_194 = arith.constant 0 : i32
    %dma_start3A_195 = tpu.memref_slice %arg2[%dma_start3A_193, %dma_start3A_194] : memref<8192x1024xf32, #tpu.memory_space<hbm>> -> memref<8192x1024xf32, #tpu.memory_space<hbm>>
    %dma_start3A_196 = tpu.memref_slice %arg7[%dma_start3A_186] : memref<8x!tpu.dma_semaphore, #tpu.memory_space<semaphore_mem>> -> memref<1x!tpu.dma_semaphore, #tpu.memory_space<semaphore_mem>>
    %dma_start3A_197 = tpu.memref_squeeze %dma_start3A_196 : memref<1x!tpu.dma_semaphore, #tpu.memory_space<semaphore_mem>> -> memref<!tpu.dma_semaphore, #tpu.memory_space<semaphore_mem>>
    tpu.enqueue_indirect_dma source(%dma_start3A_195 : memref<8192x1024xf32, #tpu.memory_space<hbm>>) target(%dma_start3A_190 : memref<8x1024xf32, #tpu.memory_space<vmem>>) offsets(%dma_start3A_192 : memref<8xi32, #tpu.memory_space<vmem>>) semaphore(%dma_start3A_197 : memref<!tpu.dma_semaphore, #tpu.memory_space<semaphore_mem>>)
    %dma_wait3A_198 = arith.constant 2 : i32
    %dma_wait3A_199 = arith.constant 2 : i32
    %dma_wait3A_200 = arith.constant 0 : i32
    %dma_wait3A_201 = arith.constant 0 : i32
    %dma_wait3A_202 = tpu.memref_slice %arg6[%dma_wait3A_198, %dma_wait3A_200, %dma_wait3A_201] : memref<8x8x1024xf32, #tpu.memory_space<vmem>> -> memref<1x8x1024xf32, #tpu.memory_space<vmem>>
    %dma_wait3A_203 = tpu.memref_squeeze %dma_wait3A_202 : memref<1x8x1024xf32, #tpu.memory_space<vmem>> -> memref<8x1024xf32, #tpu.memory_space<vmem>>
    %dma_wait3A_204 = arith.constant 16 : i32
    %dma_wait3A_205 = tpu.memref_slice %arg5[%dma_wait3A_204] : memref<1024xi32, #tpu.memory_space<vmem>> -> memref<8xi32, #tpu.memory_space<vmem>>
    %dma_wait3A_206 = arith.constant 0 : i32
    %dma_wait3A_207 = arith.constant 0 : i32
    %dma_wait3A_208 = tpu.memref_slice %arg2[%dma_wait3A_206, %dma_wait3A_207] : memref<8192x1024xf32, #tpu.memory_space<hbm>> -> memref<8192x1024xf32, #tpu.memory_space<hbm>>
    %dma_wait3A_209 = tpu.memref_slice %arg7[%dma_wait3A_199] : memref<8x!tpu.dma_semaphore, #tpu.memory_space<semaphore_mem>> -> memref<1x!tpu.dma_semaphore, #tpu.memory_space<semaphore_mem>>
    %dma_wait3A_210 = tpu.memref_squeeze %dma_wait3A_209 : memref<1x!tpu.dma_semaphore, #tpu.memory_space<semaphore_mem>> -> memref<!tpu.dma_semaphore, #tpu.memory_space<semaphore_mem>>
    tpu.wait_indirect_dma semaphore(%dma_wait3A_210 : memref<!tpu.dma_semaphore, #tpu.memory_space<semaphore_mem>>) src(%dma_wait3A_208 : memref<8192x1024xf32, #tpu.memory_space<hbm>>) dst(%dma_wait3A_203 : memref<8x1024xf32, #tpu.memory_space<vmem>>)
    %add3A_211 = arith.constant 16 : i32
    %add3A_212 = arith.addi %mul3A_2, %add3A_211 : i32
    %dma_start3A_213 = arith.constant 2 : i32
    %dma_start3A_214 = arith.constant 2 : i32
    %dma_start3A_215 = arith.constant 0 : i32
    %dma_start3A_216 = arith.constant 0 : i32
    %dma_start3A_217 = tpu.memref_slice %arg6[%dma_start3A_213, %dma_start3A_215, %dma_start3A_216] : memref<8x8x1024xf32, #tpu.memory_space<vmem>> -> memref<1x8x1024xf32, #tpu.memory_space<vmem>>
    %dma_start3A_218 = tpu.memref_squeeze %dma_start3A_217 : memref<1x8x1024xf32, #tpu.memory_space<vmem>> -> memref<8x1024xf32, #tpu.memory_space<vmem>>
    %dma_start3A_219 = arith.constant 0 : i32
    %dma_start3A_220 = tpu.memref_slice %arg4[%add3A_212, %dma_start3A_219] : memref<32768x1024xf32, #tpu.memory_space<hbm>> -> memref<8x1024xf32, #tpu.memory_space<hbm>>
    %dma_start3A_221 = tpu.memref_slice %arg8[%dma_start3A_214] : memref<8x!tpu.dma_semaphore, #tpu.memory_space<semaphore_mem>> -> memref<1x!tpu.dma_semaphore, #tpu.memory_space<semaphore_mem>>
    %dma_start3A_222 = tpu.memref_squeeze %dma_start3A_221 : memref<1x!tpu.dma_semaphore, #tpu.memory_space<semaphore_mem>> -> memref<!tpu.dma_semaphore, #tpu.memory_space<semaphore_mem>>
    %dma_start3A_223 = arith.constant 0 : i32
    %dma_start3A_224 = tpu.memref_slice %arg4[%add3A_212, %dma_start3A_223] : memref<32768x1024xf32, #tpu.memory_space<hbm>> -> memref<8x1024xf32, #tpu.memory_space<hbm>>
    %dma_start3A_225 = arith.constant 0 : i32
    %dma_start3A_226 = arith.constant 0 : i32
    %dma_start3A_227 = tpu.memref_slice %arg6[%dma_start3A_213, %dma_start3A_225, %dma_start3A_226] : memref<8x8x1024xf32, #tpu.memory_space<vmem>> -> memref<1x8x1024xf32, #tpu.memory_space<vmem>>
    %dma_start3A_228 = tpu.memref_squeeze %dma_start3A_227 : memref<1x8x1024xf32, #tpu.memory_space<vmem>> -> memref<8x1024xf32, #tpu.memory_space<vmem>>
    tpu.enqueue_dma source(%dma_start3A_228 : memref<8x1024xf32, #tpu.memory_space<vmem>>) target(%dma_start3A_224 : memref<8x1024xf32, #tpu.memory_space<hbm>>) target_semaphore(%dma_start3A_222 : memref<!tpu.dma_semaphore, #tpu.memory_space<semaphore_mem>>)
    %add3A_229 = arith.constant 8 : i32
    %add3A_230 = arith.addi %mul3A_2, %add3A_229 : i32
    %dma_wait3A_231 = arith.constant 1 : i32
    %dma_wait3A_232 = arith.constant 1 : i32
    %dma_wait3A_233 = arith.constant 0 : i32
    %dma_wait3A_234 = arith.constant 0 : i32
    %dma_wait3A_235 = tpu.memref_slice %arg6[%dma_wait3A_231, %dma_wait3A_233, %dma_wait3A_234] : memref<8x8x1024xf32, #tpu.memory_space<vmem>> -> memref<1x8x1024xf32, #tpu.memory_space<vmem>>
    %dma_wait3A_236 = tpu.memref_squeeze %dma_wait3A_235 : memref<1x8x1024xf32, #tpu.memory_space<vmem>> -> memref<8x1024xf32, #tpu.memory_space<vmem>>
    %dma_wait3A_237 = arith.constant 0 : i32
    %dma_wait3A_238 = tpu.memref_slice %arg4[%add3A_230, %dma_wait3A_237] : memref<32768x1024xf32, #tpu.memory_space<hbm>> -> memref<8x1024xf32, #tpu.memory_space<hbm>>
    %dma_wait3A_239 = tpu.memref_slice %arg8[%dma_wait3A_232] : memref<8x!tpu.dma_semaphore, #tpu.memory_space<semaphore_mem>> -> memref<1x!tpu.dma_semaphore, #tpu.memory_space<semaphore_mem>>
    %dma_wait3A_240 = tpu.memref_squeeze %dma_wait3A_239 : memref<1x!tpu.dma_semaphore, #tpu.memory_space<semaphore_mem>> -> memref<!tpu.dma_semaphore, #tpu.memory_space<semaphore_mem>>
    %dma_wait3A_241 = arith.constant 0 : i32
    %dma_wait3A_242 = tpu.memref_slice %arg4[%add3A_230, %dma_wait3A_241] : memref<32768x1024xf32, #tpu.memory_space<hbm>> -> memref<8x1024xf32, #tpu.memory_space<hbm>>
    %dma_wait3A_243 = arith.constant 0 : i32
    %dma_wait3A_244 = arith.constant 0 : i32
    %dma_wait3A_245 = tpu.memref_slice %arg6[%dma_wait3A_231, %dma_wait3A_243, %dma_wait3A_244] : memref<8x8x1024xf32, #tpu.memory_space<vmem>> -> memref<1x8x1024xf32, #tpu.memory_space<vmem>>
    %dma_wait3A_246 = tpu.memref_squeeze %dma_wait3A_245 : memref<1x8x1024xf32, #tpu.memory_space<vmem>> -> memref<8x1024xf32, #tpu.memory_space<vmem>>
    tpu.wait_dma2 semaphore(%dma_wait3A_240 : memref<!tpu.dma_semaphore, #tpu.memory_space<semaphore_mem>>) src(%dma_wait3A_246 : memref<8x1024xf32, #tpu.memory_space<vmem>>) dst(%dma_wait3A_242 : memref<8x1024xf32, #tpu.memory_space<hbm>>)
    %dma_start3A_247 = arith.constant 1 : i32
    %dma_start3A_248 = arith.constant 1 : i32
    %dma_start3A_249 = arith.constant 0 : i32
    %dma_start3A_250 = arith.constant 0 : i32
    %dma_start3A_251 = tpu.memref_slice %arg6[%dma_start3A_247, %dma_start3A_249, %dma_start3A_250] : memref<8x8x1024xf32, #tpu.memory_space<vmem>> -> memref<1x8x1024xf32, #tpu.memory_space<vmem>>
    %dma_start3A_252 = tpu.memref_squeeze %dma_start3A_251 : memref<1x8x1024xf32, #tpu.memory_space<vmem>> -> memref<8x1024xf32, #tpu.memory_space<vmem>>
    %dma_start3A_253 = arith.constant 72 : i32
    %dma_start3A_254 = tpu.memref_slice %arg5[%dma_start3A_253] : memref<1024xi32, #tpu.memory_space<vmem>> -> memref<8xi32, #tpu.memory_space<vmem>>
    %dma_start3A_255 = arith.constant 0 : i32
    %dma_start3A_256 = arith.constant 0 : i32
    %dma_start3A_257 = tpu.memref_slice %arg2[%dma_start3A_255, %dma_start3A_256] : memref<8192x1024xf32, #tpu.memory_space<hbm>> -> memref<8192x1024xf32, #tpu.memory_space<hbm>>
    %dma_start3A_258 = tpu.memref_slice %arg7[%dma_start3A_248] : memref<8x!tpu.dma_semaphore, #tpu.memory_space<semaphore_mem>> -> memref<1x!tpu.dma_semaphore, #tpu.memory_space<semaphore_mem>>
    %dma_start3A_259 = tpu.memref_squeeze %dma_start3A_258 : memref<1x!tpu.dma_semaphore, #tpu.memory_space<semaphore_mem>> -> memref<!tpu.dma_semaphore, #tpu.memory_space<semaphore_mem>>
    tpu.enqueue_indirect_dma source(%dma_start3A_257 : memref<8192x1024xf32, #tpu.memory_space<hbm>>) target(%dma_start3A_252 : memref<8x1024xf32, #tpu.memory_space<vmem>>) offsets(%dma_start3A_254 : memref<8xi32, #tpu.memory_space<vmem>>) semaphore(%dma_start3A_259 : memref<!tpu.dma_semaphore, #tpu.memory_space<semaphore_mem>>)
    %dma_wait3A_260 = arith.constant 3 : i32
    %dma_wait3A_261 = arith.constant 3 : i32
    %dma_wait3A_262 = arith.constant 0 : i32
    %dma_wait3A_263 = arith.constant 0 : i32
    %dma_wait3A_264 = tpu.memref_slice %arg6[%dma_wait3A_260, %dma_wait3A_262, %dma_wait3A_263] : memref<8x8x1024xf32, #tpu.memory_space<vmem>> -> memref<1x8x1024xf32, #tpu.memory_space<vmem>>
    %dma_wait3A_265 = tpu.memref_squeeze %dma_wait3A_264 : memref<1x8x1024xf32, #tpu.memory_space<vmem>> -> memref<8x1024xf32, #tpu.memory_space<vmem>>
    %dma_wait3A_266 = arith.constant 24 : i32
    %dma_wait3A_267 = tpu.memref_slice %arg5[%dma_wait3A_266] : memref<1024xi32, #tpu.memory_space<vmem>> -> memref<8xi32, #tpu.memory_space<vmem>>
    %dma_wait3A_268 = arith.constant 0 : i32
    %dma_wait3A_269 = arith.constant 0 : i32
    %dma_wait3A_270 = tpu.memref_slice %arg2[%dma_wait3A_268, %dma_wait3A_269] : memref<8192x1024xf32, #tpu.memory_space<hbm>> -> memref<8192x1024xf32, #tpu.memory_space<hbm>>
    %dma_wait3A_271 = tpu.memref_slice %arg7[%dma_wait3A_261] : memref<8x!tpu.dma_semaphore, #tpu.memory_space<semaphore_mem>> -> memref<1x!tpu.dma_semaphore, #tpu.memory_space<semaphore_mem>>
    %dma_wait3A_272 = tpu.memref_squeeze %dma_wait3A_271 : memref<1x!tpu.dma_semaphore, #tpu.memory_space<semaphore_mem>> -> memref<!tpu.dma_semaphore, #tpu.memory_space<semaphore_mem>>
    tpu.wait_indirect_dma semaphore(%dma_wait3A_272 : memref<!tpu.dma_semaphore, #tpu.memory_space<semaphore_mem>>) src(%dma_wait3A_270 : memref<8192x1024xf32, #tpu.memory_space<hbm>>) dst(%dma_wait3A_265 : memref<8x1024xf32, #tpu.memory_space<vmem>>)
    %add3A_273 = arith.constant 24 : i32
    %add3A_274 = arith.addi %mul3A_2, %add3A_273 : i32
    %dma_start3A_275 = arith.constant 3 : i32
    %dma_start3A_276 = arith.constant 3 : i32
    %dma_start3A_277 = arith.constant 0 : i32
    %dma_start3A_278 = arith.constant 0 : i32
    %dma_start3A_279 = tpu.memref_slice %arg6[%dma_start3A_275, %dma_start3A_277, %dma_start3A_278] : memref<8x8x1024xf32, #tpu.memory_space<vmem>> -> memref<1x8x1024xf32, #tpu.memory_space<vmem>>
    %dma_start3A_280 = tpu.memref_squeeze %dma_start3A_279 : memref<1x8x1024xf32, #tpu.memory_space<vmem>> -> memref<8x1024xf32, #tpu.memory_space<vmem>>
    %dma_start3A_281 = arith.constant 0 : i32
    %dma_start3A_282 = tpu.memref_slice %arg4[%add3A_274, %dma_start3A_281] : memref<32768x1024xf32, #tpu.memory_space<hbm>> -> memref<8x1024xf32, #tpu.memory_space<hbm>>
    %dma_start3A_283 = tpu.memref_slice %arg8[%dma_start3A_276] : memref<8x!tpu.dma_semaphore, #tpu.memory_space<semaphore_mem>> -> memref<1x!tpu.dma_semaphore, #tpu.memory_space<semaphore_mem>>
    %dma_start3A_284 = tpu.memref_squeeze %dma_start3A_283 : memref<1x!tpu.dma_semaphore, #tpu.memory_space<semaphore_mem>> -> memref<!tpu.dma_semaphore, #tpu.memory_space<semaphore_mem>>
    %dma_start3A_285 = arith.constant 0 : i32
    %dma_start3A_286 = tpu.memref_slice %arg4[%add3A_274, %dma_start3A_285] : memref<32768x1024xf32, #tpu.memory_space<hbm>> -> memref<8x1024xf32, #tpu.memory_space<hbm>>
    %dma_start3A_287 = arith.constant 0 : i32
    %dma_start3A_288 = arith.constant 0 : i32
    %dma_start3A_289 = tpu.memref_slice %arg6[%dma_start3A_275, %dma_start3A_287, %dma_start3A_288] : memref<8x8x1024xf32, #tpu.memory_space<vmem>> -> memref<1x8x1024xf32, #tpu.memory_space<vmem>>
    %dma_start3A_290 = tpu.memref_squeeze %dma_start3A_289 : memref<1x8x1024xf32, #tpu.memory_space<vmem>> -> memref<8x1024xf32, #tpu.memory_space<vmem>>
    tpu.enqueue_dma source(%dma_start3A_290 : memref<8x1024xf32, #tpu.memory_space<vmem>>) target(%dma_start3A_286 : memref<8x1024xf32, #tpu.memory_space<hbm>>) target_semaphore(%dma_start3A_284 : memref<!tpu.dma_semaphore, #tpu.memory_space<semaphore_mem>>)
    %add3A_291 = arith.constant 16 : i32
    %add3A_292 = arith.addi %mul3A_2, %add3A_291 : i32
    %dma_wait3A_293 = arith.constant 2 : i32
    %dma_wait3A_294 = arith.constant 2 : i32
    %dma_wait3A_295 = arith.constant 0 : i32
    %dma_wait3A_296 = arith.constant 0 : i32
    %dma_wait3A_297 = tpu.memref_slice %arg6[%dma_wait3A_293, %dma_wait3A_295, %dma_wait3A_296] : memref<8x8x1024xf32, #tpu.memory_space<vmem>> -> memref<1x8x1024xf32, #tpu.memory_space<vmem>>
    %dma_wait3A_298 = tpu.memref_squeeze %dma_wait3A_297 : memref<1x8x1024xf32, #tpu.memory_space<vmem>> -> memref<8x1024xf32, #tpu.memory_space<vmem>>
    %dma_wait3A_299 = arith.constant 0 : i32
    %dma_wait3A_300 = tpu.memref_slice %arg4[%add3A_292, %dma_wait3A_299] : memref<32768x1024xf32, #tpu.memory_space<hbm>> -> memref<8x1024xf32, #tpu.memory_space<hbm>>
    %dma_wait3A_301 = tpu.memref_slice %arg8[%dma_wait3A_294] : memref<8x!tpu.dma_semaphore, #tpu.memory_space<semaphore_mem>> -> memref<1x!tpu.dma_semaphore, #tpu.memory_space<semaphore_mem>>
    %dma_wait3A_302 = tpu.memref_squeeze %dma_wait3A_301 : memref<1x!tpu.dma_semaphore, #tpu.memory_space<semaphore_mem>> -> memref<!tpu.dma_semaphore, #tpu.memory_space<semaphore_mem>>
    %dma_wait3A_303 = arith.constant 0 : i32
    %dma_wait3A_304 = tpu.memref_slice %arg4[%add3A_292, %dma_wait3A_303] : memref<32768x1024xf32, #tpu.memory_space<hbm>> -> memref<8x1024xf32, #tpu.memory_space<hbm>>
    %dma_wait3A_305 = arith.constant 0 : i32
    %dma_wait3A_306 = arith.constant 0 : i32
    %dma_wait3A_307 = tpu.memref_slice %arg6[%dma_wait3A_293, %dma_wait3A_305, %dma_wait3A_306] : memref<8x8x1024xf32, #tpu.memory_space<vmem>> -> memref<1x8x1024xf32, #tpu.memory_space<vmem>>
    %dma_wait3A_308 = tpu.memref_squeeze %dma_wait3A_307 : memref<1x8x1024xf32, #tpu.memory_space<vmem>> -> memref<8x1024xf32, #tpu.memory_space<vmem>>
    tpu.wait_dma2 semaphore(%dma_wait3A_302 : memref<!tpu.dma_semaphore, #tpu.memory_space<semaphore_mem>>) src(%dma_wait3A_308 : memref<8x1024xf32, #tpu.memory_space<vmem>>) dst(%dma_wait3A_304 : memref<8x1024xf32, #tpu.memory_space<hbm>>)
    %dma_start3A_309 = arith.constant 2 : i32
    %dma_start3A_310 = arith.constant 2 : i32
    %dma_start3A_311 = arith.constant 0 : i32
    %dma_start3A_312 = arith.constant 0 : i32
    %dma_start3A_313 = tpu.memref_slice %arg6[%dma_start3A_309, %dma_start3A_311, %dma_start3A_312] : memref<8x8x1024xf32, #tpu.memory_space<vmem>> -> memref<1x8x1024xf32, #tpu.memory_space<vmem>>
    %dma_start3A_314 = tpu.memref_squeeze %dma_start3A_313 : memref<1x8x1024xf32, #tpu.memory_space<vmem>> -> memref<8x1024xf32, #tpu.memory_space<vmem>>
    %dma_start3A_315 = arith.constant 80 : i32
    %dma_start3A_316 = tpu.memref_slice %arg5[%dma_start3A_315] : memref<1024xi32, #tpu.memory_space<vmem>> -> memref<8xi32, #tpu.memory_space<vmem>>
    %dma_start3A_317 = arith.constant 0 : i32
    %dma_start3A_318 = arith.constant 0 : i32
    %dma_start3A_319 = tpu.memref_slice %arg2[%dma_start3A_317, %dma_start3A_318] : memref<8192x1024xf32, #tpu.memory_space<hbm>> -> memref<8192x1024xf32, #tpu.memory_space<hbm>>
    %dma_start3A_320 = tpu.memref_slice %arg7[%dma_start3A_310] : memref<8x!tpu.dma_semaphore, #tpu.memory_space<semaphore_mem>> -> memref<1x!tpu.dma_semaphore, #tpu.memory_space<semaphore_mem>>
    %dma_start3A_321 = tpu.memref_squeeze %dma_start3A_320 : memref<1x!tpu.dma_semaphore, #tpu.memory_space<semaphore_mem>> -> memref<!tpu.dma_semaphore, #tpu.memory_space<semaphore_mem>>
    tpu.enqueue_indirect_dma source(%dma_start3A_319 : memref<8192x1024xf32, #tpu.memory_space<hbm>>) target(%dma_start3A_314 : memref<8x1024xf32, #tpu.memory_space<vmem>>) offsets(%dma_start3A_316 : memref<8xi32, #tpu.memory_space<vmem>>) semaphore(%dma_start3A_321 : memref<!tpu.dma_semaphore, #tpu.memory_space<semaphore_mem>>)
    %dma_wait3A_322 = arith.constant 4 : i32
    %dma_wait3A_323 = arith.constant 4 : i32
    %dma_wait3A_324 = arith.constant 0 : i32
    %dma_wait3A_325 = arith.constant 0 : i32
    %dma_wait3A_326 = tpu.memref_slice %arg6[%dma_wait3A_322, %dma_wait3A_324, %dma_wait3A_325] : memref<8x8x1024xf32, #tpu.memory_space<vmem>> -> memref<1x8x1024xf32, #tpu.memory_space<vmem>>
    %dma_wait3A_327 = tpu.memref_squeeze %dma_wait3A_326 : memref<1x8x1024xf32, #tpu.memory_space<vmem>> -> memref<8x1024xf32, #tpu.memory_space<vmem>>
    %dma_wait3A_328 = arith.constant 32 : i32
    %dma_wait3A_329 = tpu.memref_slice %arg5[%dma_wait3A_328] : memref<1024xi32, #tpu.memory_space<vmem>> -> memref<8xi32, #tpu.memory_space<vmem>>
    %dma_wait3A_330 = arith.constant 0 : i32
    %dma_wait3A_331 = arith.constant 0 : i32
    %dma_wait3A_332 = tpu.memref_slice %arg2[%dma_wait3A_330, %dma_wait3A_331] : memref<8192x1024xf32, #tpu.memory_space<hbm>> -> memref<8192x1024xf32, #tpu.memory_space<hbm>>
    %dma_wait3A_333 = tpu.memref_slice %arg7[%dma_wait3A_323] : memref<8x!tpu.dma_semaphore, #tpu.memory_space<semaphore_mem>> -> memref<1x!tpu.dma_semaphore, #tpu.memory_space<semaphore_mem>>
    %dma_wait3A_334 = tpu.memref_squeeze %dma_wait3A_333 : memref<1x!tpu.dma_semaphore, #tpu.memory_space<semaphore_mem>> -> memref<!tpu.dma_semaphore, #tpu.memory_space<semaphore_mem>>
    tpu.wait_indirect_dma semaphore(%dma_wait3A_334 : memref<!tpu.dma_semaphore, #tpu.memory_space<semaphore_mem>>) src(%dma_wait3A_332 : memref<8192x1024xf32, #tpu.memory_space<hbm>>) dst(%dma_wait3A_327 : memref<8x1024xf32, #tpu.memory_space<vmem>>)
    %add3A_335 = arith.constant 32 : i32
    %add3A_336 = arith.addi %mul3A_2, %add3A_335 : i32
    %dma_start3A_337 = arith.constant 4 : i32
    %dma_start3A_338 = arith.constant 4 : i32
    %dma_start3A_339 = arith.constant 0 : i32
    %dma_start3A_340 = arith.constant 0 : i32
    %dma_start3A_341 = tpu.memref_slice %arg6[%dma_start3A_337, %dma_start3A_339, %dma_start3A_340] : memref<8x8x1024xf32, #tpu.memory_space<vmem>> -> memref<1x8x1024xf32, #tpu.memory_space<vmem>>
    %dma_start3A_342 = tpu.memref_squeeze %dma_start3A_341 : memref<1x8x1024xf32, #tpu.memory_space<vmem>> -> memref<8x1024xf32, #tpu.memory_space<vmem>>
    %dma_start3A_343 = arith.constant 0 : i32
    %dma_start3A_344 = tpu.memref_slice %arg4[%add3A_336, %dma_start3A_343] : memref<32768x1024xf32, #tpu.memory_space<hbm>> -> memref<8x1024xf32, #tpu.memory_space<hbm>>
    %dma_start3A_345 = tpu.memref_slice %arg8[%dma_start3A_338] : memref<8x!tpu.dma_semaphore, #tpu.memory_space<semaphore_mem>> -> memref<1x!tpu.dma_semaphore, #tpu.memory_space<semaphore_mem>>
    %dma_start3A_346 = tpu.memref_squeeze %dma_start3A_345 : memref<1x!tpu.dma_semaphore, #tpu.memory_space<semaphore_mem>> -> memref<!tpu.dma_semaphore, #tpu.memory_space<semaphore_mem>>
    %dma_start3A_347 = arith.constant 0 : i32
    %dma_start3A_348 = tpu.memref_slice %arg4[%add3A_336, %dma_start3A_347] : memref<32768x1024xf32, #tpu.memory_space<hbm>> -> memref<8x1024xf32, #tpu.memory_space<hbm>>
    %dma_start3A_349 = arith.constant 0 : i32
    %dma_start3A_350 = arith.constant 0 : i32
    %dma_start3A_351 = tpu.memref_slice %arg6[%dma_start3A_337, %dma_start3A_349, %dma_start3A_350] : memref<8x8x1024xf32, #tpu.memory_space<vmem>> -> memref<1x8x1024xf32, #tpu.memory_space<vmem>>
    %dma_start3A_352 = tpu.memref_squeeze %dma_start3A_351 : memref<1x8x1024xf32, #tpu.memory_space<vmem>> -> memref<8x1024xf32, #tpu.memory_space<vmem>>
    tpu.enqueue_dma source(%dma_start3A_352 : memref<8x1024xf32, #tpu.memory_space<vmem>>) target(%dma_start3A_348 : memref<8x1024xf32, #tpu.memory_space<hbm>>) target_semaphore(%dma_start3A_346 : memref<!tpu.dma_semaphore, #tpu.memory_space<semaphore_mem>>)
    %add3A_353 = arith.constant 24 : i32
    %add3A_354 = arith.addi %mul3A_2, %add3A_353 : i32
    %dma_wait3A_355 = arith.constant 3 : i32
    %dma_wait3A_356 = arith.constant 3 : i32
    %dma_wait3A_357 = arith.constant 0 : i32
    %dma_wait3A_358 = arith.constant 0 : i32
    %dma_wait3A_359 = tpu.memref_slice %arg6[%dma_wait3A_355, %dma_wait3A_357, %dma_wait3A_358] : memref<8x8x1024xf32, #tpu.memory_space<vmem>> -> memref<1x8x1024xf32, #tpu.memory_space<vmem>>
    %dma_wait3A_360 = tpu.memref_squeeze %dma_wait3A_359 : memref<1x8x1024xf32, #tpu.memory_space<vmem>> -> memref<8x1024xf32, #tpu.memory_space<vmem>>
    %dma_wait3A_361 = arith.constant 0 : i32
    %dma_wait3A_362 = tpu.memref_slice %arg4[%add3A_354, %dma_wait3A_361] : memref<32768x1024xf32, #tpu.memory_space<hbm>> -> memref<8x1024xf32, #tpu.memory_space<hbm>>
    %dma_wait3A_363 = tpu.memref_slice %arg8[%dma_wait3A_356] : memref<8x!tpu.dma_semaphore, #tpu.memory_space<semaphore_mem>> -> memref<1x!tpu.dma_semaphore, #tpu.memory_space<semaphore_mem>>
    %dma_wait3A_364 = tpu.memref_squeeze %dma_wait3A_363 : memref<1x!tpu.dma_semaphore, #tpu.memory_space<semaphore_mem>> -> memref<!tpu.dma_semaphore, #tpu.memory_space<semaphore_mem>>
    %dma_wait3A_365 = arith.constant 0 : i32
    %dma_wait3A_366 = tpu.memref_slice %arg4[%add3A_354, %dma_wait3A_365] : memref<32768x1024xf32, #tpu.memory_space<hbm>> -> memref<8x1024xf32, #tpu.memory_space<hbm>>
    %dma_wait3A_367 = arith.constant 0 : i32
    %dma_wait3A_368 = arith.constant 0 : i32
    %dma_wait3A_369 = tpu.memref_slice %arg6[%dma_wait3A_355, %dma_wait3A_367, %dma_wait3A_368] : memref<8x8x1024xf32, #tpu.memory_space<vmem>> -> memref<1x8x1024xf32, #tpu.memory_space<vmem>>
    %dma_wait3A_370 = tpu.memref_squeeze %dma_wait3A_369 : memref<1x8x1024xf32, #tpu.memory_space<vmem>> -> memref<8x1024xf32, #tpu.memory_space<vmem>>
    tpu.wait_dma2 semaphore(%dma_wait3A_364 : memref<!tpu.dma_semaphore, #tpu.memory_space<semaphore_mem>>) src(%dma_wait3A_370 : memref<8x1024xf32, #tpu.memory_space<vmem>>) dst(%dma_wait3A_366 : memref<8x1024xf32, #tpu.memory_space<hbm>>)
    %dma_start3A_371 = arith.constant 3 : i32
    %dma_start3A_372 = arith.constant 3 : i32
    %dma_start3A_373 = arith.constant 0 : i32
    %dma_start3A_374 = arith.constant 0 : i32
    %dma_start3A_375 = tpu.memref_slice %arg6[%dma_start3A_371, %dma_start3A_373, %dma_start3A_374] : memref<8x8x1024xf32, #tpu.memory_space<vmem>> -> memref<1x8x1024xf32, #tpu.memory_space<vmem>>
    %dma_start3A_376 = tpu.memref_squeeze %dma_start3A_375 : memref<1x8x1024xf32, #tpu.memory_space<vmem>> -> memref<8x1024xf32, #tpu.memory_space<vmem>>
    %dma_start3A_377 = arith.constant 88 : i32
    %dma_start3A_378 = tpu.memref_slice %arg5[%dma_start3A_377] : memref<1024xi32, #tpu.memory_space<vmem>> -> memref<8xi32, #tpu.memory_space<vmem>>
    %dma_start3A_379 = arith.constant 0 : i32
    %dma_start3A_380 = arith.constant 0 : i32
    %dma_start3A_381 = tpu.memref_slice %arg2[%dma_start3A_379, %dma_start3A_380] : memref<8192x1024xf32, #tpu.memory_space<hbm>> -> memref<8192x1024xf32, #tpu.memory_space<hbm>>
    %dma_start3A_382 = tpu.memref_slice %arg7[%dma_start3A_372] : memref<8x!tpu.dma_semaphore, #tpu.memory_space<semaphore_mem>> -> memref<1x!tpu.dma_semaphore, #tpu.memory_space<semaphore_mem>>
    %dma_start3A_383 = tpu.memref_squeeze %dma_start3A_382 : memref<1x!tpu.dma_semaphore, #tpu.memory_space<semaphore_mem>> -> memref<!tpu.dma_semaphore, #tpu.memory_space<semaphore_mem>>
    tpu.enqueue_indirect_dma source(%dma_start3A_381 : memref<8192x1024xf32, #tpu.memory_space<hbm>>) target(%dma_start3A_376 : memref<8x1024xf32, #tpu.memory_space<vmem>>) offsets(%dma_start3A_378 : memref<8xi32, #tpu.memory_space<vmem>>) semaphore(%dma_start3A_383 : memref<!tpu.dma_semaphore, #tpu.memory_space<semaphore_mem>>)
    %dma_wait3A_384 = arith.constant 5 : i32
    %dma_wait3A_385 = arith.constant 5 : i32
    %dma_wait3A_386 = arith.constant 0 : i32
    %dma_wait3A_387 = arith.constant 0 : i32
    %dma_wait3A_388 = tpu.memref_slice %arg6[%dma_wait3A_384, %dma_wait3A_386, %dma_wait3A_387] : memref<8x8x1024xf32, #tpu.memory_space<vmem>> -> memref<1x8x1024xf32, #tpu.memory_space<vmem>>
    %dma_wait3A_389 = tpu.memref_squeeze %dma_wait3A_388 : memref<1x8x1024xf32, #tpu.memory_space<vmem>> -> memref<8x1024xf32, #tpu.memory_space<vmem>>
    %dma_wait3A_390 = arith.constant 40 : i32
    %dma_wait3A_391 = tpu.memref_slice %arg5[%dma_wait3A_390] : memref<1024xi32, #tpu.memory_space<vmem>> -> memref<8xi32, #tpu.memory_space<vmem>>
    %dma_wait3A_392 = arith.constant 0 : i32
    %dma_wait3A_393 = arith.constant 0 : i32
    %dma_wait3A_394 = tpu.memref_slice %arg2[%dma_wait3A_392, %dma_wait3A_393] : memref<8192x1024xf32, #tpu.memory_space<hbm>> -> memref<8192x1024xf32, #tpu.memory_space<hbm>>
    %dma_wait3A_395 = tpu.memref_slice %arg7[%dma_wait3A_385] : memref<8x!tpu.dma_semaphore, #tpu.memory_space<semaphore_mem>> -> memref<1x!tpu.dma_semaphore, #tpu.memory_space<semaphore_mem>>
    %dma_wait3A_396 = tpu.memref_squeeze %dma_wait3A_395 : memref<1x!tpu.dma_semaphore, #tpu.memory_space<semaphore_mem>> -> memref<!tpu.dma_semaphore, #tpu.memory_space<semaphore_mem>>
    tpu.wait_indirect_dma semaphore(%dma_wait3A_396 : memref<!tpu.dma_semaphore, #tpu.memory_space<semaphore_mem>>) src(%dma_wait3A_394 : memref<8192x1024xf32, #tpu.memory_space<hbm>>) dst(%dma_wait3A_389 : memref<8x1024xf32, #tpu.memory_space<vmem>>)
    %add3A_397 = arith.constant 40 : i32
    %add3A_398 = arith.addi %mul3A_2, %add3A_397 : i32
    %dma_start3A_399 = arith.constant 5 : i32
    %dma_start3A_400 = arith.constant 5 : i32
    %dma_start3A_401 = arith.constant 0 : i32
    %dma_start3A_402 = arith.constant 0 : i32
    %dma_start3A_403 = tpu.memref_slice %arg6[%dma_start3A_399, %dma_start3A_401, %dma_start3A_402] : memref<8x8x1024xf32, #tpu.memory_space<vmem>> -> memref<1x8x1024xf32, #tpu.memory_space<vmem>>
    %dma_start3A_404 = tpu.memref_squeeze %dma_start3A_403 : memref<1x8x1024xf32, #tpu.memory_space<vmem>> -> memref<8x1024xf32, #tpu.memory_space<vmem>>
    %dma_start3A_405 = arith.constant 0 : i32
    %dma_start3A_406 = tpu.memref_slice %arg4[%add3A_398, %dma_start3A_405] : memref<32768x1024xf32, #tpu.memory_space<hbm>> -> memref<8x1024xf32, #tpu.memory_space<hbm>>
    %dma_start3A_407 = tpu.memref_slice %arg8[%dma_start3A_400] : memref<8x!tpu.dma_semaphore, #tpu.memory_space<semaphore_mem>> -> memref<1x!tpu.dma_semaphore, #tpu.memory_space<semaphore_mem>>
    %dma_start3A_408 = tpu.memref_squeeze %dma_start3A_407 : memref<1x!tpu.dma_semaphore, #tpu.memory_space<semaphore_mem>> -> memref<!tpu.dma_semaphore, #tpu.memory_space<semaphore_mem>>
    %dma_start3A_409 = arith.constant 0 : i32
    %dma_start3A_410 = tpu.memref_slice %arg4[%add3A_398, %dma_start3A_409] : memref<32768x1024xf32, #tpu.memory_space<hbm>> -> memref<8x1024xf32, #tpu.memory_space<hbm>>
    %dma_start3A_411 = arith.constant 0 : i32
    %dma_start3A_412 = arith.constant 0 : i32
    %dma_start3A_413 = tpu.memref_slice %arg6[%dma_start3A_399, %dma_start3A_411, %dma_start3A_412] : memref<8x8x1024xf32, #tpu.memory_space<vmem>> -> memref<1x8x1024xf32, #tpu.memory_space<vmem>>
    %dma_start3A_414 = tpu.memref_squeeze %dma_start3A_413 : memref<1x8x1024xf32, #tpu.memory_space<vmem>> -> memref<8x1024xf32, #tpu.memory_space<vmem>>
    tpu.enqueue_dma source(%dma_start3A_414 : memref<8x1024xf32, #tpu.memory_space<vmem>>) target(%dma_start3A_410 : memref<8x1024xf32, #tpu.memory_space<hbm>>) target_semaphore(%dma_start3A_408 : memref<!tpu.dma_semaphore, #tpu.memory_space<semaphore_mem>>)
    %add3A_415 = arith.constant 32 : i32
    %add3A_416 = arith.addi %mul3A_2, %add3A_415 : i32
    %dma_wait3A_417 = arith.constant 4 : i32
    %dma_wait3A_418 = arith.constant 4 : i32
    %dma_wait3A_419 = arith.constant 0 : i32
    %dma_wait3A_420 = arith.constant 0 : i32
    %dma_wait3A_421 = tpu.memref_slice %arg6[%dma_wait3A_417, %dma_wait3A_419, %dma_wait3A_420] : memref<8x8x1024xf32, #tpu.memory_space<vmem>> -> memref<1x8x1024xf32, #tpu.memory_space<vmem>>
    %dma_wait3A_422 = tpu.memref_squeeze %dma_wait3A_421 : memref<1x8x1024xf32, #tpu.memory_space<vmem>> -> memref<8x1024xf32, #tpu.memory_space<vmem>>
    %dma_wait3A_423 = arith.constant 0 : i32
    %dma_wait3A_424 = tpu.memref_slice %arg4[%add3A_416, %dma_wait3A_423] : memref<32768x1024xf32, #tpu.memory_space<hbm>> -> memref<8x1024xf32, #tpu.memory_space<hbm>>
    %dma_wait3A_425 = tpu.memref_slice %arg8[%dma_wait3A_418] : memref<8x!tpu.dma_semaphore, #tpu.memory_space<semaphore_mem>> -> memref<1x!tpu.dma_semaphore, #tpu.memory_space<semaphore_mem>>
    %dma_wait3A_426 = tpu.memref_squeeze %dma_wait3A_425 : memref<1x!tpu.dma_semaphore, #tpu.memory_space<semaphore_mem>> -> memref<!tpu.dma_semaphore, #tpu.memory_space<semaphore_mem>>
    %dma_wait3A_427 = arith.constant 0 : i32
    %dma_wait3A_428 = tpu.memref_slice %arg4[%add3A_416, %dma_wait3A_427] : memref<32768x1024xf32, #tpu.memory_space<hbm>> -> memref<8x1024xf32, #tpu.memory_space<hbm>>
    %dma_wait3A_429 = arith.constant 0 : i32
    %dma_wait3A_430 = arith.constant 0 : i32
    %dma_wait3A_431 = tpu.memref_slice %arg6[%dma_wait3A_417, %dma_wait3A_429, %dma_wait3A_430] : memref<8x8x1024xf32, #tpu.memory_space<vmem>> -> memref<1x8x1024xf32, #tpu.memory_space<vmem>>
    %dma_wait3A_432 = tpu.memref_squeeze %dma_wait3A_431 : memref<1x8x1024xf32, #tpu.memory_space<vmem>> -> memref<8x1024xf32, #tpu.memory_space<vmem>>
    tpu.wait_dma2 semaphore(%dma_wait3A_426 : memref<!tpu.dma_semaphore, #tpu.memory_space<semaphore_mem>>) src(%dma_wait3A_432 : memref<8x1024xf32, #tpu.memory_space<vmem>>) dst(%dma_wait3A_428 : memref<8x1024xf32, #tpu.memory_space<hbm>>)
    %dma_start3A_433 = arith.constant 4 : i32
    %dma_start3A_434 = arith.constant 4 : i32
    %dma_start3A_435 = arith.constant 0 : i32
    %dma_start3A_436 = arith.constant 0 : i32
    %dma_start3A_437 = tpu.memref_slice %arg6[%dma_start3A_433, %dma_start3A_435, %dma_start3A_436] : memref<8x8x1024xf32, #tpu.memory_space<vmem>> -> memref<1x8x1024xf32, #tpu.memory_space<vmem>>
    %dma_start3A_438 = tpu.memref_squeeze %dma_start3A_437 : memref<1x8x1024xf32, #tpu.memory_space<vmem>> -> memref<8x1024xf32, #tpu.memory_space<vmem>>
    %dma_start3A_439 = arith.constant 96 : i32
    %dma_start3A_440 = tpu.memref_slice %arg5[%dma_start3A_439] : memref<1024xi32, #tpu.memory_space<vmem>> -> memref<8xi32, #tpu.memory_space<vmem>>
    %dma_start3A_441 = arith.constant 0 : i32
    %dma_start3A_442 = arith.constant 0 : i32
    %dma_start3A_443 = tpu.memref_slice %arg2[%dma_start3A_441, %dma_start3A_442] : memref<8192x1024xf32, #tpu.memory_space<hbm>> -> memref<8192x1024xf32, #tpu.memory_space<hbm>>
    %dma_start3A_444 = tpu.memref_slice %arg7[%dma_start3A_434] : memref<8x!tpu.dma_semaphore, #tpu.memory_space<semaphore_mem>> -> memref<1x!tpu.dma_semaphore, #tpu.memory_space<semaphore_mem>>
    %dma_start3A_445 = tpu.memref_squeeze %dma_start3A_444 : memref<1x!tpu.dma_semaphore, #tpu.memory_space<semaphore_mem>> -> memref<!tpu.dma_semaphore, #tpu.memory_space<semaphore_mem>>
    tpu.enqueue_indirect_dma source(%dma_start3A_443 : memref<8192x1024xf32, #tpu.memory_space<hbm>>) target(%dma_start3A_438 : memref<8x1024xf32, #tpu.memory_space<vmem>>) offsets(%dma_start3A_440 : memref<8xi32, #tpu.memory_space<vmem>>) semaphore(%dma_start3A_445 : memref<!tpu.dma_semaphore, #tpu.memory_space<semaphore_mem>>)
    %dma_wait3A_446 = arith.constant 6 : i32
    %dma_wait3A_447 = arith.constant 6 : i32
    %dma_wait3A_448 = arith.constant 0 : i32
    %dma_wait3A_449 = arith.constant 0 : i32
    %dma_wait3A_450 = tpu.memref_slice %arg6[%dma_wait3A_446, %dma_wait3A_448, %dma_wait3A_449] : memref<8x8x1024xf32, #tpu.memory_space<vmem>> -> memref<1x8x1024xf32, #tpu.memory_space<vmem>>
    %dma_wait3A_451 = tpu.memref_squeeze %dma_wait3A_450 : memref<1x8x1024xf32, #tpu.memory_space<vmem>> -> memref<8x1024xf32, #tpu.memory_space<vmem>>
    %dma_wait3A_452 = arith.constant 48 : i32
    %dma_wait3A_453 = tpu.memref_slice %arg5[%dma_wait3A_452] : memref<1024xi32, #tpu.memory_space<vmem>> -> memref<8xi32, #tpu.memory_space<vmem>>
    %dma_wait3A_454 = arith.constant 0 : i32
    %dma_wait3A_455 = arith.constant 0 : i32
    %dma_wait3A_456 = tpu.memref_slice %arg2[%dma_wait3A_454, %dma_wait3A_455] : memref<8192x1024xf32, #tpu.memory_space<hbm>> -> memref<8192x1024xf32, #tpu.memory_space<hbm>>
    %dma_wait3A_457 = tpu.memref_slice %arg7[%dma_wait3A_447] : memref<8x!tpu.dma_semaphore, #tpu.memory_space<semaphore_mem>> -> memref<1x!tpu.dma_semaphore, #tpu.memory_space<semaphore_mem>>
    %dma_wait3A_458 = tpu.memref_squeeze %dma_wait3A_457 : memref<1x!tpu.dma_semaphore, #tpu.memory_space<semaphore_mem>> -> memref<!tpu.dma_semaphore, #tpu.memory_space<semaphore_mem>>
    tpu.wait_indirect_dma semaphore(%dma_wait3A_458 : memref<!tpu.dma_semaphore, #tpu.memory_space<semaphore_mem>>) src(%dma_wait3A_456 : memref<8192x1024xf32, #tpu.memory_space<hbm>>) dst(%dma_wait3A_451 : memref<8x1024xf32, #tpu.memory_space<vmem>>)
    %add3A_459 = arith.constant 48 : i32
    %add3A_460 = arith.addi %mul3A_2, %add3A_459 : i32
    %dma_start3A_461 = arith.constant 6 : i32
    %dma_start3A_462 = arith.constant 6 : i32
    %dma_start3A_463 = arith.constant 0 : i32
    %dma_start3A_464 = arith.constant 0 : i32
    %dma_start3A_465 = tpu.memref_slice %arg6[%dma_start3A_461, %dma_start3A_463, %dma_start3A_464] : memref<8x8x1024xf32, #tpu.memory_space<vmem>> -> memref<1x8x1024xf32, #tpu.memory_space<vmem>>
    %dma_start3A_466 = tpu.memref_squeeze %dma_start3A_465 : memref<1x8x1024xf32, #tpu.memory_space<vmem>> -> memref<8x1024xf32, #tpu.memory_space<vmem>>
    %dma_start3A_467 = arith.constant 0 : i32
    %dma_start3A_468 = tpu.memref_slice %arg4[%add3A_460, %dma_start3A_467] : memref<32768x1024xf32, #tpu.memory_space<hbm>> -> memref<8x1024xf32, #tpu.memory_space<hbm>>
    %dma_start3A_469 = tpu.memref_slice %arg8[%dma_start3A_462] : memref<8x!tpu.dma_semaphore, #tpu.memory_space<semaphore_mem>> -> memref<1x!tpu.dma_semaphore, #tpu.memory_space<semaphore_mem>>
    %dma_start3A_470 = tpu.memref_squeeze %dma_start3A_469 : memref<1x!tpu.dma_semaphore, #tpu.memory_space<semaphore_mem>> -> memref<!tpu.dma_semaphore, #tpu.memory_space<semaphore_mem>>
    %dma_start3A_471 = arith.constant 0 : i32
    %dma_start3A_472 = tpu.memref_slice %arg4[%add3A_460, %dma_start3A_471] : memref<32768x1024xf32, #tpu.memory_space<hbm>> -> memref<8x1024xf32, #tpu.memory_space<hbm>>
    %dma_start3A_473 = arith.constant 0 : i32
    %dma_start3A_474 = arith.constant 0 : i32
    %dma_start3A_475 = tpu.memref_slice %arg6[%dma_start3A_461, %dma_start3A_473, %dma_start3A_474] : memref<8x8x1024xf32, #tpu.memory_space<vmem>> -> memref<1x8x1024xf32, #tpu.memory_space<vmem>>
    %dma_start3A_476 = tpu.memref_squeeze %dma_start3A_475 : memref<1x8x1024xf32, #tpu.memory_space<vmem>> -> memref<8x1024xf32, #tpu.memory_space<vmem>>
    tpu.enqueue_dma source(%dma_start3A_476 : memref<8x1024xf32, #tpu.memory_space<vmem>>) target(%dma_start3A_472 : memref<8x1024xf32, #tpu.memory_space<hbm>>) target_semaphore(%dma_start3A_470 : memref<!tpu.dma_semaphore, #tpu.memory_space<semaphore_mem>>)
    %add3A_477 = arith.constant 40 : i32
    %add3A_478 = arith.addi %mul3A_2, %add3A_477 : i32
    %dma_wait3A_479 = arith.constant 5 : i32
    %dma_wait3A_480 = arith.constant 5 : i32
    %dma_wait3A_481 = arith.constant 0 : i32
    %dma_wait3A_482 = arith.constant 0 : i32
    %dma_wait3A_483 = tpu.memref_slice %arg6[%dma_wait3A_479, %dma_wait3A_481, %dma_wait3A_482] : memref<8x8x1024xf32, #tpu.memory_space<vmem>> -> memref<1x8x1024xf32, #tpu.memory_space<vmem>>
    %dma_wait3A_484 = tpu.memref_squeeze %dma_wait3A_483 : memref<1x8x1024xf32, #tpu.memory_space<vmem>> -> memref<8x1024xf32, #tpu.memory_space<vmem>>
    %dma_wait3A_485 = arith.constant 0 : i32
    %dma_wait3A_486 = tpu.memref_slice %arg4[%add3A_478, %dma_wait3A_485] : memref<32768x1024xf32, #tpu.memory_space<hbm>> -> memref<8x1024xf32, #tpu.memory_space<hbm>>
    %dma_wait3A_487 = tpu.memref_slice %arg8[%dma_wait3A_480] : memref<8x!tpu.dma_semaphore, #tpu.memory_space<semaphore_mem>> -> memref<1x!tpu.dma_semaphore, #tpu.memory_space<semaphore_mem>>
    %dma_wait3A_488 = tpu.memref_squeeze %dma_wait3A_487 : memref<1x!tpu.dma_semaphore, #tpu.memory_space<semaphore_mem>> -> memref<!tpu.dma_semaphore, #tpu.memory_space<semaphore_mem>>
    %dma_wait3A_489 = arith.constant 0 : i32
    %dma_wait3A_490 = tpu.memref_slice %arg4[%add3A_478, %dma_wait3A_489] : memref<32768x1024xf32, #tpu.memory_space<hbm>> -> memref<8x1024xf32, #tpu.memory_space<hbm>>
    %dma_wait3A_491 = arith.constant 0 : i32
    %dma_wait3A_492 = arith.constant 0 : i32
    %dma_wait3A_493 = tpu.memref_slice %arg6[%dma_wait3A_479, %dma_wait3A_491, %dma_wait3A_492] : memref<8x8x1024xf32, #tpu.memory_space<vmem>> -> memref<1x8x1024xf32, #tpu.memory_space<vmem>>
    %dma_wait3A_494 = tpu.memref_squeeze %dma_wait3A_493 : memref<1x8x1024xf32, #tpu.memory_space<vmem>> -> memref<8x1024xf32, #tpu.memory_space<vmem>>
    tpu.wait_dma2 semaphore(%dma_wait3A_488 : memref<!tpu.dma_semaphore, #tpu.memory_space<semaphore_mem>>) src(%dma_wait3A_494 : memref<8x1024xf32, #tpu.memory_space<vmem>>) dst(%dma_wait3A_490 : memref<8x1024xf32, #tpu.memory_space<hbm>>)
    %dma_start3A_495 = arith.constant 5 : i32
    %dma_start3A_496 = arith.constant 5 : i32
    %dma_start3A_497 = arith.constant 0 : i32
    %dma_start3A_498 = arith.constant 0 : i32
    %dma_start3A_499 = tpu.memref_slice %arg6[%dma_start3A_495, %dma_start3A_497, %dma_start3A_498] : memref<8x8x1024xf32, #tpu.memory_space<vmem>> -> memref<1x8x1024xf32, #tpu.memory_space<vmem>>
    %dma_start3A_500 = tpu.memref_squeeze %dma_start3A_499 : memref<1x8x1024xf32, #tpu.memory_space<vmem>> -> memref<8x1024xf32, #tpu.memory_space<vmem>>
    %dma_start3A_501 = arith.constant 104 : i32
    %dma_start3A_502 = tpu.memref_slice %arg5[%dma_start3A_501] : memref<1024xi32, #tpu.memory_space<vmem>> -> memref<8xi32, #tpu.memory_space<vmem>>
    %dma_start3A_503 = arith.constant 0 : i32
    %dma_start3A_504 = arith.constant 0 : i32
    %dma_start3A_505 = tpu.memref_slice %arg2[%dma_start3A_503, %dma_start3A_504] : memref<8192x1024xf32, #tpu.memory_space<hbm>> -> memref<8192x1024xf32, #tpu.memory_space<hbm>>
    %dma_start3A_506 = tpu.memref_slice %arg7[%dma_start3A_496] : memref<8x!tpu.dma_semaphore, #tpu.memory_space<semaphore_mem>> -> memref<1x!tpu.dma_semaphore, #tpu.memory_space<semaphore_mem>>
    %dma_start3A_507 = tpu.memref_squeeze %dma_start3A_506 : memref<1x!tpu.dma_semaphore, #tpu.memory_space<semaphore_mem>> -> memref<!tpu.dma_semaphore, #tpu.memory_space<semaphore_mem>>
    tpu.enqueue_indirect_dma source(%dma_start3A_505 : memref<8192x1024xf32, #tpu.memory_space<hbm>>) target(%dma_start3A_500 : memref<8x1024xf32, #tpu.memory_space<vmem>>) offsets(%dma_start3A_502 : memref<8xi32, #tpu.memory_space<vmem>>) semaphore(%dma_start3A_507 : memref<!tpu.dma_semaphore, #tpu.memory_space<semaphore_mem>>)
    %dma_wait3A_508 = arith.constant 7 : i32
    %dma_wait3A_509 = arith.constant 7 : i32
    %dma_wait3A_510 = arith.constant 0 : i32
    %dma_wait3A_511 = arith.constant 0 : i32
    %dma_wait3A_512 = tpu.memref_slice %arg6[%dma_wait3A_508, %dma_wait3A_510, %dma_wait3A_511] : memref<8x8x1024xf32, #tpu.memory_space<vmem>> -> memref<1x8x1024xf32, #tpu.memory_space<vmem>>
    %dma_wait3A_513 = tpu.memref_squeeze %dma_wait3A_512 : memref<1x8x1024xf32, #tpu.memory_space<vmem>> -> memref<8x1024xf32, #tpu.memory_space<vmem>>
    %dma_wait3A_514 = arith.constant 56 : i32
    %dma_wait3A_515 = tpu.memref_slice %arg5[%dma_wait3A_514] : memref<1024xi32, #tpu.memory_space<vmem>> -> memref<8xi32, #tpu.memory_space<vmem>>
    %dma_wait3A_516 = arith.constant 0 : i32
    %dma_wait3A_517 = arith.constant 0 : i32
    %dma_wait3A_518 = tpu.memref_slice %arg2[%dma_wait3A_516, %dma_wait3A_517] : memref<8192x1024xf32, #tpu.memory_space<hbm>> -> memref<8192x1024xf32, #tpu.memory_space<hbm>>
    %dma_wait3A_519 = tpu.memref_slice %arg7[%dma_wait3A_509] : memref<8x!tpu.dma_semaphore, #tpu.memory_space<semaphore_mem>> -> memref<1x!tpu.dma_semaphore, #tpu.memory_space<semaphore_mem>>
    %dma_wait3A_520 = tpu.memref_squeeze %dma_wait3A_519 : memref<1x!tpu.dma_semaphore, #tpu.memory_space<semaphore_mem>> -> memref<!tpu.dma_semaphore, #tpu.memory_space<semaphore_mem>>
    tpu.wait_indirect_dma semaphore(%dma_wait3A_520 : memref<!tpu.dma_semaphore, #tpu.memory_space<semaphore_mem>>) src(%dma_wait3A_518 : memref<8192x1024xf32, #tpu.memory_space<hbm>>) dst(%dma_wait3A_513 : memref<8x1024xf32, #tpu.memory_space<vmem>>)
    %add3A_521 = arith.constant 56 : i32
    %add3A_522 = arith.addi %mul3A_2, %add3A_521 : i32
    %dma_start3A_523 = arith.constant 7 : i32
    %dma_start3A_524 = arith.constant 7 : i32
    %dma_start3A_525 = arith.constant 0 : i32
    %dma_start3A_526 = arith.constant 0 : i32
    %dma_start3A_527 = tpu.memref_slice %arg6[%dma_start3A_523, %dma_start3A_525, %dma_start3A_526] : memref<8x8x1024xf32, #tpu.memory_space<vmem>> -> memref<1x8x1024xf32, #tpu.memory_space<vmem>>
    %dma_start3A_528 = tpu.memref_squeeze %dma_start3A_527 : memref<1x8x1024xf32, #tpu.memory_space<vmem>> -> memref<8x1024xf32, #tpu.memory_space<vmem>>
    %dma_start3A_529 = arith.constant 0 : i32
    %dma_start3A_530 = tpu.memref_slice %arg4[%add3A_522, %dma_start3A_529] : memref<32768x1024xf32, #tpu.memory_space<hbm>> -> memref<8x1024xf32, #tpu.memory_space<hbm>>
    %dma_start3A_531 = tpu.memref_slice %arg8[%dma_start3A_524] : memref<8x!tpu.dma_semaphore, #tpu.memory_space<semaphore_mem>> -> memref<1x!tpu.dma_semaphore, #tpu.memory_space<semaphore_mem>>
    %dma_start3A_532 = tpu.memref_squeeze %dma_start3A_531 : memref<1x!tpu.dma_semaphore, #tpu.memory_space<semaphore_mem>> -> memref<!tpu.dma_semaphore, #tpu.memory_space<semaphore_mem>>
    %dma_start3A_533 = arith.constant 0 : i32
    %dma_start3A_534 = tpu.memref_slice %arg4[%add3A_522, %dma_start3A_533] : memref<32768x1024xf32, #tpu.memory_space<hbm>> -> memref<8x1024xf32, #tpu.memory_space<hbm>>
    %dma_start3A_535 = arith.constant 0 : i32
    %dma_start3A_536 = arith.constant 0 : i32
    %dma_start3A_537 = tpu.memref_slice %arg6[%dma_start3A_523, %dma_start3A_535, %dma_start3A_536] : memref<8x8x1024xf32, #tpu.memory_space<vmem>> -> memref<1x8x1024xf32, #tpu.memory_space<vmem>>
    %dma_start3A_538 = tpu.memref_squeeze %dma_start3A_537 : memref<1x8x1024xf32, #tpu.memory_space<vmem>> -> memref<8x1024xf32, #tpu.memory_space<vmem>>
    tpu.enqueue_dma source(%dma_start3A_538 : memref<8x1024xf32, #tpu.memory_space<vmem>>) target(%dma_start3A_534 : memref<8x1024xf32, #tpu.memory_space<hbm>>) target_semaphore(%dma_start3A_532 : memref<!tpu.dma_semaphore, #tpu.memory_space<semaphore_mem>>)
    %add3A_539 = arith.constant 48 : i32
    %add3A_540 = arith.addi %mul3A_2, %add3A_539 : i32
    %dma_wait3A_541 = arith.constant 6 : i32
    %dma_wait3A_542 = arith.constant 6 : i32
    %dma_wait3A_543 = arith.constant 0 : i32
    %dma_wait3A_544 = arith.constant 0 : i32
    %dma_wait3A_545 = tpu.memref_slice %arg6[%dma_wait3A_541, %dma_wait3A_543, %dma_wait3A_544] : memref<8x8x1024xf32, #tpu.memory_space<vmem>> -> memref<1x8x1024xf32, #tpu.memory_space<vmem>>
    %dma_wait3A_546 = tpu.memref_squeeze %dma_wait3A_545 : memref<1x8x1024xf32, #tpu.memory_space<vmem>> -> memref<8x1024xf32, #tpu.memory_space<vmem>>
    %dma_wait3A_547 = arith.constant 0 : i32
    %dma_wait3A_548 = tpu.memref_slice %arg4[%add3A_540, %dma_wait3A_547] : memref<32768x1024xf32, #tpu.memory_space<hbm>> -> memref<8x1024xf32, #tpu.memory_space<hbm>>
    %dma_wait3A_549 = tpu.memref_slice %arg8[%dma_wait3A_542] : memref<8x!tpu.dma_semaphore, #tpu.memory_space<semaphore_mem>> -> memref<1x!tpu.dma_semaphore, #tpu.memory_space<semaphore_mem>>
    %dma_wait3A_550 = tpu.memref_squeeze %dma_wait3A_549 : memref<1x!tpu.dma_semaphore, #tpu.memory_space<semaphore_mem>> -> memref<!tpu.dma_semaphore, #tpu.memory_space<semaphore_mem>>
    %dma_wait3A_551 = arith.constant 0 : i32
    %dma_wait3A_552 = tpu.memref_slice %arg4[%add3A_540, %dma_wait3A_551] : memref<32768x1024xf32, #tpu.memory_space<hbm>> -> memref<8x1024xf32, #tpu.memory_space<hbm>>
    %dma_wait3A_553 = arith.constant 0 : i32
    %dma_wait3A_554 = arith.constant 0 : i32
    %dma_wait3A_555 = tpu.memref_slice %arg6[%dma_wait3A_541, %dma_wait3A_553, %dma_wait3A_554] : memref<8x8x1024xf32, #tpu.memory_space<vmem>> -> memref<1x8x1024xf32, #tpu.memory_space<vmem>>
    %dma_wait3A_556 = tpu.memref_squeeze %dma_wait3A_555 : memref<1x8x1024xf32, #tpu.memory_space<vmem>> -> memref<8x1024xf32, #tpu.memory_space<vmem>>
    tpu.wait_dma2 semaphore(%dma_wait3A_550 : memref<!tpu.dma_semaphore, #tpu.memory_space<semaphore_mem>>) src(%dma_wait3A_556 : memref<8x1024xf32, #tpu.memory_space<vmem>>) dst(%dma_wait3A_552 : memref<8x1024xf32, #tpu.memory_space<hbm>>)
    %dma_start3A_557 = arith.constant 6 : i32
    %dma_start3A_558 = arith.constant 6 : i32
    %dma_start3A_559 = arith.constant 0 : i32
    %dma_start3A_560 = arith.constant 0 : i32
    %dma_start3A_561 = tpu.memref_slice %arg6[%dma_start3A_557, %dma_start3A_559, %dma_start3A_560] : memref<8x8x1024xf32, #tpu.memory_space<vmem>> -> memref<1x8x1024xf32, #tpu.memory_space<vmem>>
    %dma_start3A_562 = tpu.memref_squeeze %dma_start3A_561 : memref<1x8x1024xf32, #tpu.memory_space<vmem>> -> memref<8x1024xf32, #tpu.memory_space<vmem>>
    %dma_start3A_563 = arith.constant 112 : i32
    %dma_start3A_564 = tpu.memref_slice %arg5[%dma_start3A_563] : memref<1024xi32, #tpu.memory_space<vmem>> -> memref<8xi32, #tpu.memory_space<vmem>>
    %dma_start3A_565 = arith.constant 0 : i32
    %dma_start3A_566 = arith.constant 0 : i32
    %dma_start3A_567 = tpu.memref_slice %arg2[%dma_start3A_565, %dma_start3A_566] : memref<8192x1024xf32, #tpu.memory_space<hbm>> -> memref<8192x1024xf32, #tpu.memory_space<hbm>>
    %dma_start3A_568 = tpu.memref_slice %arg7[%dma_start3A_558] : memref<8x!tpu.dma_semaphore, #tpu.memory_space<semaphore_mem>> -> memref<1x!tpu.dma_semaphore, #tpu.memory_space<semaphore_mem>>
    %dma_start3A_569 = tpu.memref_squeeze %dma_start3A_568 : memref<1x!tpu.dma_semaphore, #tpu.memory_space<semaphore_mem>> -> memref<!tpu.dma_semaphore, #tpu.memory_space<semaphore_mem>>
    tpu.enqueue_indirect_dma source(%dma_start3A_567 : memref<8192x1024xf32, #tpu.memory_space<hbm>>) target(%dma_start3A_562 : memref<8x1024xf32, #tpu.memory_space<vmem>>) offsets(%dma_start3A_564 : memref<8xi32, #tpu.memory_space<vmem>>) semaphore(%dma_start3A_569 : memref<!tpu.dma_semaphore, #tpu.memory_space<semaphore_mem>>)
    %scan3A = arith.constant 0 : i32
    %scan3A_570 = arith.constant 0 : i32
    %scan3A_571 = arith.constant 14 : i32
    %scan3A_572 = arith.addi %scan3A_570, %scan3A_571 : i32
    %scan3A_573 = arith.constant 1 : i32
    %scan3A_574 = scf.for %scan3A_999 = %scan3A_570 to %scan3A_572 step %scan3A_573 iter_args(%scan3A_1000 = %scan3A) -> (i32)  : i32 {
      %add3A_1001 = arith.constant 1 : i32
      %add3A_1002 = arith.addi %scan3A_999, %add3A_1001 : i32
      %mul3A_1003 = arith.constant 8 : i32
      %mul3A_1004 = arith.muli %mul3A_1003, %add3A_1002 : i32
      %add3A_1005 = arith.constant 0 : i32
      %add3A_1006 = arith.addi %mul3A_1004, %add3A_1005 : i32
      %mul3A_1007 = arith.constant 8 : i32
      %mul3A_1008 = arith.muli %add3A_1006, %mul3A_1007 : i32
      %dma_wait3A_1009 = arith.constant 0 : i32
      %dma_wait3A_1010 = arith.constant 0 : i32
      %dma_wait3A_1011 = arith.constant 0 : i32
      %dma_wait3A_1012 = arith.constant 0 : i32
      %dma_wait3A_1013 = tpu.memref_slice %arg6[%dma_wait3A_1009, %dma_wait3A_1011, %dma_wait3A_1012] : memref<8x8x1024xf32, #tpu.memory_space<vmem>> -> memref<1x8x1024xf32, #tpu.memory_space<vmem>>
      %dma_wait3A_1014 = tpu.memref_squeeze %dma_wait3A_1013 : memref<1x8x1024xf32, #tpu.memory_space<vmem>> -> memref<8x1024xf32, #tpu.memory_space<vmem>>
      %dma_wait3A_1015 = tpu.memref_slice %arg5[%mul3A_1008] : memref<1024xi32, #tpu.memory_space<vmem>> -> memref<8xi32, #tpu.memory_space<vmem>>
      %dma_wait3A_1016 = arith.constant 0 : i32
      %dma_wait3A_1017 = arith.constant 0 : i32
      %dma_wait3A_1018 = tpu.memref_slice %arg2[%dma_wait3A_1016, %dma_wait3A_1017] : memref<8192x1024xf32, #tpu.memory_space<hbm>> -> memref<8192x1024xf32, #tpu.memory_space<hbm>>
      %dma_wait3A_1019 = tpu.memref_slice %arg7[%dma_wait3A_1010] : memref<8x!tpu.dma_semaphore, #tpu.memory_space<semaphore_mem>> -> memref<1x!tpu.dma_semaphore, #tpu.memory_space<semaphore_mem>>
      %dma_wait3A_1020 = tpu.memref_squeeze %dma_wait3A_1019 : memref<1x!tpu.dma_semaphore, #tpu.memory_space<semaphore_mem>> -> memref<!tpu.dma_semaphore, #tpu.memory_space<semaphore_mem>>
      tpu.wait_indirect_dma semaphore(%dma_wait3A_1020 : memref<!tpu.dma_semaphore, #tpu.memory_space<semaphore_mem>>) src(%dma_wait3A_1018 : memref<8192x1024xf32, #tpu.memory_space<hbm>>) dst(%dma_wait3A_1014 : memref<8x1024xf32, #tpu.memory_space<vmem>>)
      %mul3A_1021 = arith.constant 8 : i32
      %mul3A_1022 = arith.muli %add3A_1006, %mul3A_1021 : i32
      %add3A_1023 = arith.addi %mul3A_2, %mul3A_1022 : i32
      %dma_start3A_1024 = arith.constant 0 : i32
      %dma_start3A_1025 = arith.constant 0 : i32
      %dma_start3A_1026 = arith.constant 0 : i32
      %dma_start3A_1027 = arith.constant 0 : i32
      %dma_start3A_1028 = tpu.memref_slice %arg6[%dma_start3A_1024, %dma_start3A_1026, %dma_start3A_1027] : memref<8x8x1024xf32, #tpu.memory_space<vmem>> -> memref<1x8x1024xf32, #tpu.memory_space<vmem>>
      %dma_start3A_1029 = tpu.memref_squeeze %dma_start3A_1028 : memref<1x8x1024xf32, #tpu.memory_space<vmem>> -> memref<8x1024xf32, #tpu.memory_space<vmem>>
      %dma_start3A_1030 = arith.constant 0 : i32
      %dma_start3A_1031 = tpu.memref_slice %arg4[%add3A_1023, %dma_start3A_1030] : memref<32768x1024xf32, #tpu.memory_space<hbm>> -> memref<8x1024xf32, #tpu.memory_space<hbm>>
      %dma_start3A_1032 = tpu.memref_slice %arg8[%dma_start3A_1025] : memref<8x!tpu.dma_semaphore, #tpu.memory_space<semaphore_mem>> -> memref<1x!tpu.dma_semaphore, #tpu.memory_space<semaphore_mem>>
      %dma_start3A_1033 = tpu.memref_squeeze %dma_start3A_1032 : memref<1x!tpu.dma_semaphore, #tpu.memory_space<semaphore_mem>> -> memref<!tpu.dma_semaphore, #tpu.memory_space<semaphore_mem>>
      %dma_start3A_1034 = arith.constant 0 : i32
      %dma_start3A_1035 = tpu.memref_slice %arg4[%add3A_1023, %dma_start3A_1034] : memref<32768x1024xf32, #tpu.memory_space<hbm>> -> memref<8x1024xf32, #tpu.memory_space<hbm>>
      %dma_start3A_1036 = arith.constant 0 : i32
      %dma_start3A_1037 = arith.constant 0 : i32
      %dma_start3A_1038 = tpu.memref_slice %arg6[%dma_start3A_1024, %dma_start3A_1036, %dma_start3A_1037] : memref<8x8x1024xf32, #tpu.memory_space<vmem>> -> memref<1x8x1024xf32, #tpu.memory_space<vmem>>
      %dma_start3A_1039 = tpu.memref_squeeze %dma_start3A_1038 : memref<1x8x1024xf32, #tpu.memory_space<vmem>> -> memref<8x1024xf32, #tpu.memory_space<vmem>>
      tpu.enqueue_dma source(%dma_start3A_1039 : memref<8x1024xf32, #tpu.memory_space<vmem>>) target(%dma_start3A_1035 : memref<8x1024xf32, #tpu.memory_space<hbm>>) target_semaphore(%dma_start3A_1033 : memref<!tpu.dma_semaphore, #tpu.memory_space<semaphore_mem>>)
      %sub3A = arith.constant 1 : i32
      %sub3A_1040 = arith.subi %add3A_1006, %sub3A : i32
      %sub3A_1041 = arith.constant 1 : i32
      %sub3A_1042 = arith.subi %add3A_1006, %sub3A_1041 : i32
      %jit3A = arith.constant 8 : i32
      %eq3A = arith.constant 0 : i32
      %eq3A_1043 = arith.cmpi eq, %jit3A, %eq3A : i32
      %jit3A_1044 = arith.constant 1 : i32
      %select_n3A = arith.select %eq3A_1043, %jit3A_1044, %jit3A : i32
      %rem3A = arith.remsi %sub3A_1042, %select_n3A : i32
      %ne3A = arith.constant 0 : i32
      %ne3A_1045 = arith.cmpi ne, %rem3A, %ne3A : i32
      %lt3A = arith.constant 0 : i32
      %lt3A_1046 = arith.cmpi slt, %rem3A, %lt3A : i32
      %lt3A_1047 = arith.constant 0 : i32
      %lt3A_1048 = arith.cmpi slt, %select_n3A, %lt3A_1047 : i32
      %ne3A_1049 = arith.xori %lt3A_1046, %lt3A_1048 : i1
      %and3A = arith.andi %ne3A_1049, %ne3A_1045 : i1
      %add3A_1050 = arith.addi %rem3A, %select_n3A : i32
      %select_n3A_1051 = arith.select %and3A, %add3A_1050, %rem3A : i32
      %mul3A_1052 = arith.constant 8 : i32
      %mul3A_1053 = arith.muli %sub3A_1040, %mul3A_1052 : i32
      %add3A_1054 = arith.addi %mul3A_2, %mul3A_1053 : i32
      %dma_wait3A_1055 = arith.constant 0 : i32
      %dma_wait3A_1056 = arith.constant 0 : i32
      %dma_wait3A_1057 = tpu.memref_slice %arg6[%select_n3A_1051, %dma_wait3A_1055, %dma_wait3A_1056] : memref<8x8x1024xf32, #tpu.memory_space<vmem>> -> memref<1x8x1024xf32, #tpu.memory_space<vmem>>
      %dma_wait3A_1058 = tpu.memref_squeeze %dma_wait3A_1057 : memref<1x8x1024xf32, #tpu.memory_space<vmem>> -> memref<8x1024xf32, #tpu.memory_space<vmem>>
      %dma_wait3A_1059 = arith.constant 0 : i32
      %dma_wait3A_1060 = tpu.memref_slice %arg4[%add3A_1054, %dma_wait3A_1059] : memref<32768x1024xf32, #tpu.memory_space<hbm>> -> memref<8x1024xf32, #tpu.memory_space<hbm>>
      %dma_wait3A_1061 = tpu.memref_slice %arg8[%select_n3A_1051] : memref<8x!tpu.dma_semaphore, #tpu.memory_space<semaphore_mem>> -> memref<1x!tpu.dma_semaphore, #tpu.memory_space<semaphore_mem>>
      %dma_wait3A_1062 = tpu.memref_squeeze %dma_wait3A_1061 : memref<1x!tpu.dma_semaphore, #tpu.memory_space<semaphore_mem>> -> memref<!tpu.dma_semaphore, #tpu.memory_space<semaphore_mem>>
      %dma_wait3A_1063 = arith.constant 0 : i32
      %dma_wait3A_1064 = tpu.memref_slice %arg4[%add3A_1054, %dma_wait3A_1063] : memref<32768x1024xf32, #tpu.memory_space<hbm>> -> memref<8x1024xf32, #tpu.memory_space<hbm>>
      %dma_wait3A_1065 = arith.constant 0 : i32
      %dma_wait3A_1066 = arith.constant 0 : i32
      %dma_wait3A_1067 = tpu.memref_slice %arg6[%select_n3A_1051, %dma_wait3A_1065, %dma_wait3A_1066] : memref<8x8x1024xf32, #tpu.memory_space<vmem>> -> memref<1x8x1024xf32, #tpu.memory_space<vmem>>
      %dma_wait3A_1068 = tpu.memref_squeeze %dma_wait3A_1067 : memref<1x8x1024xf32, #tpu.memory_space<vmem>> -> memref<8x1024xf32, #tpu.memory_space<vmem>>
      tpu.wait_dma2 semaphore(%dma_wait3A_1062 : memref<!tpu.dma_semaphore, #tpu.memory_space<semaphore_mem>>) src(%dma_wait3A_1068 : memref<8x1024xf32, #tpu.memory_space<vmem>>) dst(%dma_wait3A_1064 : memref<8x1024xf32, #tpu.memory_space<hbm>>)
      %add3A_1069 = arith.constant 7 : i32
      %add3A_1070 = arith.addi %add3A_1006, %add3A_1069 : i32
      %add3A_1071 = arith.constant 7 : i32
      %add3A_1072 = arith.addi %add3A_1006, %add3A_1071 : i32
      %jit3A_1073 = arith.constant 8 : i32
      %eq3A_1074 = arith.constant 0 : i32
      %eq3A_1075 = arith.cmpi eq, %jit3A_1073, %eq3A_1074 : i32
      %jit3A_1076 = arith.constant 1 : i32
      %select_n3A_1077 = arith.select %eq3A_1075, %jit3A_1076, %jit3A_1073 : i32
      %rem3A_1078 = arith.remsi %add3A_1072, %select_n3A_1077 : i32
      %ne3A_1079 = arith.constant 0 : i32
      %ne3A_1080 = arith.cmpi ne, %rem3A_1078, %ne3A_1079 : i32
      %lt3A_1081 = arith.constant 0 : i32
      %lt3A_1082 = arith.cmpi slt, %rem3A_1078, %lt3A_1081 : i32
      %lt3A_1083 = arith.constant 0 : i32
      %lt3A_1084 = arith.cmpi slt, %select_n3A_1077, %lt3A_1083 : i32
      %ne3A_1085 = arith.xori %lt3A_1082, %lt3A_1084 : i1
      %and3A_1086 = arith.andi %ne3A_1085, %ne3A_1080 : i1
      %add3A_1087 = arith.addi %rem3A_1078, %select_n3A_1077 : i32
      %select_n3A_1088 = arith.select %and3A_1086, %add3A_1087, %rem3A_1078 : i32
      %mul3A_1089 = arith.constant 8 : i32
      %mul3A_1090 = arith.muli %add3A_1070, %mul3A_1089 : i32
      %dma_start3A_1091 = arith.constant 0 : i32
      %dma_start3A_1092 = arith.constant 0 : i32
      %dma_start3A_1093 = tpu.memref_slice %arg6[%select_n3A_1088, %dma_start3A_1091, %dma_start3A_1092] : memref<8x8x1024xf32, #tpu.memory_space<vmem>> -> memref<1x8x1024xf32, #tpu.memory_space<vmem>>
      %dma_start3A_1094 = tpu.memref_squeeze %dma_start3A_1093 : memref<1x8x1024xf32, #tpu.memory_space<vmem>> -> memref<8x1024xf32, #tpu.memory_space<vmem>>
      %dma_start3A_1095 = tpu.memref_slice %arg5[%mul3A_1090] : memref<1024xi32, #tpu.memory_space<vmem>> -> memref<8xi32, #tpu.memory_space<vmem>>
      %dma_start3A_1096 = arith.constant 0 : i32
      %dma_start3A_1097 = arith.constant 0 : i32
      %dma_start3A_1098 = tpu.memref_slice %arg2[%dma_start3A_1096, %dma_start3A_1097] : memref<8192x1024xf32, #tpu.memory_space<hbm>> -> memref<8192x1024xf32, #tpu.memory_space<hbm>>
      %dma_start3A_1099 = tpu.memref_slice %arg7[%select_n3A_1088] : memref<8x!tpu.dma_semaphore, #tpu.memory_space<semaphore_mem>> -> memref<1x!tpu.dma_semaphore, #tpu.memory_space<semaphore_mem>>
      %dma_start3A_1100 = tpu.memref_squeeze %dma_start3A_1099 : memref<1x!tpu.dma_semaphore, #tpu.memory_space<semaphore_mem>> -> memref<!tpu.dma_semaphore, #tpu.memory_space<semaphore_mem>>
      tpu.enqueue_indirect_dma source(%dma_start3A_1098 : memref<8192x1024xf32, #tpu.memory_space<hbm>>) target(%dma_start3A_1094 : memref<8x1024xf32, #tpu.memory_space<vmem>>) offsets(%dma_start3A_1095 : memref<8xi32, #tpu.memory_space<vmem>>) semaphore(%dma_start3A_1100 : memref<!tpu.dma_semaphore, #tpu.memory_space<semaphore_mem>>)
      %add3A_1101 = arith.constant 1 : i32
      %add3A_1102 = arith.addi %scan3A_999, %add3A_1101 : i32
      %mul3A_1103 = arith.constant 8 : i32
      %mul3A_1104 = arith.muli %mul3A_1103, %add3A_1102 : i32
      %add3A_1105 = arith.constant 1 : i32
      %add3A_1106 = arith.addi %mul3A_1104, %add3A_1105 : i32
      %mul3A_1107 = arith.constant 8 : i32
      %mul3A_1108 = arith.muli %add3A_1106, %mul3A_1107 : i32
      %dma_wait3A_1109 = arith.constant 1 : i32
      %dma_wait3A_1110 = arith.constant 1 : i32
      %dma_wait3A_1111 = arith.constant 0 : i32
      %dma_wait3A_1112 = arith.constant 0 : i32
      %dma_wait3A_1113 = tpu.memref_slice %arg6[%dma_wait3A_1109, %dma_wait3A_1111, %dma_wait3A_1112] : memref<8x8x1024xf32, #tpu.memory_space<vmem>> -> memref<1x8x1024xf32, #tpu.memory_space<vmem>>
      %dma_wait3A_1114 = tpu.memref_squeeze %dma_wait3A_1113 : memref<1x8x1024xf32, #tpu.memory_space<vmem>> -> memref<8x1024xf32, #tpu.memory_space<vmem>>
      %dma_wait3A_1115 = tpu.memref_slice %arg5[%mul3A_1108] : memref<1024xi32, #tpu.memory_space<vmem>> -> memref<8xi32, #tpu.memory_space<vmem>>
      %dma_wait3A_1116 = arith.constant 0 : i32
      %dma_wait3A_1117 = arith.constant 0 : i32
      %dma_wait3A_1118 = tpu.memref_slice %arg2[%dma_wait3A_1116, %dma_wait3A_1117] : memref<8192x1024xf32, #tpu.memory_space<hbm>> -> memref<8192x1024xf32, #tpu.memory_space<hbm>>
      %dma_wait3A_1119 = tpu.memref_slice %arg7[%dma_wait3A_1110] : memref<8x!tpu.dma_semaphore, #tpu.memory_space<semaphore_mem>> -> memref<1x!tpu.dma_semaphore, #tpu.memory_space<semaphore_mem>>
      %dma_wait3A_1120 = tpu.memref_squeeze %dma_wait3A_1119 : memref<1x!tpu.dma_semaphore, #tpu.memory_space<semaphore_mem>> -> memref<!tpu.dma_semaphore, #tpu.memory_space<semaphore_mem>>
      tpu.wait_indirect_dma semaphore(%dma_wait3A_1120 : memref<!tpu.dma_semaphore, #tpu.memory_space<semaphore_mem>>) src(%dma_wait3A_1118 : memref<8192x1024xf32, #tpu.memory_space<hbm>>) dst(%dma_wait3A_1114 : memref<8x1024xf32, #tpu.memory_space<vmem>>)
      %mul3A_1121 = arith.constant 8 : i32
      %mul3A_1122 = arith.muli %add3A_1106, %mul3A_1121 : i32
      %add3A_1123 = arith.addi %mul3A_2, %mul3A_1122 : i32
      %dma_start3A_1124 = arith.constant 1 : i32
      %dma_start3A_1125 = arith.constant 1 : i32
      %dma_start3A_1126 = arith.constant 0 : i32
      %dma_start3A_1127 = arith.constant 0 : i32
      %dma_start3A_1128 = tpu.memref_slice %arg6[%dma_start3A_1124, %dma_start3A_1126, %dma_start3A_1127] : memref<8x8x1024xf32, #tpu.memory_space<vmem>> -> memref<1x8x1024xf32, #tpu.memory_space<vmem>>
      %dma_start3A_1129 = tpu.memref_squeeze %dma_start3A_1128 : memref<1x8x1024xf32, #tpu.memory_space<vmem>> -> memref<8x1024xf32, #tpu.memory_space<vmem>>
      %dma_start3A_1130 = arith.constant 0 : i32
      %dma_start3A_1131 = tpu.memref_slice %arg4[%add3A_1123, %dma_start3A_1130] : memref<32768x1024xf32, #tpu.memory_space<hbm>> -> memref<8x1024xf32, #tpu.memory_space<hbm>>
      %dma_start3A_1132 = tpu.memref_slice %arg8[%dma_start3A_1125] : memref<8x!tpu.dma_semaphore, #tpu.memory_space<semaphore_mem>> -> memref<1x!tpu.dma_semaphore, #tpu.memory_space<semaphore_mem>>
      %dma_start3A_1133 = tpu.memref_squeeze %dma_start3A_1132 : memref<1x!tpu.dma_semaphore, #tpu.memory_space<semaphore_mem>> -> memref<!tpu.dma_semaphore, #tpu.memory_space<semaphore_mem>>
      %dma_start3A_1134 = arith.constant 0 : i32
      %dma_start3A_1135 = tpu.memref_slice %arg4[%add3A_1123, %dma_start3A_1134] : memref<32768x1024xf32, #tpu.memory_space<hbm>> -> memref<8x1024xf32, #tpu.memory_space<hbm>>
      %dma_start3A_1136 = arith.constant 0 : i32
      %dma_start3A_1137 = arith.constant 0 : i32
      %dma_start3A_1138 = tpu.memref_slice %arg6[%dma_start3A_1124, %dma_start3A_1136, %dma_start3A_1137] : memref<8x8x1024xf32, #tpu.memory_space<vmem>> -> memref<1x8x1024xf32, #tpu.memory_space<vmem>>
      %dma_start3A_1139 = tpu.memref_squeeze %dma_start3A_1138 : memref<1x8x1024xf32, #tpu.memory_space<vmem>> -> memref<8x1024xf32, #tpu.memory_space<vmem>>
      tpu.enqueue_dma source(%dma_start3A_1139 : memref<8x1024xf32, #tpu.memory_space<vmem>>) target(%dma_start3A_1135 : memref<8x1024xf32, #tpu.memory_space<hbm>>) target_semaphore(%dma_start3A_1133 : memref<!tpu.dma_semaphore, #tpu.memory_space<semaphore_mem>>)
      %sub3A_1140 = arith.constant 1 : i32
      %sub3A_1141 = arith.subi %add3A_1106, %sub3A_1140 : i32
      %sub3A_1142 = arith.constant 1 : i32
      %sub3A_1143 = arith.subi %add3A_1106, %sub3A_1142 : i32
      %jit3A_1144 = arith.constant 8 : i32
      %eq3A_1145 = arith.constant 0 : i32
      %eq3A_1146 = arith.cmpi eq, %jit3A_1144, %eq3A_1145 : i32
      %jit3A_1147 = arith.constant 1 : i32
      %select_n3A_1148 = arith.select %eq3A_1146, %jit3A_1147, %jit3A_1144 : i32
      %rem3A_1149 = arith.remsi %sub3A_1143, %select_n3A_1148 : i32
      %ne3A_1150 = arith.constant 0 : i32
      %ne3A_1151 = arith.cmpi ne, %rem3A_1149, %ne3A_1150 : i32
      %lt3A_1152 = arith.constant 0 : i32
      %lt3A_1153 = arith.cmpi slt, %rem3A_1149, %lt3A_1152 : i32
      %lt3A_1154 = arith.constant 0 : i32
      %lt3A_1155 = arith.cmpi slt, %select_n3A_1148, %lt3A_1154 : i32
      %ne3A_1156 = arith.xori %lt3A_1153, %lt3A_1155 : i1
      %and3A_1157 = arith.andi %ne3A_1156, %ne3A_1151 : i1
      %add3A_1158 = arith.addi %rem3A_1149, %select_n3A_1148 : i32
      %select_n3A_1159 = arith.select %and3A_1157, %add3A_1158, %rem3A_1149 : i32
      %mul3A_1160 = arith.constant 8 : i32
      %mul3A_1161 = arith.muli %sub3A_1141, %mul3A_1160 : i32
      %add3A_1162 = arith.addi %mul3A_2, %mul3A_1161 : i32
      %dma_wait3A_1163 = arith.constant 0 : i32
      %dma_wait3A_1164 = arith.constant 0 : i32
      %dma_wait3A_1165 = tpu.memref_slice %arg6[%select_n3A_1159, %dma_wait3A_1163, %dma_wait3A_1164] : memref<8x8x1024xf32, #tpu.memory_space<vmem>> -> memref<1x8x1024xf32, #tpu.memory_space<vmem>>
      %dma_wait3A_1166 = tpu.memref_squeeze %dma_wait3A_1165 : memref<1x8x1024xf32, #tpu.memory_space<vmem>> -> memref<8x1024xf32, #tpu.memory_space<vmem>>
      %dma_wait3A_1167 = arith.constant 0 : i32
      %dma_wait3A_1168 = tpu.memref_slice %arg4[%add3A_1162, %dma_wait3A_1167] : memref<32768x1024xf32, #tpu.memory_space<hbm>> -> memref<8x1024xf32, #tpu.memory_space<hbm>>
      %dma_wait3A_1169 = tpu.memref_slice %arg8[%select_n3A_1159] : memref<8x!tpu.dma_semaphore, #tpu.memory_space<semaphore_mem>> -> memref<1x!tpu.dma_semaphore, #tpu.memory_space<semaphore_mem>>
      %dma_wait3A_1170 = tpu.memref_squeeze %dma_wait3A_1169 : memref<1x!tpu.dma_semaphore, #tpu.memory_space<semaphore_mem>> -> memref<!tpu.dma_semaphore, #tpu.memory_space<semaphore_mem>>
      %dma_wait3A_1171 = arith.constant 0 : i32
      %dma_wait3A_1172 = tpu.memref_slice %arg4[%add3A_1162, %dma_wait3A_1171] : memref<32768x1024xf32, #tpu.memory_space<hbm>> -> memref<8x1024xf32, #tpu.memory_space<hbm>>
      %dma_wait3A_1173 = arith.constant 0 : i32
      %dma_wait3A_1174 = arith.constant 0 : i32
      %dma_wait3A_1175 = tpu.memref_slice %arg6[%select_n3A_1159, %dma_wait3A_1173, %dma_wait3A_1174] : memref<8x8x1024xf32, #tpu.memory_space<vmem>> -> memref<1x8x1024xf32, #tpu.memory_space<vmem>>
      %dma_wait3A_1176 = tpu.memref_squeeze %dma_wait3A_1175 : memref<1x8x1024xf32, #tpu.memory_space<vmem>> -> memref<8x1024xf32, #tpu.memory_space<vmem>>
      tpu.wait_dma2 semaphore(%dma_wait3A_1170 : memref<!tpu.dma_semaphore, #tpu.memory_space<semaphore_mem>>) src(%dma_wait3A_1176 : memref<8x1024xf32, #tpu.memory_space<vmem>>) dst(%dma_wait3A_1172 : memref<8x1024xf32, #tpu.memory_space<hbm>>)
      %add3A_1177 = arith.constant 7 : i32
      %add3A_1178 = arith.addi %add3A_1106, %add3A_1177 : i32
      %add3A_1179 = arith.constant 7 : i32
      %add3A_1180 = arith.addi %add3A_1106, %add3A_1179 : i32
      %jit3A_1181 = arith.constant 8 : i32
      %eq3A_1182 = arith.constant 0 : i32
      %eq3A_1183 = arith.cmpi eq, %jit3A_1181, %eq3A_1182 : i32
      %jit3A_1184 = arith.constant 1 : i32
      %select_n3A_1185 = arith.select %eq3A_1183, %jit3A_1184, %jit3A_1181 : i32
      %rem3A_1186 = arith.remsi %add3A_1180, %select_n3A_1185 : i32
      %ne3A_1187 = arith.constant 0 : i32
      %ne3A_1188 = arith.cmpi ne, %rem3A_1186, %ne3A_1187 : i32
      %lt3A_1189 = arith.constant 0 : i32
      %lt3A_1190 = arith.cmpi slt, %rem3A_1186, %lt3A_1189 : i32
      %lt3A_1191 = arith.constant 0 : i32
      %lt3A_1192 = arith.cmpi slt, %select_n3A_1185, %lt3A_1191 : i32
      %ne3A_1193 = arith.xori %lt3A_1190, %lt3A_1192 : i1
      %and3A_1194 = arith.andi %ne3A_1193, %ne3A_1188 : i1
      %add3A_1195 = arith.addi %rem3A_1186, %select_n3A_1185 : i32
      %select_n3A_1196 = arith.select %and3A_1194, %add3A_1195, %rem3A_1186 : i32
      %mul3A_1197 = arith.constant 8 : i32
      %mul3A_1198 = arith.muli %add3A_1178, %mul3A_1197 : i32
      %dma_start3A_1199 = arith.constant 0 : i32
      %dma_start3A_1200 = arith.constant 0 : i32
      %dma_start3A_1201 = tpu.memref_slice %arg6[%select_n3A_1196, %dma_start3A_1199, %dma_start3A_1200] : memref<8x8x1024xf32, #tpu.memory_space<vmem>> -> memref<1x8x1024xf32, #tpu.memory_space<vmem>>
      %dma_start3A_1202 = tpu.memref_squeeze %dma_start3A_1201 : memref<1x8x1024xf32, #tpu.memory_space<vmem>> -> memref<8x1024xf32, #tpu.memory_space<vmem>>
      %dma_start3A_1203 = tpu.memref_slice %arg5[%mul3A_1198] : memref<1024xi32, #tpu.memory_space<vmem>> -> memref<8xi32, #tpu.memory_space<vmem>>
      %dma_start3A_1204 = arith.constant 0 : i32
      %dma_start3A_1205 = arith.constant 0 : i32
      %dma_start3A_1206 = tpu.memref_slice %arg2[%dma_start3A_1204, %dma_start3A_1205] : memref<8192x1024xf32, #tpu.memory_space<hbm>> -> memref<8192x1024xf32, #tpu.memory_space<hbm>>
      %dma_start3A_1207 = tpu.memref_slice %arg7[%select_n3A_1196] : memref<8x!tpu.dma_semaphore, #tpu.memory_space<semaphore_mem>> -> memref<1x!tpu.dma_semaphore, #tpu.memory_space<semaphore_mem>>
      %dma_start3A_1208 = tpu.memref_squeeze %dma_start3A_1207 : memref<1x!tpu.dma_semaphore, #tpu.memory_space<semaphore_mem>> -> memref<!tpu.dma_semaphore, #tpu.memory_space<semaphore_mem>>
      tpu.enqueue_indirect_dma source(%dma_start3A_1206 : memref<8192x1024xf32, #tpu.memory_space<hbm>>) target(%dma_start3A_1202 : memref<8x1024xf32, #tpu.memory_space<vmem>>) offsets(%dma_start3A_1203 : memref<8xi32, #tpu.memory_space<vmem>>) semaphore(%dma_start3A_1208 : memref<!tpu.dma_semaphore, #tpu.memory_space<semaphore_mem>>)
      %add3A_1209 = arith.constant 1 : i32
      %add3A_1210 = arith.addi %scan3A_999, %add3A_1209 : i32
      %mul3A_1211 = arith.constant 8 : i32
      %mul3A_1212 = arith.muli %mul3A_1211, %add3A_1210 : i32
      %add3A_1213 = arith.constant 2 : i32
      %add3A_1214 = arith.addi %mul3A_1212, %add3A_1213 : i32
      %mul3A_1215 = arith.constant 8 : i32
      %mul3A_1216 = arith.muli %add3A_1214, %mul3A_1215 : i32
      %dma_wait3A_1217 = arith.constant 2 : i32
      %dma_wait3A_1218 = arith.constant 2 : i32
      %dma_wait3A_1219 = arith.constant 0 : i32
      %dma_wait3A_1220 = arith.constant 0 : i32
      %dma_wait3A_1221 = tpu.memref_slice %arg6[%dma_wait3A_1217, %dma_wait3A_1219, %dma_wait3A_1220] : memref<8x8x1024xf32, #tpu.memory_space<vmem>> -> memref<1x8x1024xf32, #tpu.memory_space<vmem>>
      %dma_wait3A_1222 = tpu.memref_squeeze %dma_wait3A_1221 : memref<1x8x1024xf32, #tpu.memory_space<vmem>> -> memref<8x1024xf32, #tpu.memory_space<vmem>>
      %dma_wait3A_1223 = tpu.memref_slice %arg5[%mul3A_1216] : memref<1024xi32, #tpu.memory_space<vmem>> -> memref<8xi32, #tpu.memory_space<vmem>>
      %dma_wait3A_1224 = arith.constant 0 : i32
      %dma_wait3A_1225 = arith.constant 0 : i32
      %dma_wait3A_1226 = tpu.memref_slice %arg2[%dma_wait3A_1224, %dma_wait3A_1225] : memref<8192x1024xf32, #tpu.memory_space<hbm>> -> memref<8192x1024xf32, #tpu.memory_space<hbm>>
      %dma_wait3A_1227 = tpu.memref_slice %arg7[%dma_wait3A_1218] : memref<8x!tpu.dma_semaphore, #tpu.memory_space<semaphore_mem>> -> memref<1x!tpu.dma_semaphore, #tpu.memory_space<semaphore_mem>>
      %dma_wait3A_1228 = tpu.memref_squeeze %dma_wait3A_1227 : memref<1x!tpu.dma_semaphore, #tpu.memory_space<semaphore_mem>> -> memref<!tpu.dma_semaphore, #tpu.memory_space<semaphore_mem>>
      tpu.wait_indirect_dma semaphore(%dma_wait3A_1228 : memref<!tpu.dma_semaphore, #tpu.memory_space<semaphore_mem>>) src(%dma_wait3A_1226 : memref<8192x1024xf32, #tpu.memory_space<hbm>>) dst(%dma_wait3A_1222 : memref<8x1024xf32, #tpu.memory_space<vmem>>)
      %mul3A_1229 = arith.constant 8 : i32
      %mul3A_1230 = arith.muli %add3A_1214, %mul3A_1229 : i32
      %add3A_1231 = arith.addi %mul3A_2, %mul3A_1230 : i32
      %dma_start3A_1232 = arith.constant 2 : i32
      %dma_start3A_1233 = arith.constant 2 : i32
      %dma_start3A_1234 = arith.constant 0 : i32
      %dma_start3A_1235 = arith.constant 0 : i32
      %dma_start3A_1236 = tpu.memref_slice %arg6[%dma_start3A_1232, %dma_start3A_1234, %dma_start3A_1235] : memref<8x8x1024xf32, #tpu.memory_space<vmem>> -> memref<1x8x1024xf32, #tpu.memory_space<vmem>>
      %dma_start3A_1237 = tpu.memref_squeeze %dma_start3A_1236 : memref<1x8x1024xf32, #tpu.memory_space<vmem>> -> memref<8x1024xf32, #tpu.memory_space<vmem>>
      %dma_start3A_1238 = arith.constant 0 : i32
      %dma_start3A_1239 = tpu.memref_slice %arg4[%add3A_1231, %dma_start3A_1238] : memref<32768x1024xf32, #tpu.memory_space<hbm>> -> memref<8x1024xf32, #tpu.memory_space<hbm>>
      %dma_start3A_1240 = tpu.memref_slice %arg8[%dma_start3A_1233] : memref<8x!tpu.dma_semaphore, #tpu.memory_space<semaphore_mem>> -> memref<1x!tpu.dma_semaphore, #tpu.memory_space<semaphore_mem>>
      %dma_start3A_1241 = tpu.memref_squeeze %dma_start3A_1240 : memref<1x!tpu.dma_semaphore, #tpu.memory_space<semaphore_mem>> -> memref<!tpu.dma_semaphore, #tpu.memory_space<semaphore_mem>>
      %dma_start3A_1242 = arith.constant 0 : i32
      %dma_start3A_1243 = tpu.memref_slice %arg4[%add3A_1231, %dma_start3A_1242] : memref<32768x1024xf32, #tpu.memory_space<hbm>> -> memref<8x1024xf32, #tpu.memory_space<hbm>>
      %dma_start3A_1244 = arith.constant 0 : i32
      %dma_start3A_1245 = arith.constant 0 : i32
      %dma_start3A_1246 = tpu.memref_slice %arg6[%dma_start3A_1232, %dma_start3A_1244, %dma_start3A_1245] : memref<8x8x1024xf32, #tpu.memory_space<vmem>> -> memref<1x8x1024xf32, #tpu.memory_space<vmem>>
      %dma_start3A_1247 = tpu.memref_squeeze %dma_start3A_1246 : memref<1x8x1024xf32, #tpu.memory_space<vmem>> -> memref<8x1024xf32, #tpu.memory_space<vmem>>
      tpu.enqueue_dma source(%dma_start3A_1247 : memref<8x1024xf32, #tpu.memory_space<vmem>>) target(%dma_start3A_1243 : memref<8x1024xf32, #tpu.memory_space<hbm>>) target_semaphore(%dma_start3A_1241 : memref<!tpu.dma_semaphore, #tpu.memory_space<semaphore_mem>>)
      %sub3A_1248 = arith.constant 1 : i32
      %sub3A_1249 = arith.subi %add3A_1214, %sub3A_1248 : i32
      %sub3A_1250 = arith.constant 1 : i32
      %sub3A_1251 = arith.subi %add3A_1214, %sub3A_1250 : i32
      %jit3A_1252 = arith.constant 8 : i32
      %eq3A_1253 = arith.constant 0 : i32
      %eq3A_1254 = arith.cmpi eq, %jit3A_1252, %eq3A_1253 : i32
      %jit3A_1255 = arith.constant 1 : i32
      %select_n3A_1256 = arith.select %eq3A_1254, %jit3A_1255, %jit3A_1252 : i32
      %rem3A_1257 = arith.remsi %sub3A_1251, %select_n3A_1256 : i32
      %ne3A_1258 = arith.constant 0 : i32
      %ne3A_1259 = arith.cmpi ne, %rem3A_1257, %ne3A_1258 : i32
      %lt3A_1260 = arith.constant 0 : i32
      %lt3A_1261 = arith.cmpi slt, %rem3A_1257, %lt3A_1260 : i32
      %lt3A_1262 = arith.constant 0 : i32
      %lt3A_1263 = arith.cmpi slt, %select_n3A_1256, %lt3A_1262 : i32
      %ne3A_1264 = arith.xori %lt3A_1261, %lt3A_1263 : i1
      %and3A_1265 = arith.andi %ne3A_1264, %ne3A_1259 : i1
      %add3A_1266 = arith.addi %rem3A_1257, %select_n3A_1256 : i32
      %select_n3A_1267 = arith.select %and3A_1265, %add3A_1266, %rem3A_1257 : i32
      %mul3A_1268 = arith.constant 8 : i32
      %mul3A_1269 = arith.muli %sub3A_1249, %mul3A_1268 : i32
      %add3A_1270 = arith.addi %mul3A_2, %mul3A_1269 : i32
      %dma_wait3A_1271 = arith.constant 0 : i32
      %dma_wait3A_1272 = arith.constant 0 : i32
      %dma_wait3A_1273 = tpu.memref_slice %arg6[%select_n3A_1267, %dma_wait3A_1271, %dma_wait3A_1272] : memref<8x8x1024xf32, #tpu.memory_space<vmem>> -> memref<1x8x1024xf32, #tpu.memory_space<vmem>>
      %dma_wait3A_1274 = tpu.memref_squeeze %dma_wait3A_1273 : memref<1x8x1024xf32, #tpu.memory_space<vmem>> -> memref<8x1024xf32, #tpu.memory_space<vmem>>
      %dma_wait3A_1275 = arith.constant 0 : i32
      %dma_wait3A_1276 = tpu.memref_slice %arg4[%add3A_1270, %dma_wait3A_1275] : memref<32768x1024xf32, #tpu.memory_space<hbm>> -> memref<8x1024xf32, #tpu.memory_space<hbm>>
      %dma_wait3A_1277 = tpu.memref_slice %arg8[%select_n3A_1267] : memref<8x!tpu.dma_semaphore, #tpu.memory_space<semaphore_mem>> -> memref<1x!tpu.dma_semaphore, #tpu.memory_space<semaphore_mem>>
      %dma_wait3A_1278 = tpu.memref_squeeze %dma_wait3A_1277 : memref<1x!tpu.dma_semaphore, #tpu.memory_space<semaphore_mem>> -> memref<!tpu.dma_semaphore, #tpu.memory_space<semaphore_mem>>
      %dma_wait3A_1279 = arith.constant 0 : i32
      %dma_wait3A_1280 = tpu.memref_slice %arg4[%add3A_1270, %dma_wait3A_1279] : memref<32768x1024xf32, #tpu.memory_space<hbm>> -> memref<8x1024xf32, #tpu.memory_space<hbm>>
      %dma_wait3A_1281 = arith.constant 0 : i32
      %dma_wait3A_1282 = arith.constant 0 : i32
      %dma_wait3A_1283 = tpu.memref_slice %arg6[%select_n3A_1267, %dma_wait3A_1281, %dma_wait3A_1282] : memref<8x8x1024xf32, #tpu.memory_space<vmem>> -> memref<1x8x1024xf32, #tpu.memory_space<vmem>>
      %dma_wait3A_1284 = tpu.memref_squeeze %dma_wait3A_1283 : memref<1x8x1024xf32, #tpu.memory_space<vmem>> -> memref<8x1024xf32, #tpu.memory_space<vmem>>
      tpu.wait_dma2 semaphore(%dma_wait3A_1278 : memref<!tpu.dma_semaphore, #tpu.memory_space<semaphore_mem>>) src(%dma_wait3A_1284 : memref<8x1024xf32, #tpu.memory_space<vmem>>) dst(%dma_wait3A_1280 : memref<8x1024xf32, #tpu.memory_space<hbm>>)
      %add3A_1285 = arith.constant 7 : i32
      %add3A_1286 = arith.addi %add3A_1214, %add3A_1285 : i32
      %add3A_1287 = arith.constant 7 : i32
      %add3A_1288 = arith.addi %add3A_1214, %add3A_1287 : i32
      %jit3A_1289 = arith.constant 8 : i32
      %eq3A_1290 = arith.constant 0 : i32
      %eq3A_1291 = arith.cmpi eq, %jit3A_1289, %eq3A_1290 : i32
      %jit3A_1292 = arith.constant 1 : i32
      %select_n3A_1293 = arith.select %eq3A_1291, %jit3A_1292, %jit3A_1289 : i32
      %rem3A_1294 = arith.remsi %add3A_1288, %select_n3A_1293 : i32
      %ne3A_1295 = arith.constant 0 : i32
      %ne3A_1296 = arith.cmpi ne, %rem3A_1294, %ne3A_1295 : i32
      %lt3A_1297 = arith.constant 0 : i32
      %lt3A_1298 = arith.cmpi slt, %rem3A_1294, %lt3A_1297 : i32
      %lt3A_1299 = arith.constant 0 : i32
      %lt3A_1300 = arith.cmpi slt, %select_n3A_1293, %lt3A_1299 : i32
      %ne3A_1301 = arith.xori %lt3A_1298, %lt3A_1300 : i1
      %and3A_1302 = arith.andi %ne3A_1301, %ne3A_1296 : i1
      %add3A_1303 = arith.addi %rem3A_1294, %select_n3A_1293 : i32
      %select_n3A_1304 = arith.select %and3A_1302, %add3A_1303, %rem3A_1294 : i32
      %mul3A_1305 = arith.constant 8 : i32
      %mul3A_1306 = arith.muli %add3A_1286, %mul3A_1305 : i32
      %dma_start3A_1307 = arith.constant 0 : i32
      %dma_start3A_1308 = arith.constant 0 : i32
      %dma_start3A_1309 = tpu.memref_slice %arg6[%select_n3A_1304, %dma_start3A_1307, %dma_start3A_1308] : memref<8x8x1024xf32, #tpu.memory_space<vmem>> -> memref<1x8x1024xf32, #tpu.memory_space<vmem>>
      %dma_start3A_1310 = tpu.memref_squeeze %dma_start3A_1309 : memref<1x8x1024xf32, #tpu.memory_space<vmem>> -> memref<8x1024xf32, #tpu.memory_space<vmem>>
      %dma_start3A_1311 = tpu.memref_slice %arg5[%mul3A_1306] : memref<1024xi32, #tpu.memory_space<vmem>> -> memref<8xi32, #tpu.memory_space<vmem>>
      %dma_start3A_1312 = arith.constant 0 : i32
      %dma_start3A_1313 = arith.constant 0 : i32
      %dma_start3A_1314 = tpu.memref_slice %arg2[%dma_start3A_1312, %dma_start3A_1313] : memref<8192x1024xf32, #tpu.memory_space<hbm>> -> memref<8192x1024xf32, #tpu.memory_space<hbm>>
      %dma_start3A_1315 = tpu.memref_slice %arg7[%select_n3A_1304] : memref<8x!tpu.dma_semaphore, #tpu.memory_space<semaphore_mem>> -> memref<1x!tpu.dma_semaphore, #tpu.memory_space<semaphore_mem>>
      %dma_start3A_1316 = tpu.memref_squeeze %dma_start3A_1315 : memref<1x!tpu.dma_semaphore, #tpu.memory_space<semaphore_mem>> -> memref<!tpu.dma_semaphore, #tpu.memory_space<semaphore_mem>>
      tpu.enqueue_indirect_dma source(%dma_start3A_1314 : memref<8192x1024xf32, #tpu.memory_space<hbm>>) target(%dma_start3A_1310 : memref<8x1024xf32, #tpu.memory_space<vmem>>) offsets(%dma_start3A_1311 : memref<8xi32, #tpu.memory_space<vmem>>) semaphore(%dma_start3A_1316 : memref<!tpu.dma_semaphore, #tpu.memory_space<semaphore_mem>>)
      %add3A_1317 = arith.constant 1 : i32
      %add3A_1318 = arith.addi %scan3A_999, %add3A_1317 : i32
      %mul3A_1319 = arith.constant 8 : i32
      %mul3A_1320 = arith.muli %mul3A_1319, %add3A_1318 : i32
      %add3A_1321 = arith.constant 3 : i32
      %add3A_1322 = arith.addi %mul3A_1320, %add3A_1321 : i32
      %mul3A_1323 = arith.constant 8 : i32
      %mul3A_1324 = arith.muli %add3A_1322, %mul3A_1323 : i32
      %dma_wait3A_1325 = arith.constant 3 : i32
      %dma_wait3A_1326 = arith.constant 3 : i32
      %dma_wait3A_1327 = arith.constant 0 : i32
      %dma_wait3A_1328 = arith.constant 0 : i32
      %dma_wait3A_1329 = tpu.memref_slice %arg6[%dma_wait3A_1325, %dma_wait3A_1327, %dma_wait3A_1328] : memref<8x8x1024xf32, #tpu.memory_space<vmem>> -> memref<1x8x1024xf32, #tpu.memory_space<vmem>>
      %dma_wait3A_1330 = tpu.memref_squeeze %dma_wait3A_1329 : memref<1x8x1024xf32, #tpu.memory_space<vmem>> -> memref<8x1024xf32, #tpu.memory_space<vmem>>
      %dma_wait3A_1331 = tpu.memref_slice %arg5[%mul3A_1324] : memref<1024xi32, #tpu.memory_space<vmem>> -> memref<8xi32, #tpu.memory_space<vmem>>
      %dma_wait3A_1332 = arith.constant 0 : i32
      %dma_wait3A_1333 = arith.constant 0 : i32
      %dma_wait3A_1334 = tpu.memref_slice %arg2[%dma_wait3A_1332, %dma_wait3A_1333] : memref<8192x1024xf32, #tpu.memory_space<hbm>> -> memref<8192x1024xf32, #tpu.memory_space<hbm>>
      %dma_wait3A_1335 = tpu.memref_slice %arg7[%dma_wait3A_1326] : memref<8x!tpu.dma_semaphore, #tpu.memory_space<semaphore_mem>> -> memref<1x!tpu.dma_semaphore, #tpu.memory_space<semaphore_mem>>
      %dma_wait3A_1336 = tpu.memref_squeeze %dma_wait3A_1335 : memref<1x!tpu.dma_semaphore, #tpu.memory_space<semaphore_mem>> -> memref<!tpu.dma_semaphore, #tpu.memory_space<semaphore_mem>>
      tpu.wait_indirect_dma semaphore(%dma_wait3A_1336 : memref<!tpu.dma_semaphore, #tpu.memory_space<semaphore_mem>>) src(%dma_wait3A_1334 : memref<8192x1024xf32, #tpu.memory_space<hbm>>) dst(%dma_wait3A_1330 : memref<8x1024xf32, #tpu.memory_space<vmem>>)
      %mul3A_1337 = arith.constant 8 : i32
      %mul3A_1338 = arith.muli %add3A_1322, %mul3A_1337 : i32
      %add3A_1339 = arith.addi %mul3A_2, %mul3A_1338 : i32
      %dma_start3A_1340 = arith.constant 3 : i32
      %dma_start3A_1341 = arith.constant 3 : i32
      %dma_start3A_1342 = arith.constant 0 : i32
      %dma_start3A_1343 = arith.constant 0 : i32
      %dma_start3A_1344 = tpu.memref_slice %arg6[%dma_start3A_1340, %dma_start3A_1342, %dma_start3A_1343] : memref<8x8x1024xf32, #tpu.memory_space<vmem>> -> memref<1x8x1024xf32, #tpu.memory_space<vmem>>
      %dma_start3A_1345 = tpu.memref_squeeze %dma_start3A_1344 : memref<1x8x1024xf32, #tpu.memory_space<vmem>> -> memref<8x1024xf32, #tpu.memory_space<vmem>>
      %dma_start3A_1346 = arith.constant 0 : i32
      %dma_start3A_1347 = tpu.memref_slice %arg4[%add3A_1339, %dma_start3A_1346] : memref<32768x1024xf32, #tpu.memory_space<hbm>> -> memref<8x1024xf32, #tpu.memory_space<hbm>>
      %dma_start3A_1348 = tpu.memref_slice %arg8[%dma_start3A_1341] : memref<8x!tpu.dma_semaphore, #tpu.memory_space<semaphore_mem>> -> memref<1x!tpu.dma_semaphore, #tpu.memory_space<semaphore_mem>>
      %dma_start3A_1349 = tpu.memref_squeeze %dma_start3A_1348 : memref<1x!tpu.dma_semaphore, #tpu.memory_space<semaphore_mem>> -> memref<!tpu.dma_semaphore, #tpu.memory_space<semaphore_mem>>
      %dma_start3A_1350 = arith.constant 0 : i32
      %dma_start3A_1351 = tpu.memref_slice %arg4[%add3A_1339, %dma_start3A_1350] : memref<32768x1024xf32, #tpu.memory_space<hbm>> -> memref<8x1024xf32, #tpu.memory_space<hbm>>
      %dma_start3A_1352 = arith.constant 0 : i32
      %dma_start3A_1353 = arith.constant 0 : i32
      %dma_start3A_1354 = tpu.memref_slice %arg6[%dma_start3A_1340, %dma_start3A_1352, %dma_start3A_1353] : memref<8x8x1024xf32, #tpu.memory_space<vmem>> -> memref<1x8x1024xf32, #tpu.memory_space<vmem>>
      %dma_start3A_1355 = tpu.memref_squeeze %dma_start3A_1354 : memref<1x8x1024xf32, #tpu.memory_space<vmem>> -> memref<8x1024xf32, #tpu.memory_space<vmem>>
      tpu.enqueue_dma source(%dma_start3A_1355 : memref<8x1024xf32, #tpu.memory_space<vmem>>) target(%dma_start3A_1351 : memref<8x1024xf32, #tpu.memory_space<hbm>>) target_semaphore(%dma_start3A_1349 : memref<!tpu.dma_semaphore, #tpu.memory_space<semaphore_mem>>)
      %sub3A_1356 = arith.constant 1 : i32
      %sub3A_1357 = arith.subi %add3A_1322, %sub3A_1356 : i32
      %sub3A_1358 = arith.constant 1 : i32
      %sub3A_1359 = arith.subi %add3A_1322, %sub3A_1358 : i32
      %jit3A_1360 = arith.constant 8 : i32
      %eq3A_1361 = arith.constant 0 : i32
      %eq3A_1362 = arith.cmpi eq, %jit3A_1360, %eq3A_1361 : i32
      %jit3A_1363 = arith.constant 1 : i32
      %select_n3A_1364 = arith.select %eq3A_1362, %jit3A_1363, %jit3A_1360 : i32
      %rem3A_1365 = arith.remsi %sub3A_1359, %select_n3A_1364 : i32
      %ne3A_1366 = arith.constant 0 : i32
      %ne3A_1367 = arith.cmpi ne, %rem3A_1365, %ne3A_1366 : i32
      %lt3A_1368 = arith.constant 0 : i32
      %lt3A_1369 = arith.cmpi slt, %rem3A_1365, %lt3A_1368 : i32
      %lt3A_1370 = arith.constant 0 : i32
      %lt3A_1371 = arith.cmpi slt, %select_n3A_1364, %lt3A_1370 : i32
      %ne3A_1372 = arith.xori %lt3A_1369, %lt3A_1371 : i1
      %and3A_1373 = arith.andi %ne3A_1372, %ne3A_1367 : i1
      %add3A_1374 = arith.addi %rem3A_1365, %select_n3A_1364 : i32
      %select_n3A_1375 = arith.select %and3A_1373, %add3A_1374, %rem3A_1365 : i32
      %mul3A_1376 = arith.constant 8 : i32
      %mul3A_1377 = arith.muli %sub3A_1357, %mul3A_1376 : i32
      %add3A_1378 = arith.addi %mul3A_2, %mul3A_1377 : i32
      %dma_wait3A_1379 = arith.constant 0 : i32
      %dma_wait3A_1380 = arith.constant 0 : i32
      %dma_wait3A_1381 = tpu.memref_slice %arg6[%select_n3A_1375, %dma_wait3A_1379, %dma_wait3A_1380] : memref<8x8x1024xf32, #tpu.memory_space<vmem>> -> memref<1x8x1024xf32, #tpu.memory_space<vmem>>
      %dma_wait3A_1382 = tpu.memref_squeeze %dma_wait3A_1381 : memref<1x8x1024xf32, #tpu.memory_space<vmem>> -> memref<8x1024xf32, #tpu.memory_space<vmem>>
      %dma_wait3A_1383 = arith.constant 0 : i32
      %dma_wait3A_1384 = tpu.memref_slice %arg4[%add3A_1378, %dma_wait3A_1383] : memref<32768x1024xf32, #tpu.memory_space<hbm>> -> memref<8x1024xf32, #tpu.memory_space<hbm>>
      %dma_wait3A_1385 = tpu.memref_slice %arg8[%select_n3A_1375] : memref<8x!tpu.dma_semaphore, #tpu.memory_space<semaphore_mem>> -> memref<1x!tpu.dma_semaphore, #tpu.memory_space<semaphore_mem>>
      %dma_wait3A_1386 = tpu.memref_squeeze %dma_wait3A_1385 : memref<1x!tpu.dma_semaphore, #tpu.memory_space<semaphore_mem>> -> memref<!tpu.dma_semaphore, #tpu.memory_space<semaphore_mem>>
      %dma_wait3A_1387 = arith.constant 0 : i32
      %dma_wait3A_1388 = tpu.memref_slice %arg4[%add3A_1378, %dma_wait3A_1387] : memref<32768x1024xf32, #tpu.memory_space<hbm>> -> memref<8x1024xf32, #tpu.memory_space<hbm>>
      %dma_wait3A_1389 = arith.constant 0 : i32
      %dma_wait3A_1390 = arith.constant 0 : i32
      %dma_wait3A_1391 = tpu.memref_slice %arg6[%select_n3A_1375, %dma_wait3A_1389, %dma_wait3A_1390] : memref<8x8x1024xf32, #tpu.memory_space<vmem>> -> memref<1x8x1024xf32, #tpu.memory_space<vmem>>
      %dma_wait3A_1392 = tpu.memref_squeeze %dma_wait3A_1391 : memref<1x8x1024xf32, #tpu.memory_space<vmem>> -> memref<8x1024xf32, #tpu.memory_space<vmem>>
      tpu.wait_dma2 semaphore(%dma_wait3A_1386 : memref<!tpu.dma_semaphore, #tpu.memory_space<semaphore_mem>>) src(%dma_wait3A_1392 : memref<8x1024xf32, #tpu.memory_space<vmem>>) dst(%dma_wait3A_1388 : memref<8x1024xf32, #tpu.memory_space<hbm>>)
      %add3A_1393 = arith.constant 7 : i32
      %add3A_1394 = arith.addi %add3A_1322, %add3A_1393 : i32
      %add3A_1395 = arith.constant 7 : i32
      %add3A_1396 = arith.addi %add3A_1322, %add3A_1395 : i32
      %jit3A_1397 = arith.constant 8 : i32
      %eq3A_1398 = arith.constant 0 : i32
      %eq3A_1399 = arith.cmpi eq, %jit3A_1397, %eq3A_1398 : i32
      %jit3A_1400 = arith.constant 1 : i32
      %select_n3A_1401 = arith.select %eq3A_1399, %jit3A_1400, %jit3A_1397 : i32
      %rem3A_1402 = arith.remsi %add3A_1396, %select_n3A_1401 : i32
      %ne3A_1403 = arith.constant 0 : i32
      %ne3A_1404 = arith.cmpi ne, %rem3A_1402, %ne3A_1403 : i32
      %lt3A_1405 = arith.constant 0 : i32
      %lt3A_1406 = arith.cmpi slt, %rem3A_1402, %lt3A_1405 : i32
      %lt3A_1407 = arith.constant 0 : i32
      %lt3A_1408 = arith.cmpi slt, %select_n3A_1401, %lt3A_1407 : i32
      %ne3A_1409 = arith.xori %lt3A_1406, %lt3A_1408 : i1
      %and3A_1410 = arith.andi %ne3A_1409, %ne3A_1404 : i1
      %add3A_1411 = arith.addi %rem3A_1402, %select_n3A_1401 : i32
      %select_n3A_1412 = arith.select %and3A_1410, %add3A_1411, %rem3A_1402 : i32
      %mul3A_1413 = arith.constant 8 : i32
      %mul3A_1414 = arith.muli %add3A_1394, %mul3A_1413 : i32
      %dma_start3A_1415 = arith.constant 0 : i32
      %dma_start3A_1416 = arith.constant 0 : i32
      %dma_start3A_1417 = tpu.memref_slice %arg6[%select_n3A_1412, %dma_start3A_1415, %dma_start3A_1416] : memref<8x8x1024xf32, #tpu.memory_space<vmem>> -> memref<1x8x1024xf32, #tpu.memory_space<vmem>>
      %dma_start3A_1418 = tpu.memref_squeeze %dma_start3A_1417 : memref<1x8x1024xf32, #tpu.memory_space<vmem>> -> memref<8x1024xf32, #tpu.memory_space<vmem>>
      %dma_start3A_1419 = tpu.memref_slice %arg5[%mul3A_1414] : memref<1024xi32, #tpu.memory_space<vmem>> -> memref<8xi32, #tpu.memory_space<vmem>>
      %dma_start3A_1420 = arith.constant 0 : i32
      %dma_start3A_1421 = arith.constant 0 : i32
      %dma_start3A_1422 = tpu.memref_slice %arg2[%dma_start3A_1420, %dma_start3A_1421] : memref<8192x1024xf32, #tpu.memory_space<hbm>> -> memref<8192x1024xf32, #tpu.memory_space<hbm>>
      %dma_start3A_1423 = tpu.memref_slice %arg7[%select_n3A_1412] : memref<8x!tpu.dma_semaphore, #tpu.memory_space<semaphore_mem>> -> memref<1x!tpu.dma_semaphore, #tpu.memory_space<semaphore_mem>>
      %dma_start3A_1424 = tpu.memref_squeeze %dma_start3A_1423 : memref<1x!tpu.dma_semaphore, #tpu.memory_space<semaphore_mem>> -> memref<!tpu.dma_semaphore, #tpu.memory_space<semaphore_mem>>
      tpu.enqueue_indirect_dma source(%dma_start3A_1422 : memref<8192x1024xf32, #tpu.memory_space<hbm>>) target(%dma_start3A_1418 : memref<8x1024xf32, #tpu.memory_space<vmem>>) offsets(%dma_start3A_1419 : memref<8xi32, #tpu.memory_space<vmem>>) semaphore(%dma_start3A_1424 : memref<!tpu.dma_semaphore, #tpu.memory_space<semaphore_mem>>)
      %add3A_1425 = arith.constant 1 : i32
      %add3A_1426 = arith.addi %scan3A_999, %add3A_1425 : i32
      %mul3A_1427 = arith.constant 8 : i32
      %mul3A_1428 = arith.muli %mul3A_1427, %add3A_1426 : i32
      %add3A_1429 = arith.constant 4 : i32
      %add3A_1430 = arith.addi %mul3A_1428, %add3A_1429 : i32
      %mul3A_1431 = arith.constant 8 : i32
      %mul3A_1432 = arith.muli %add3A_1430, %mul3A_1431 : i32
      %dma_wait3A_1433 = arith.constant 4 : i32
      %dma_wait3A_1434 = arith.constant 4 : i32
      %dma_wait3A_1435 = arith.constant 0 : i32
      %dma_wait3A_1436 = arith.constant 0 : i32
      %dma_wait3A_1437 = tpu.memref_slice %arg6[%dma_wait3A_1433, %dma_wait3A_1435, %dma_wait3A_1436] : memref<8x8x1024xf32, #tpu.memory_space<vmem>> -> memref<1x8x1024xf32, #tpu.memory_space<vmem>>
      %dma_wait3A_1438 = tpu.memref_squeeze %dma_wait3A_1437 : memref<1x8x1024xf32, #tpu.memory_space<vmem>> -> memref<8x1024xf32, #tpu.memory_space<vmem>>
      %dma_wait3A_1439 = tpu.memref_slice %arg5[%mul3A_1432] : memref<1024xi32, #tpu.memory_space<vmem>> -> memref<8xi32, #tpu.memory_space<vmem>>
      %dma_wait3A_1440 = arith.constant 0 : i32
      %dma_wait3A_1441 = arith.constant 0 : i32
      %dma_wait3A_1442 = tpu.memref_slice %arg2[%dma_wait3A_1440, %dma_wait3A_1441] : memref<8192x1024xf32, #tpu.memory_space<hbm>> -> memref<8192x1024xf32, #tpu.memory_space<hbm>>
      %dma_wait3A_1443 = tpu.memref_slice %arg7[%dma_wait3A_1434] : memref<8x!tpu.dma_semaphore, #tpu.memory_space<semaphore_mem>> -> memref<1x!tpu.dma_semaphore, #tpu.memory_space<semaphore_mem>>
      %dma_wait3A_1444 = tpu.memref_squeeze %dma_wait3A_1443 : memref<1x!tpu.dma_semaphore, #tpu.memory_space<semaphore_mem>> -> memref<!tpu.dma_semaphore, #tpu.memory_space<semaphore_mem>>
      tpu.wait_indirect_dma semaphore(%dma_wait3A_1444 : memref<!tpu.dma_semaphore, #tpu.memory_space<semaphore_mem>>) src(%dma_wait3A_1442 : memref<8192x1024xf32, #tpu.memory_space<hbm>>) dst(%dma_wait3A_1438 : memref<8x1024xf32, #tpu.memory_space<vmem>>)
      %mul3A_1445 = arith.constant 8 : i32
      %mul3A_1446 = arith.muli %add3A_1430, %mul3A_1445 : i32
      %add3A_1447 = arith.addi %mul3A_2, %mul3A_1446 : i32
      %dma_start3A_1448 = arith.constant 4 : i32
      %dma_start3A_1449 = arith.constant 4 : i32
      %dma_start3A_1450 = arith.constant 0 : i32
      %dma_start3A_1451 = arith.constant 0 : i32
      %dma_start3A_1452 = tpu.memref_slice %arg6[%dma_start3A_1448, %dma_start3A_1450, %dma_start3A_1451] : memref<8x8x1024xf32, #tpu.memory_space<vmem>> -> memref<1x8x1024xf32, #tpu.memory_space<vmem>>
      %dma_start3A_1453 = tpu.memref_squeeze %dma_start3A_1452 : memref<1x8x1024xf32, #tpu.memory_space<vmem>> -> memref<8x1024xf32, #tpu.memory_space<vmem>>
      %dma_start3A_1454 = arith.constant 0 : i32
      %dma_start3A_1455 = tpu.memref_slice %arg4[%add3A_1447, %dma_start3A_1454] : memref<32768x1024xf32, #tpu.memory_space<hbm>> -> memref<8x1024xf32, #tpu.memory_space<hbm>>
      %dma_start3A_1456 = tpu.memref_slice %arg8[%dma_start3A_1449] : memref<8x!tpu.dma_semaphore, #tpu.memory_space<semaphore_mem>> -> memref<1x!tpu.dma_semaphore, #tpu.memory_space<semaphore_mem>>
      %dma_start3A_1457 = tpu.memref_squeeze %dma_start3A_1456 : memref<1x!tpu.dma_semaphore, #tpu.memory_space<semaphore_mem>> -> memref<!tpu.dma_semaphore, #tpu.memory_space<semaphore_mem>>
      %dma_start3A_1458 = arith.constant 0 : i32
      %dma_start3A_1459 = tpu.memref_slice %arg4[%add3A_1447, %dma_start3A_1458] : memref<32768x1024xf32, #tpu.memory_space<hbm>> -> memref<8x1024xf32, #tpu.memory_space<hbm>>
      %dma_start3A_1460 = arith.constant 0 : i32
      %dma_start3A_1461 = arith.constant 0 : i32
      %dma_start3A_1462 = tpu.memref_slice %arg6[%dma_start3A_1448, %dma_start3A_1460, %dma_start3A_1461] : memref<8x8x1024xf32, #tpu.memory_space<vmem>> -> memref<1x8x1024xf32, #tpu.memory_space<vmem>>
      %dma_start3A_1463 = tpu.memref_squeeze %dma_start3A_1462 : memref<1x8x1024xf32, #tpu.memory_space<vmem>> -> memref<8x1024xf32, #tpu.memory_space<vmem>>
      tpu.enqueue_dma source(%dma_start3A_1463 : memref<8x1024xf32, #tpu.memory_space<vmem>>) target(%dma_start3A_1459 : memref<8x1024xf32, #tpu.memory_space<hbm>>) target_semaphore(%dma_start3A_1457 : memref<!tpu.dma_semaphore, #tpu.memory_space<semaphore_mem>>)
      %sub3A_1464 = arith.constant 1 : i32
      %sub3A_1465 = arith.subi %add3A_1430, %sub3A_1464 : i32
      %sub3A_1466 = arith.constant 1 : i32
      %sub3A_1467 = arith.subi %add3A_1430, %sub3A_1466 : i32
      %jit3A_1468 = arith.constant 8 : i32
      %eq3A_1469 = arith.constant 0 : i32
      %eq3A_1470 = arith.cmpi eq, %jit3A_1468, %eq3A_1469 : i32
      %jit3A_1471 = arith.constant 1 : i32
      %select_n3A_1472 = arith.select %eq3A_1470, %jit3A_1471, %jit3A_1468 : i32
      %rem3A_1473 = arith.remsi %sub3A_1467, %select_n3A_1472 : i32
      %ne3A_1474 = arith.constant 0 : i32
      %ne3A_1475 = arith.cmpi ne, %rem3A_1473, %ne3A_1474 : i32
      %lt3A_1476 = arith.constant 0 : i32
      %lt3A_1477 = arith.cmpi slt, %rem3A_1473, %lt3A_1476 : i32
      %lt3A_1478 = arith.constant 0 : i32
      %lt3A_1479 = arith.cmpi slt, %select_n3A_1472, %lt3A_1478 : i32
      %ne3A_1480 = arith.xori %lt3A_1477, %lt3A_1479 : i1
      %and3A_1481 = arith.andi %ne3A_1480, %ne3A_1475 : i1
      %add3A_1482 = arith.addi %rem3A_1473, %select_n3A_1472 : i32
      %select_n3A_1483 = arith.select %and3A_1481, %add3A_1482, %rem3A_1473 : i32
      %mul3A_1484 = arith.constant 8 : i32
      %mul3A_1485 = arith.muli %sub3A_1465, %mul3A_1484 : i32
      %add3A_1486 = arith.addi %mul3A_2, %mul3A_1485 : i32
      %dma_wait3A_1487 = arith.constant 0 : i32
      %dma_wait3A_1488 = arith.constant 0 : i32
      %dma_wait3A_1489 = tpu.memref_slice %arg6[%select_n3A_1483, %dma_wait3A_1487, %dma_wait3A_1488] : memref<8x8x1024xf32, #tpu.memory_space<vmem>> -> memref<1x8x1024xf32, #tpu.memory_space<vmem>>
      %dma_wait3A_1490 = tpu.memref_squeeze %dma_wait3A_1489 : memref<1x8x1024xf32, #tpu.memory_space<vmem>> -> memref<8x1024xf32, #tpu.memory_space<vmem>>
      %dma_wait3A_1491 = arith.constant 0 : i32
      %dma_wait3A_1492 = tpu.memref_slice %arg4[%add3A_1486, %dma_wait3A_1491] : memref<32768x1024xf32, #tpu.memory_space<hbm>> -> memref<8x1024xf32, #tpu.memory_space<hbm>>
      %dma_wait3A_1493 = tpu.memref_slice %arg8[%select_n3A_1483] : memref<8x!tpu.dma_semaphore, #tpu.memory_space<semaphore_mem>> -> memref<1x!tpu.dma_semaphore, #tpu.memory_space<semaphore_mem>>
      %dma_wait3A_1494 = tpu.memref_squeeze %dma_wait3A_1493 : memref<1x!tpu.dma_semaphore, #tpu.memory_space<semaphore_mem>> -> memref<!tpu.dma_semaphore, #tpu.memory_space<semaphore_mem>>
      %dma_wait3A_1495 = arith.constant 0 : i32
      %dma_wait3A_1496 = tpu.memref_slice %arg4[%add3A_1486, %dma_wait3A_1495] : memref<32768x1024xf32, #tpu.memory_space<hbm>> -> memref<8x1024xf32, #tpu.memory_space<hbm>>
      %dma_wait3A_1497 = arith.constant 0 : i32
      %dma_wait3A_1498 = arith.constant 0 : i32
      %dma_wait3A_1499 = tpu.memref_slice %arg6[%select_n3A_1483, %dma_wait3A_1497, %dma_wait3A_1498] : memref<8x8x1024xf32, #tpu.memory_space<vmem>> -> memref<1x8x1024xf32, #tpu.memory_space<vmem>>
      %dma_wait3A_1500 = tpu.memref_squeeze %dma_wait3A_1499 : memref<1x8x1024xf32, #tpu.memory_space<vmem>> -> memref<8x1024xf32, #tpu.memory_space<vmem>>
      tpu.wait_dma2 semaphore(%dma_wait3A_1494 : memref<!tpu.dma_semaphore, #tpu.memory_space<semaphore_mem>>) src(%dma_wait3A_1500 : memref<8x1024xf32, #tpu.memory_space<vmem>>) dst(%dma_wait3A_1496 : memref<8x1024xf32, #tpu.memory_space<hbm>>)
      %add3A_1501 = arith.constant 7 : i32
      %add3A_1502 = arith.addi %add3A_1430, %add3A_1501 : i32
      %add3A_1503 = arith.constant 7 : i32
      %add3A_1504 = arith.addi %add3A_1430, %add3A_1503 : i32
      %jit3A_1505 = arith.constant 8 : i32
      %eq3A_1506 = arith.constant 0 : i32
      %eq3A_1507 = arith.cmpi eq, %jit3A_1505, %eq3A_1506 : i32
      %jit3A_1508 = arith.constant 1 : i32
      %select_n3A_1509 = arith.select %eq3A_1507, %jit3A_1508, %jit3A_1505 : i32
      %rem3A_1510 = arith.remsi %add3A_1504, %select_n3A_1509 : i32
      %ne3A_1511 = arith.constant 0 : i32
      %ne3A_1512 = arith.cmpi ne, %rem3A_1510, %ne3A_1511 : i32
      %lt3A_1513 = arith.constant 0 : i32
      %lt3A_1514 = arith.cmpi slt, %rem3A_1510, %lt3A_1513 : i32
      %lt3A_1515 = arith.constant 0 : i32
      %lt3A_1516 = arith.cmpi slt, %select_n3A_1509, %lt3A_1515 : i32
      %ne3A_1517 = arith.xori %lt3A_1514, %lt3A_1516 : i1
      %and3A_1518 = arith.andi %ne3A_1517, %ne3A_1512 : i1
      %add3A_1519 = arith.addi %rem3A_1510, %select_n3A_1509 : i32
      %select_n3A_1520 = arith.select %and3A_1518, %add3A_1519, %rem3A_1510 : i32
      %mul3A_1521 = arith.constant 8 : i32
      %mul3A_1522 = arith.muli %add3A_1502, %mul3A_1521 : i32
      %dma_start3A_1523 = arith.constant 0 : i32
      %dma_start3A_1524 = arith.constant 0 : i32
      %dma_start3A_1525 = tpu.memref_slice %arg6[%select_n3A_1520, %dma_start3A_1523, %dma_start3A_1524] : memref<8x8x1024xf32, #tpu.memory_space<vmem>> -> memref<1x8x1024xf32, #tpu.memory_space<vmem>>
      %dma_start3A_1526 = tpu.memref_squeeze %dma_start3A_1525 : memref<1x8x1024xf32, #tpu.memory_space<vmem>> -> memref<8x1024xf32, #tpu.memory_space<vmem>>
      %dma_start3A_1527 = tpu.memref_slice %arg5[%mul3A_1522] : memref<1024xi32, #tpu.memory_space<vmem>> -> memref<8xi32, #tpu.memory_space<vmem>>
      %dma_start3A_1528 = arith.constant 0 : i32
      %dma_start3A_1529 = arith.constant 0 : i32
      %dma_start3A_1530 = tpu.memref_slice %arg2[%dma_start3A_1528, %dma_start3A_1529] : memref<8192x1024xf32, #tpu.memory_space<hbm>> -> memref<8192x1024xf32, #tpu.memory_space<hbm>>
      %dma_start3A_1531 = tpu.memref_slice %arg7[%select_n3A_1520] : memref<8x!tpu.dma_semaphore, #tpu.memory_space<semaphore_mem>> -> memref<1x!tpu.dma_semaphore, #tpu.memory_space<semaphore_mem>>
      %dma_start3A_1532 = tpu.memref_squeeze %dma_start3A_1531 : memref<1x!tpu.dma_semaphore, #tpu.memory_space<semaphore_mem>> -> memref<!tpu.dma_semaphore, #tpu.memory_space<semaphore_mem>>
      tpu.enqueue_indirect_dma source(%dma_start3A_1530 : memref<8192x1024xf32, #tpu.memory_space<hbm>>) target(%dma_start3A_1526 : memref<8x1024xf32, #tpu.memory_space<vmem>>) offsets(%dma_start3A_1527 : memref<8xi32, #tpu.memory_space<vmem>>) semaphore(%dma_start3A_1532 : memref<!tpu.dma_semaphore, #tpu.memory_space<semaphore_mem>>)
      %add3A_1533 = arith.constant 1 : i32
      %add3A_1534 = arith.addi %scan3A_999, %add3A_1533 : i32
      %mul3A_1535 = arith.constant 8 : i32
      %mul3A_1536 = arith.muli %mul3A_1535, %add3A_1534 : i32
      %add3A_1537 = arith.constant 5 : i32
      %add3A_1538 = arith.addi %mul3A_1536, %add3A_1537 : i32
      %mul3A_1539 = arith.constant 8 : i32
      %mul3A_1540 = arith.muli %add3A_1538, %mul3A_1539 : i32
      %dma_wait3A_1541 = arith.constant 5 : i32
      %dma_wait3A_1542 = arith.constant 5 : i32
      %dma_wait3A_1543 = arith.constant 0 : i32
      %dma_wait3A_1544 = arith.constant 0 : i32
      %dma_wait3A_1545 = tpu.memref_slice %arg6[%dma_wait3A_1541, %dma_wait3A_1543, %dma_wait3A_1544] : memref<8x8x1024xf32, #tpu.memory_space<vmem>> -> memref<1x8x1024xf32, #tpu.memory_space<vmem>>
      %dma_wait3A_1546 = tpu.memref_squeeze %dma_wait3A_1545 : memref<1x8x1024xf32, #tpu.memory_space<vmem>> -> memref<8x1024xf32, #tpu.memory_space<vmem>>
      %dma_wait3A_1547 = tpu.memref_slice %arg5[%mul3A_1540] : memref<1024xi32, #tpu.memory_space<vmem>> -> memref<8xi32, #tpu.memory_space<vmem>>
      %dma_wait3A_1548 = arith.constant 0 : i32
      %dma_wait3A_1549 = arith.constant 0 : i32
      %dma_wait3A_1550 = tpu.memref_slice %arg2[%dma_wait3A_1548, %dma_wait3A_1549] : memref<8192x1024xf32, #tpu.memory_space<hbm>> -> memref<8192x1024xf32, #tpu.memory_space<hbm>>
      %dma_wait3A_1551 = tpu.memref_slice %arg7[%dma_wait3A_1542] : memref<8x!tpu.dma_semaphore, #tpu.memory_space<semaphore_mem>> -> memref<1x!tpu.dma_semaphore, #tpu.memory_space<semaphore_mem>>
      %dma_wait3A_1552 = tpu.memref_squeeze %dma_wait3A_1551 : memref<1x!tpu.dma_semaphore, #tpu.memory_space<semaphore_mem>> -> memref<!tpu.dma_semaphore, #tpu.memory_space<semaphore_mem>>
      tpu.wait_indirect_dma semaphore(%dma_wait3A_1552 : memref<!tpu.dma_semaphore, #tpu.memory_space<semaphore_mem>>) src(%dma_wait3A_1550 : memref<8192x1024xf32, #tpu.memory_space<hbm>>) dst(%dma_wait3A_1546 : memref<8x1024xf32, #tpu.memory_space<vmem>>)
      %mul3A_1553 = arith.constant 8 : i32
      %mul3A_1554 = arith.muli %add3A_1538, %mul3A_1553 : i32
      %add3A_1555 = arith.addi %mul3A_2, %mul3A_1554 : i32
      %dma_start3A_1556 = arith.constant 5 : i32
      %dma_start3A_1557 = arith.constant 5 : i32
      %dma_start3A_1558 = arith.constant 0 : i32
      %dma_start3A_1559 = arith.constant 0 : i32
      %dma_start3A_1560 = tpu.memref_slice %arg6[%dma_start3A_1556, %dma_start3A_1558, %dma_start3A_1559] : memref<8x8x1024xf32, #tpu.memory_space<vmem>> -> memref<1x8x1024xf32, #tpu.memory_space<vmem>>
      %dma_start3A_1561 = tpu.memref_squeeze %dma_start3A_1560 : memref<1x8x1024xf32, #tpu.memory_space<vmem>> -> memref<8x1024xf32, #tpu.memory_space<vmem>>
      %dma_start3A_1562 = arith.constant 0 : i32
      %dma_start3A_1563 = tpu.memref_slice %arg4[%add3A_1555, %dma_start3A_1562] : memref<32768x1024xf32, #tpu.memory_space<hbm>> -> memref<8x1024xf32, #tpu.memory_space<hbm>>
      %dma_start3A_1564 = tpu.memref_slice %arg8[%dma_start3A_1557] : memref<8x!tpu.dma_semaphore, #tpu.memory_space<semaphore_mem>> -> memref<1x!tpu.dma_semaphore, #tpu.memory_space<semaphore_mem>>
      %dma_start3A_1565 = tpu.memref_squeeze %dma_start3A_1564 : memref<1x!tpu.dma_semaphore, #tpu.memory_space<semaphore_mem>> -> memref<!tpu.dma_semaphore, #tpu.memory_space<semaphore_mem>>
      %dma_start3A_1566 = arith.constant 0 : i32
      %dma_start3A_1567 = tpu.memref_slice %arg4[%add3A_1555, %dma_start3A_1566] : memref<32768x1024xf32, #tpu.memory_space<hbm>> -> memref<8x1024xf32, #tpu.memory_space<hbm>>
      %dma_start3A_1568 = arith.constant 0 : i32
      %dma_start3A_1569 = arith.constant 0 : i32
      %dma_start3A_1570 = tpu.memref_slice %arg6[%dma_start3A_1556, %dma_start3A_1568, %dma_start3A_1569] : memref<8x8x1024xf32, #tpu.memory_space<vmem>> -> memref<1x8x1024xf32, #tpu.memory_space<vmem>>
      %dma_start3A_1571 = tpu.memref_squeeze %dma_start3A_1570 : memref<1x8x1024xf32, #tpu.memory_space<vmem>> -> memref<8x1024xf32, #tpu.memory_space<vmem>>
      tpu.enqueue_dma source(%dma_start3A_1571 : memref<8x1024xf32, #tpu.memory_space<vmem>>) target(%dma_start3A_1567 : memref<8x1024xf32, #tpu.memory_space<hbm>>) target_semaphore(%dma_start3A_1565 : memref<!tpu.dma_semaphore, #tpu.memory_space<semaphore_mem>>)
      %sub3A_1572 = arith.constant 1 : i32
      %sub3A_1573 = arith.subi %add3A_1538, %sub3A_1572 : i32
      %sub3A_1574 = arith.constant 1 : i32
      %sub3A_1575 = arith.subi %add3A_1538, %sub3A_1574 : i32
      %jit3A_1576 = arith.constant 8 : i32
      %eq3A_1577 = arith.constant 0 : i32
      %eq3A_1578 = arith.cmpi eq, %jit3A_1576, %eq3A_1577 : i32
      %jit3A_1579 = arith.constant 1 : i32
      %select_n3A_1580 = arith.select %eq3A_1578, %jit3A_1579, %jit3A_1576 : i32
      %rem3A_1581 = arith.remsi %sub3A_1575, %select_n3A_1580 : i32
      %ne3A_1582 = arith.constant 0 : i32
      %ne3A_1583 = arith.cmpi ne, %rem3A_1581, %ne3A_1582 : i32
      %lt3A_1584 = arith.constant 0 : i32
      %lt3A_1585 = arith.cmpi slt, %rem3A_1581, %lt3A_1584 : i32
      %lt3A_1586 = arith.constant 0 : i32
      %lt3A_1587 = arith.cmpi slt, %select_n3A_1580, %lt3A_1586 : i32
      %ne3A_1588 = arith.xori %lt3A_1585, %lt3A_1587 : i1
      %and3A_1589 = arith.andi %ne3A_1588, %ne3A_1583 : i1
      %add3A_1590 = arith.addi %rem3A_1581, %select_n3A_1580 : i32
      %select_n3A_1591 = arith.select %and3A_1589, %add3A_1590, %rem3A_1581 : i32
      %mul3A_1592 = arith.constant 8 : i32
      %mul3A_1593 = arith.muli %sub3A_1573, %mul3A_1592 : i32
      %add3A_1594 = arith.addi %mul3A_2, %mul3A_1593 : i32
      %dma_wait3A_1595 = arith.constant 0 : i32
      %dma_wait3A_1596 = arith.constant 0 : i32
      %dma_wait3A_1597 = tpu.memref_slice %arg6[%select_n3A_1591, %dma_wait3A_1595, %dma_wait3A_1596] : memref<8x8x1024xf32, #tpu.memory_space<vmem>> -> memref<1x8x1024xf32, #tpu.memory_space<vmem>>
      %dma_wait3A_1598 = tpu.memref_squeeze %dma_wait3A_1597 : memref<1x8x1024xf32, #tpu.memory_space<vmem>> -> memref<8x1024xf32, #tpu.memory_space<vmem>>
      %dma_wait3A_1599 = arith.constant 0 : i32
      %dma_wait3A_1600 = tpu.memref_slice %arg4[%add3A_1594, %dma_wait3A_1599] : memref<32768x1024xf32, #tpu.memory_space<hbm>> -> memref<8x1024xf32, #tpu.memory_space<hbm>>
      %dma_wait3A_1601 = tpu.memref_slice %arg8[%select_n3A_1591] : memref<8x!tpu.dma_semaphore, #tpu.memory_space<semaphore_mem>> -> memref<1x!tpu.dma_semaphore, #tpu.memory_space<semaphore_mem>>
      %dma_wait3A_1602 = tpu.memref_squeeze %dma_wait3A_1601 : memref<1x!tpu.dma_semaphore, #tpu.memory_space<semaphore_mem>> -> memref<!tpu.dma_semaphore, #tpu.memory_space<semaphore_mem>>
      %dma_wait3A_1603 = arith.constant 0 : i32
      %dma_wait3A_1604 = tpu.memref_slice %arg4[%add3A_1594, %dma_wait3A_1603] : memref<32768x1024xf32, #tpu.memory_space<hbm>> -> memref<8x1024xf32, #tpu.memory_space<hbm>>
      %dma_wait3A_1605 = arith.constant 0 : i32
      %dma_wait3A_1606 = arith.constant 0 : i32
      %dma_wait3A_1607 = tpu.memref_slice %arg6[%select_n3A_1591, %dma_wait3A_1605, %dma_wait3A_1606] : memref<8x8x1024xf32, #tpu.memory_space<vmem>> -> memref<1x8x1024xf32, #tpu.memory_space<vmem>>
      %dma_wait3A_1608 = tpu.memref_squeeze %dma_wait3A_1607 : memref<1x8x1024xf32, #tpu.memory_space<vmem>> -> memref<8x1024xf32, #tpu.memory_space<vmem>>
      tpu.wait_dma2 semaphore(%dma_wait3A_1602 : memref<!tpu.dma_semaphore, #tpu.memory_space<semaphore_mem>>) src(%dma_wait3A_1608 : memref<8x1024xf32, #tpu.memory_space<vmem>>) dst(%dma_wait3A_1604 : memref<8x1024xf32, #tpu.memory_space<hbm>>)
      %add3A_1609 = arith.constant 7 : i32
      %add3A_1610 = arith.addi %add3A_1538, %add3A_1609 : i32
      %add3A_1611 = arith.constant 7 : i32
      %add3A_1612 = arith.addi %add3A_1538, %add3A_1611 : i32
      %jit3A_1613 = arith.constant 8 : i32
      %eq3A_1614 = arith.constant 0 : i32
      %eq3A_1615 = arith.cmpi eq, %jit3A_1613, %eq3A_1614 : i32
      %jit3A_1616 = arith.constant 1 : i32
      %select_n3A_1617 = arith.select %eq3A_1615, %jit3A_1616, %jit3A_1613 : i32
      %rem3A_1618 = arith.remsi %add3A_1612, %select_n3A_1617 : i32
      %ne3A_1619 = arith.constant 0 : i32
      %ne3A_1620 = arith.cmpi ne, %rem3A_1618, %ne3A_1619 : i32
      %lt3A_1621 = arith.constant 0 : i32
      %lt3A_1622 = arith.cmpi slt, %rem3A_1618, %lt3A_1621 : i32
      %lt3A_1623 = arith.constant 0 : i32
      %lt3A_1624 = arith.cmpi slt, %select_n3A_1617, %lt3A_1623 : i32
      %ne3A_1625 = arith.xori %lt3A_1622, %lt3A_1624 : i1
      %and3A_1626 = arith.andi %ne3A_1625, %ne3A_1620 : i1
      %add3A_1627 = arith.addi %rem3A_1618, %select_n3A_1617 : i32
      %select_n3A_1628 = arith.select %and3A_1626, %add3A_1627, %rem3A_1618 : i32
      %mul3A_1629 = arith.constant 8 : i32
      %mul3A_1630 = arith.muli %add3A_1610, %mul3A_1629 : i32
      %dma_start3A_1631 = arith.constant 0 : i32
      %dma_start3A_1632 = arith.constant 0 : i32
      %dma_start3A_1633 = tpu.memref_slice %arg6[%select_n3A_1628, %dma_start3A_1631, %dma_start3A_1632] : memref<8x8x1024xf32, #tpu.memory_space<vmem>> -> memref<1x8x1024xf32, #tpu.memory_space<vmem>>
      %dma_start3A_1634 = tpu.memref_squeeze %dma_start3A_1633 : memref<1x8x1024xf32, #tpu.memory_space<vmem>> -> memref<8x1024xf32, #tpu.memory_space<vmem>>
      %dma_start3A_1635 = tpu.memref_slice %arg5[%mul3A_1630] : memref<1024xi32, #tpu.memory_space<vmem>> -> memref<8xi32, #tpu.memory_space<vmem>>
      %dma_start3A_1636 = arith.constant 0 : i32
      %dma_start3A_1637 = arith.constant 0 : i32
      %dma_start3A_1638 = tpu.memref_slice %arg2[%dma_start3A_1636, %dma_start3A_1637] : memref<8192x1024xf32, #tpu.memory_space<hbm>> -> memref<8192x1024xf32, #tpu.memory_space<hbm>>
      %dma_start3A_1639 = tpu.memref_slice %arg7[%select_n3A_1628] : memref<8x!tpu.dma_semaphore, #tpu.memory_space<semaphore_mem>> -> memref<1x!tpu.dma_semaphore, #tpu.memory_space<semaphore_mem>>
      %dma_start3A_1640 = tpu.memref_squeeze %dma_start3A_1639 : memref<1x!tpu.dma_semaphore, #tpu.memory_space<semaphore_mem>> -> memref<!tpu.dma_semaphore, #tpu.memory_space<semaphore_mem>>
      tpu.enqueue_indirect_dma source(%dma_start3A_1638 : memref<8192x1024xf32, #tpu.memory_space<hbm>>) target(%dma_start3A_1634 : memref<8x1024xf32, #tpu.memory_space<vmem>>) offsets(%dma_start3A_1635 : memref<8xi32, #tpu.memory_space<vmem>>) semaphore(%dma_start3A_1640 : memref<!tpu.dma_semaphore, #tpu.memory_space<semaphore_mem>>)
      %add3A_1641 = arith.constant 1 : i32
      %add3A_1642 = arith.addi %scan3A_999, %add3A_1641 : i32
      %mul3A_1643 = arith.constant 8 : i32
      %mul3A_1644 = arith.muli %mul3A_1643, %add3A_1642 : i32
      %add3A_1645 = arith.constant 6 : i32
      %add3A_1646 = arith.addi %mul3A_1644, %add3A_1645 : i32
      %mul3A_1647 = arith.constant 8 : i32
      %mul3A_1648 = arith.muli %add3A_1646, %mul3A_1647 : i32
      %dma_wait3A_1649 = arith.constant 6 : i32
      %dma_wait3A_1650 = arith.constant 6 : i32
      %dma_wait3A_1651 = arith.constant 0 : i32
      %dma_wait3A_1652 = arith.constant 0 : i32
      %dma_wait3A_1653 = tpu.memref_slice %arg6[%dma_wait3A_1649, %dma_wait3A_1651, %dma_wait3A_1652] : memref<8x8x1024xf32, #tpu.memory_space<vmem>> -> memref<1x8x1024xf32, #tpu.memory_space<vmem>>
      %dma_wait3A_1654 = tpu.memref_squeeze %dma_wait3A_1653 : memref<1x8x1024xf32, #tpu.memory_space<vmem>> -> memref<8x1024xf32, #tpu.memory_space<vmem>>
      %dma_wait3A_1655 = tpu.memref_slice %arg5[%mul3A_1648] : memref<1024xi32, #tpu.memory_space<vmem>> -> memref<8xi32, #tpu.memory_space<vmem>>
      %dma_wait3A_1656 = arith.constant 0 : i32
      %dma_wait3A_1657 = arith.constant 0 : i32
      %dma_wait3A_1658 = tpu.memref_slice %arg2[%dma_wait3A_1656, %dma_wait3A_1657] : memref<8192x1024xf32, #tpu.memory_space<hbm>> -> memref<8192x1024xf32, #tpu.memory_space<hbm>>
      %dma_wait3A_1659 = tpu.memref_slice %arg7[%dma_wait3A_1650] : memref<8x!tpu.dma_semaphore, #tpu.memory_space<semaphore_mem>> -> memref<1x!tpu.dma_semaphore, #tpu.memory_space<semaphore_mem>>
      %dma_wait3A_1660 = tpu.memref_squeeze %dma_wait3A_1659 : memref<1x!tpu.dma_semaphore, #tpu.memory_space<semaphore_mem>> -> memref<!tpu.dma_semaphore, #tpu.memory_space<semaphore_mem>>
      tpu.wait_indirect_dma semaphore(%dma_wait3A_1660 : memref<!tpu.dma_semaphore, #tpu.memory_space<semaphore_mem>>) src(%dma_wait3A_1658 : memref<8192x1024xf32, #tpu.memory_space<hbm>>) dst(%dma_wait3A_1654 : memref<8x1024xf32, #tpu.memory_space<vmem>>)
      %mul3A_1661 = arith.constant 8 : i32
      %mul3A_1662 = arith.muli %add3A_1646, %mul3A_1661 : i32
      %add3A_1663 = arith.addi %mul3A_2, %mul3A_1662 : i32
      %dma_start3A_1664 = arith.constant 6 : i32
      %dma_start3A_1665 = arith.constant 6 : i32
      %dma_start3A_1666 = arith.constant 0 : i32
      %dma_start3A_1667 = arith.constant 0 : i32
      %dma_start3A_1668 = tpu.memref_slice %arg6[%dma_start3A_1664, %dma_start3A_1666, %dma_start3A_1667] : memref<8x8x1024xf32, #tpu.memory_space<vmem>> -> memref<1x8x1024xf32, #tpu.memory_space<vmem>>
      %dma_start3A_1669 = tpu.memref_squeeze %dma_start3A_1668 : memref<1x8x1024xf32, #tpu.memory_space<vmem>> -> memref<8x1024xf32, #tpu.memory_space<vmem>>
      %dma_start3A_1670 = arith.constant 0 : i32
      %dma_start3A_1671 = tpu.memref_slice %arg4[%add3A_1663, %dma_start3A_1670] : memref<32768x1024xf32, #tpu.memory_space<hbm>> -> memref<8x1024xf32, #tpu.memory_space<hbm>>
      %dma_start3A_1672 = tpu.memref_slice %arg8[%dma_start3A_1665] : memref<8x!tpu.dma_semaphore, #tpu.memory_space<semaphore_mem>> -> memref<1x!tpu.dma_semaphore, #tpu.memory_space<semaphore_mem>>
      %dma_start3A_1673 = tpu.memref_squeeze %dma_start3A_1672 : memref<1x!tpu.dma_semaphore, #tpu.memory_space<semaphore_mem>> -> memref<!tpu.dma_semaphore, #tpu.memory_space<semaphore_mem>>
      %dma_start3A_1674 = arith.constant 0 : i32
      %dma_start3A_1675 = tpu.memref_slice %arg4[%add3A_1663, %dma_start3A_1674] : memref<32768x1024xf32, #tpu.memory_space<hbm>> -> memref<8x1024xf32, #tpu.memory_space<hbm>>
      %dma_start3A_1676 = arith.constant 0 : i32
      %dma_start3A_1677 = arith.constant 0 : i32
      %dma_start3A_1678 = tpu.memref_slice %arg6[%dma_start3A_1664, %dma_start3A_1676, %dma_start3A_1677] : memref<8x8x1024xf32, #tpu.memory_space<vmem>> -> memref<1x8x1024xf32, #tpu.memory_space<vmem>>
      %dma_start3A_1679 = tpu.memref_squeeze %dma_start3A_1678 : memref<1x8x1024xf32, #tpu.memory_space<vmem>> -> memref<8x1024xf32, #tpu.memory_space<vmem>>
      tpu.enqueue_dma source(%dma_start3A_1679 : memref<8x1024xf32, #tpu.memory_space<vmem>>) target(%dma_start3A_1675 : memref<8x1024xf32, #tpu.memory_space<hbm>>) target_semaphore(%dma_start3A_1673 : memref<!tpu.dma_semaphore, #tpu.memory_space<semaphore_mem>>)
      %sub3A_1680 = arith.constant 1 : i32
      %sub3A_1681 = arith.subi %add3A_1646, %sub3A_1680 : i32
      %sub3A_1682 = arith.constant 1 : i32
      %sub3A_1683 = arith.subi %add3A_1646, %sub3A_1682 : i32
      %jit3A_1684 = arith.constant 8 : i32
      %eq3A_1685 = arith.constant 0 : i32
      %eq3A_1686 = arith.cmpi eq, %jit3A_1684, %eq3A_1685 : i32
      %jit3A_1687 = arith.constant 1 : i32
      %select_n3A_1688 = arith.select %eq3A_1686, %jit3A_1687, %jit3A_1684 : i32
      %rem3A_1689 = arith.remsi %sub3A_1683, %select_n3A_1688 : i32
      %ne3A_1690 = arith.constant 0 : i32
      %ne3A_1691 = arith.cmpi ne, %rem3A_1689, %ne3A_1690 : i32
      %lt3A_1692 = arith.constant 0 : i32
      %lt3A_1693 = arith.cmpi slt, %rem3A_1689, %lt3A_1692 : i32
      %lt3A_1694 = arith.constant 0 : i32
      %lt3A_1695 = arith.cmpi slt, %select_n3A_1688, %lt3A_1694 : i32
      %ne3A_1696 = arith.xori %lt3A_1693, %lt3A_1695 : i1
      %and3A_1697 = arith.andi %ne3A_1696, %ne3A_1691 : i1
      %add3A_1698 = arith.addi %rem3A_1689, %select_n3A_1688 : i32
      %select_n3A_1699 = arith.select %and3A_1697, %add3A_1698, %rem3A_1689 : i32
      %mul3A_1700 = arith.constant 8 : i32
      %mul3A_1701 = arith.muli %sub3A_1681, %mul3A_1700 : i32
      %add3A_1702 = arith.addi %mul3A_2, %mul3A_1701 : i32
      %dma_wait3A_1703 = arith.constant 0 : i32
      %dma_wait3A_1704 = arith.constant 0 : i32
      %dma_wait3A_1705 = tpu.memref_slice %arg6[%select_n3A_1699, %dma_wait3A_1703, %dma_wait3A_1704] : memref<8x8x1024xf32, #tpu.memory_space<vmem>> -> memref<1x8x1024xf32, #tpu.memory_space<vmem>>
      %dma_wait3A_1706 = tpu.memref_squeeze %dma_wait3A_1705 : memref<1x8x1024xf32, #tpu.memory_space<vmem>> -> memref<8x1024xf32, #tpu.memory_space<vmem>>
      %dma_wait3A_1707 = arith.constant 0 : i32
      %dma_wait3A_1708 = tpu.memref_slice %arg4[%add3A_1702, %dma_wait3A_1707] : memref<32768x1024xf32, #tpu.memory_space<hbm>> -> memref<8x1024xf32, #tpu.memory_space<hbm>>
      %dma_wait3A_1709 = tpu.memref_slice %arg8[%select_n3A_1699] : memref<8x!tpu.dma_semaphore, #tpu.memory_space<semaphore_mem>> -> memref<1x!tpu.dma_semaphore, #tpu.memory_space<semaphore_mem>>
      %dma_wait3A_1710 = tpu.memref_squeeze %dma_wait3A_1709 : memref<1x!tpu.dma_semaphore, #tpu.memory_space<semaphore_mem>> -> memref<!tpu.dma_semaphore, #tpu.memory_space<semaphore_mem>>
      %dma_wait3A_1711 = arith.constant 0 : i32
      %dma_wait3A_1712 = tpu.memref_slice %arg4[%add3A_1702, %dma_wait3A_1711] : memref<32768x1024xf32, #tpu.memory_space<hbm>> -> memref<8x1024xf32, #tpu.memory_space<hbm>>
      %dma_wait3A_1713 = arith.constant 0 : i32
      %dma_wait3A_1714 = arith.constant 0 : i32
      %dma_wait3A_1715 = tpu.memref_slice %arg6[%select_n3A_1699, %dma_wait3A_1713, %dma_wait3A_1714] : memref<8x8x1024xf32, #tpu.memory_space<vmem>> -> memref<1x8x1024xf32, #tpu.memory_space<vmem>>
      %dma_wait3A_1716 = tpu.memref_squeeze %dma_wait3A_1715 : memref<1x8x1024xf32, #tpu.memory_space<vmem>> -> memref<8x1024xf32, #tpu.memory_space<vmem>>
      tpu.wait_dma2 semaphore(%dma_wait3A_1710 : memref<!tpu.dma_semaphore, #tpu.memory_space<semaphore_mem>>) src(%dma_wait3A_1716 : memref<8x1024xf32, #tpu.memory_space<vmem>>) dst(%dma_wait3A_1712 : memref<8x1024xf32, #tpu.memory_space<hbm>>)
      %add3A_1717 = arith.constant 7 : i32
      %add3A_1718 = arith.addi %add3A_1646, %add3A_1717 : i32
      %add3A_1719 = arith.constant 7 : i32
      %add3A_1720 = arith.addi %add3A_1646, %add3A_1719 : i32
      %jit3A_1721 = arith.constant 8 : i32
      %eq3A_1722 = arith.constant 0 : i32
      %eq3A_1723 = arith.cmpi eq, %jit3A_1721, %eq3A_1722 : i32
      %jit3A_1724 = arith.constant 1 : i32
      %select_n3A_1725 = arith.select %eq3A_1723, %jit3A_1724, %jit3A_1721 : i32
      %rem3A_1726 = arith.remsi %add3A_1720, %select_n3A_1725 : i32
      %ne3A_1727 = arith.constant 0 : i32
      %ne3A_1728 = arith.cmpi ne, %rem3A_1726, %ne3A_1727 : i32
      %lt3A_1729 = arith.constant 0 : i32
      %lt3A_1730 = arith.cmpi slt, %rem3A_1726, %lt3A_1729 : i32
      %lt3A_1731 = arith.constant 0 : i32
      %lt3A_1732 = arith.cmpi slt, %select_n3A_1725, %lt3A_1731 : i32
      %ne3A_1733 = arith.xori %lt3A_1730, %lt3A_1732 : i1
      %and3A_1734 = arith.andi %ne3A_1733, %ne3A_1728 : i1
      %add3A_1735 = arith.addi %rem3A_1726, %select_n3A_1725 : i32
      %select_n3A_1736 = arith.select %and3A_1734, %add3A_1735, %rem3A_1726 : i32
      %mul3A_1737 = arith.constant 8 : i32
      %mul3A_1738 = arith.muli %add3A_1718, %mul3A_1737 : i32
      %dma_start3A_1739 = arith.constant 0 : i32
      %dma_start3A_1740 = arith.constant 0 : i32
      %dma_start3A_1741 = tpu.memref_slice %arg6[%select_n3A_1736, %dma_start3A_1739, %dma_start3A_1740] : memref<8x8x1024xf32, #tpu.memory_space<vmem>> -> memref<1x8x1024xf32, #tpu.memory_space<vmem>>
      %dma_start3A_1742 = tpu.memref_squeeze %dma_start3A_1741 : memref<1x8x1024xf32, #tpu.memory_space<vmem>> -> memref<8x1024xf32, #tpu.memory_space<vmem>>
      %dma_start3A_1743 = tpu.memref_slice %arg5[%mul3A_1738] : memref<1024xi32, #tpu.memory_space<vmem>> -> memref<8xi32, #tpu.memory_space<vmem>>
      %dma_start3A_1744 = arith.constant 0 : i32
      %dma_start3A_1745 = arith.constant 0 : i32
      %dma_start3A_1746 = tpu.memref_slice %arg2[%dma_start3A_1744, %dma_start3A_1745] : memref<8192x1024xf32, #tpu.memory_space<hbm>> -> memref<8192x1024xf32, #tpu.memory_space<hbm>>
      %dma_start3A_1747 = tpu.memref_slice %arg7[%select_n3A_1736] : memref<8x!tpu.dma_semaphore, #tpu.memory_space<semaphore_mem>> -> memref<1x!tpu.dma_semaphore, #tpu.memory_space<semaphore_mem>>
      %dma_start3A_1748 = tpu.memref_squeeze %dma_start3A_1747 : memref<1x!tpu.dma_semaphore, #tpu.memory_space<semaphore_mem>> -> memref<!tpu.dma_semaphore, #tpu.memory_space<semaphore_mem>>
      tpu.enqueue_indirect_dma source(%dma_start3A_1746 : memref<8192x1024xf32, #tpu.memory_space<hbm>>) target(%dma_start3A_1742 : memref<8x1024xf32, #tpu.memory_space<vmem>>) offsets(%dma_start3A_1743 : memref<8xi32, #tpu.memory_space<vmem>>) semaphore(%dma_start3A_1748 : memref<!tpu.dma_semaphore, #tpu.memory_space<semaphore_mem>>)
      %add3A_1749 = arith.constant 1 : i32
      %add3A_1750 = arith.addi %scan3A_999, %add3A_1749 : i32
      %mul3A_1751 = arith.constant 8 : i32
      %mul3A_1752 = arith.muli %mul3A_1751, %add3A_1750 : i32
      %add3A_1753 = arith.constant 7 : i32
      %add3A_1754 = arith.addi %mul3A_1752, %add3A_1753 : i32
      %mul3A_1755 = arith.constant 8 : i32
      %mul3A_1756 = arith.muli %add3A_1754, %mul3A_1755 : i32
      %dma_wait3A_1757 = arith.constant 7 : i32
      %dma_wait3A_1758 = arith.constant 7 : i32
      %dma_wait3A_1759 = arith.constant 0 : i32
      %dma_wait3A_1760 = arith.constant 0 : i32
      %dma_wait3A_1761 = tpu.memref_slice %arg6[%dma_wait3A_1757, %dma_wait3A_1759, %dma_wait3A_1760] : memref<8x8x1024xf32, #tpu.memory_space<vmem>> -> memref<1x8x1024xf32, #tpu.memory_space<vmem>>
      %dma_wait3A_1762 = tpu.memref_squeeze %dma_wait3A_1761 : memref<1x8x1024xf32, #tpu.memory_space<vmem>> -> memref<8x1024xf32, #tpu.memory_space<vmem>>
      %dma_wait3A_1763 = tpu.memref_slice %arg5[%mul3A_1756] : memref<1024xi32, #tpu.memory_space<vmem>> -> memref<8xi32, #tpu.memory_space<vmem>>
      %dma_wait3A_1764 = arith.constant 0 : i32
      %dma_wait3A_1765 = arith.constant 0 : i32
      %dma_wait3A_1766 = tpu.memref_slice %arg2[%dma_wait3A_1764, %dma_wait3A_1765] : memref<8192x1024xf32, #tpu.memory_space<hbm>> -> memref<8192x1024xf32, #tpu.memory_space<hbm>>
      %dma_wait3A_1767 = tpu.memref_slice %arg7[%dma_wait3A_1758] : memref<8x!tpu.dma_semaphore, #tpu.memory_space<semaphore_mem>> -> memref<1x!tpu.dma_semaphore, #tpu.memory_space<semaphore_mem>>
      %dma_wait3A_1768 = tpu.memref_squeeze %dma_wait3A_1767 : memref<1x!tpu.dma_semaphore, #tpu.memory_space<semaphore_mem>> -> memref<!tpu.dma_semaphore, #tpu.memory_space<semaphore_mem>>
      tpu.wait_indirect_dma semaphore(%dma_wait3A_1768 : memref<!tpu.dma_semaphore, #tpu.memory_space<semaphore_mem>>) src(%dma_wait3A_1766 : memref<8192x1024xf32, #tpu.memory_space<hbm>>) dst(%dma_wait3A_1762 : memref<8x1024xf32, #tpu.memory_space<vmem>>)
      %mul3A_1769 = arith.constant 8 : i32
      %mul3A_1770 = arith.muli %add3A_1754, %mul3A_1769 : i32
      %add3A_1771 = arith.addi %mul3A_2, %mul3A_1770 : i32
      %dma_start3A_1772 = arith.constant 7 : i32
      %dma_start3A_1773 = arith.constant 7 : i32
      %dma_start3A_1774 = arith.constant 0 : i32
      %dma_start3A_1775 = arith.constant 0 : i32
      %dma_start3A_1776 = tpu.memref_slice %arg6[%dma_start3A_1772, %dma_start3A_1774, %dma_start3A_1775] : memref<8x8x1024xf32, #tpu.memory_space<vmem>> -> memref<1x8x1024xf32, #tpu.memory_space<vmem>>
      %dma_start3A_1777 = tpu.memref_squeeze %dma_start3A_1776 : memref<1x8x1024xf32, #tpu.memory_space<vmem>> -> memref<8x1024xf32, #tpu.memory_space<vmem>>
      %dma_start3A_1778 = arith.constant 0 : i32
      %dma_start3A_1779 = tpu.memref_slice %arg4[%add3A_1771, %dma_start3A_1778] : memref<32768x1024xf32, #tpu.memory_space<hbm>> -> memref<8x1024xf32, #tpu.memory_space<hbm>>
      %dma_start3A_1780 = tpu.memref_slice %arg8[%dma_start3A_1773] : memref<8x!tpu.dma_semaphore, #tpu.memory_space<semaphore_mem>> -> memref<1x!tpu.dma_semaphore, #tpu.memory_space<semaphore_mem>>
      %dma_start3A_1781 = tpu.memref_squeeze %dma_start3A_1780 : memref<1x!tpu.dma_semaphore, #tpu.memory_space<semaphore_mem>> -> memref<!tpu.dma_semaphore, #tpu.memory_space<semaphore_mem>>
      %dma_start3A_1782 = arith.constant 0 : i32
      %dma_start3A_1783 = tpu.memref_slice %arg4[%add3A_1771, %dma_start3A_1782] : memref<32768x1024xf32, #tpu.memory_space<hbm>> -> memref<8x1024xf32, #tpu.memory_space<hbm>>
      %dma_start3A_1784 = arith.constant 0 : i32
      %dma_start3A_1785 = arith.constant 0 : i32
      %dma_start3A_1786 = tpu.memref_slice %arg6[%dma_start3A_1772, %dma_start3A_1784, %dma_start3A_1785] : memref<8x8x1024xf32, #tpu.memory_space<vmem>> -> memref<1x8x1024xf32, #tpu.memory_space<vmem>>
      %dma_start3A_1787 = tpu.memref_squeeze %dma_start3A_1786 : memref<1x8x1024xf32, #tpu.memory_space<vmem>> -> memref<8x1024xf32, #tpu.memory_space<vmem>>
      tpu.enqueue_dma source(%dma_start3A_1787 : memref<8x1024xf32, #tpu.memory_space<vmem>>) target(%dma_start3A_1783 : memref<8x1024xf32, #tpu.memory_space<hbm>>) target_semaphore(%dma_start3A_1781 : memref<!tpu.dma_semaphore, #tpu.memory_space<semaphore_mem>>)
      %sub3A_1788 = arith.constant 1 : i32
      %sub3A_1789 = arith.subi %add3A_1754, %sub3A_1788 : i32
      %sub3A_1790 = arith.constant 1 : i32
      %sub3A_1791 = arith.subi %add3A_1754, %sub3A_1790 : i32
      %jit3A_1792 = arith.constant 8 : i32
      %eq3A_1793 = arith.constant 0 : i32
      %eq3A_1794 = arith.cmpi eq, %jit3A_1792, %eq3A_1793 : i32
      %jit3A_1795 = arith.constant 1 : i32
      %select_n3A_1796 = arith.select %eq3A_1794, %jit3A_1795, %jit3A_1792 : i32
      %rem3A_1797 = arith.remsi %sub3A_1791, %select_n3A_1796 : i32
      %ne3A_1798 = arith.constant 0 : i32
      %ne3A_1799 = arith.cmpi ne, %rem3A_1797, %ne3A_1798 : i32
      %lt3A_1800 = arith.constant 0 : i32
      %lt3A_1801 = arith.cmpi slt, %rem3A_1797, %lt3A_1800 : i32
      %lt3A_1802 = arith.constant 0 : i32
      %lt3A_1803 = arith.cmpi slt, %select_n3A_1796, %lt3A_1802 : i32
      %ne3A_1804 = arith.xori %lt3A_1801, %lt3A_1803 : i1
      %and3A_1805 = arith.andi %ne3A_1804, %ne3A_1799 : i1
      %add3A_1806 = arith.addi %rem3A_1797, %select_n3A_1796 : i32
      %select_n3A_1807 = arith.select %and3A_1805, %add3A_1806, %rem3A_1797 : i32
      %mul3A_1808 = arith.constant 8 : i32
      %mul3A_1809 = arith.muli %sub3A_1789, %mul3A_1808 : i32
      %add3A_1810 = arith.addi %mul3A_2, %mul3A_1809 : i32
      %dma_wait3A_1811 = arith.constant 0 : i32
      %dma_wait3A_1812 = arith.constant 0 : i32
      %dma_wait3A_1813 = tpu.memref_slice %arg6[%select_n3A_1807, %dma_wait3A_1811, %dma_wait3A_1812] : memref<8x8x1024xf32, #tpu.memory_space<vmem>> -> memref<1x8x1024xf32, #tpu.memory_space<vmem>>
      %dma_wait3A_1814 = tpu.memref_squeeze %dma_wait3A_1813 : memref<1x8x1024xf32, #tpu.memory_space<vmem>> -> memref<8x1024xf32, #tpu.memory_space<vmem>>
      %dma_wait3A_1815 = arith.constant 0 : i32
      %dma_wait3A_1816 = tpu.memref_slice %arg4[%add3A_1810, %dma_wait3A_1815] : memref<32768x1024xf32, #tpu.memory_space<hbm>> -> memref<8x1024xf32, #tpu.memory_space<hbm>>
      %dma_wait3A_1817 = tpu.memref_slice %arg8[%select_n3A_1807] : memref<8x!tpu.dma_semaphore, #tpu.memory_space<semaphore_mem>> -> memref<1x!tpu.dma_semaphore, #tpu.memory_space<semaphore_mem>>
      %dma_wait3A_1818 = tpu.memref_squeeze %dma_wait3A_1817 : memref<1x!tpu.dma_semaphore, #tpu.memory_space<semaphore_mem>> -> memref<!tpu.dma_semaphore, #tpu.memory_space<semaphore_mem>>
      %dma_wait3A_1819 = arith.constant 0 : i32
      %dma_wait3A_1820 = tpu.memref_slice %arg4[%add3A_1810, %dma_wait3A_1819] : memref<32768x1024xf32, #tpu.memory_space<hbm>> -> memref<8x1024xf32, #tpu.memory_space<hbm>>
      %dma_wait3A_1821 = arith.constant 0 : i32
      %dma_wait3A_1822 = arith.constant 0 : i32
      %dma_wait3A_1823 = tpu.memref_slice %arg6[%select_n3A_1807, %dma_wait3A_1821, %dma_wait3A_1822] : memref<8x8x1024xf32, #tpu.memory_space<vmem>> -> memref<1x8x1024xf32, #tpu.memory_space<vmem>>
      %dma_wait3A_1824 = tpu.memref_squeeze %dma_wait3A_1823 : memref<1x8x1024xf32, #tpu.memory_space<vmem>> -> memref<8x1024xf32, #tpu.memory_space<vmem>>
      tpu.wait_dma2 semaphore(%dma_wait3A_1818 : memref<!tpu.dma_semaphore, #tpu.memory_space<semaphore_mem>>) src(%dma_wait3A_1824 : memref<8x1024xf32, #tpu.memory_space<vmem>>) dst(%dma_wait3A_1820 : memref<8x1024xf32, #tpu.memory_space<hbm>>)
      %add3A_1825 = arith.constant 7 : i32
      %add3A_1826 = arith.addi %add3A_1754, %add3A_1825 : i32
      %add3A_1827 = arith.constant 7 : i32
      %add3A_1828 = arith.addi %add3A_1754, %add3A_1827 : i32
      %jit3A_1829 = arith.constant 8 : i32
      %eq3A_1830 = arith.constant 0 : i32
      %eq3A_1831 = arith.cmpi eq, %jit3A_1829, %eq3A_1830 : i32
      %jit3A_1832 = arith.constant 1 : i32
      %select_n3A_1833 = arith.select %eq3A_1831, %jit3A_1832, %jit3A_1829 : i32
      %rem3A_1834 = arith.remsi %add3A_1828, %select_n3A_1833 : i32
      %ne3A_1835 = arith.constant 0 : i32
      %ne3A_1836 = arith.cmpi ne, %rem3A_1834, %ne3A_1835 : i32
      %lt3A_1837 = arith.constant 0 : i32
      %lt3A_1838 = arith.cmpi slt, %rem3A_1834, %lt3A_1837 : i32
      %lt3A_1839 = arith.constant 0 : i32
      %lt3A_1840 = arith.cmpi slt, %select_n3A_1833, %lt3A_1839 : i32
      %ne3A_1841 = arith.xori %lt3A_1838, %lt3A_1840 : i1
      %and3A_1842 = arith.andi %ne3A_1841, %ne3A_1836 : i1
      %add3A_1843 = arith.addi %rem3A_1834, %select_n3A_1833 : i32
      %select_n3A_1844 = arith.select %and3A_1842, %add3A_1843, %rem3A_1834 : i32
      %mul3A_1845 = arith.constant 8 : i32
      %mul3A_1846 = arith.muli %add3A_1826, %mul3A_1845 : i32
      %dma_start3A_1847 = arith.constant 0 : i32
      %dma_start3A_1848 = arith.constant 0 : i32
      %dma_start3A_1849 = tpu.memref_slice %arg6[%select_n3A_1844, %dma_start3A_1847, %dma_start3A_1848] : memref<8x8x1024xf32, #tpu.memory_space<vmem>> -> memref<1x8x1024xf32, #tpu.memory_space<vmem>>
      %dma_start3A_1850 = tpu.memref_squeeze %dma_start3A_1849 : memref<1x8x1024xf32, #tpu.memory_space<vmem>> -> memref<8x1024xf32, #tpu.memory_space<vmem>>
      %dma_start3A_1851 = tpu.memref_slice %arg5[%mul3A_1846] : memref<1024xi32, #tpu.memory_space<vmem>> -> memref<8xi32, #tpu.memory_space<vmem>>
      %dma_start3A_1852 = arith.constant 0 : i32
      %dma_start3A_1853 = arith.constant 0 : i32
      %dma_start3A_1854 = tpu.memref_slice %arg2[%dma_start3A_1852, %dma_start3A_1853] : memref<8192x1024xf32, #tpu.memory_space<hbm>> -> memref<8192x1024xf32, #tpu.memory_space<hbm>>
      %dma_start3A_1855 = tpu.memref_slice %arg7[%select_n3A_1844] : memref<8x!tpu.dma_semaphore, #tpu.memory_space<semaphore_mem>> -> memref<1x!tpu.dma_semaphore, #tpu.memory_space<semaphore_mem>>
      %dma_start3A_1856 = tpu.memref_squeeze %dma_start3A_1855 : memref<1x!tpu.dma_semaphore, #tpu.memory_space<semaphore_mem>> -> memref<!tpu.dma_semaphore, #tpu.memory_space<semaphore_mem>>
      tpu.enqueue_indirect_dma source(%dma_start3A_1854 : memref<8192x1024xf32, #tpu.memory_space<hbm>>) target(%dma_start3A_1850 : memref<8x1024xf32, #tpu.memory_space<vmem>>) offsets(%dma_start3A_1851 : memref<8xi32, #tpu.memory_space<vmem>>) semaphore(%dma_start3A_1856 : memref<!tpu.dma_semaphore, #tpu.memory_space<semaphore_mem>>)
      %scan3A_1857 = arith.constant 0 : i32
      scf.yield %scan3A_1857 : i32
    }
    %scan3A_575 = arith.constant 14 : i32
    %dma_wait3A_576 = arith.constant 0 : i32
    %dma_wait3A_577 = arith.constant 0 : i32
    %dma_wait3A_578 = arith.constant 0 : i32
    %dma_wait3A_579 = arith.constant 0 : i32
    %dma_wait3A_580 = tpu.memref_slice %arg6[%dma_wait3A_576, %dma_wait3A_578, %dma_wait3A_579] : memref<8x8x1024xf32, #tpu.memory_space<vmem>> -> memref<1x8x1024xf32, #tpu.memory_space<vmem>>
    %dma_wait3A_581 = tpu.memref_squeeze %dma_wait3A_580 : memref<1x8x1024xf32, #tpu.memory_space<vmem>> -> memref<8x1024xf32, #tpu.memory_space<vmem>>
    %dma_wait3A_582 = arith.constant 960 : i32
    %dma_wait3A_583 = tpu.memref_slice %arg5[%dma_wait3A_582] : memref<1024xi32, #tpu.memory_space<vmem>> -> memref<8xi32, #tpu.memory_space<vmem>>
    %dma_wait3A_584 = arith.constant 0 : i32
    %dma_wait3A_585 = arith.constant 0 : i32
    %dma_wait3A_586 = tpu.memref_slice %arg2[%dma_wait3A_584, %dma_wait3A_585] : memref<8192x1024xf32, #tpu.memory_space<hbm>> -> memref<8192x1024xf32, #tpu.memory_space<hbm>>
    %dma_wait3A_587 = tpu.memref_slice %arg7[%dma_wait3A_577] : memref<8x!tpu.dma_semaphore, #tpu.memory_space<semaphore_mem>> -> memref<1x!tpu.dma_semaphore, #tpu.memory_space<semaphore_mem>>
    %dma_wait3A_588 = tpu.memref_squeeze %dma_wait3A_587 : memref<1x!tpu.dma_semaphore, #tpu.memory_space<semaphore_mem>> -> memref<!tpu.dma_semaphore, #tpu.memory_space<semaphore_mem>>
    tpu.wait_indirect_dma semaphore(%dma_wait3A_588 : memref<!tpu.dma_semaphore, #tpu.memory_space<semaphore_mem>>) src(%dma_wait3A_586 : memref<8192x1024xf32, #tpu.memory_space<hbm>>) dst(%dma_wait3A_581 : memref<8x1024xf32, #tpu.memory_space<vmem>>)
    %add3A_589 = arith.constant 960 : i32
    %add3A_590 = arith.addi %mul3A_2, %add3A_589 : i32
    %dma_start3A_591 = arith.constant 0 : i32
    %dma_start3A_592 = arith.constant 0 : i32
    %dma_start3A_593 = arith.constant 0 : i32
    %dma_start3A_594 = arith.constant 0 : i32
    %dma_start3A_595 = tpu.memref_slice %arg6[%dma_start3A_591, %dma_start3A_593, %dma_start3A_594] : memref<8x8x1024xf32, #tpu.memory_space<vmem>> -> memref<1x8x1024xf32, #tpu.memory_space<vmem>>
    %dma_start3A_596 = tpu.memref_squeeze %dma_start3A_595 : memref<1x8x1024xf32, #tpu.memory_space<vmem>> -> memref<8x1024xf32, #tpu.memory_space<vmem>>
    %dma_start3A_597 = arith.constant 0 : i32
    %dma_start3A_598 = tpu.memref_slice %arg4[%add3A_590, %dma_start3A_597] : memref<32768x1024xf32, #tpu.memory_space<hbm>> -> memref<8x1024xf32, #tpu.memory_space<hbm>>
    %dma_start3A_599 = tpu.memref_slice %arg8[%dma_start3A_592] : memref<8x!tpu.dma_semaphore, #tpu.memory_space<semaphore_mem>> -> memref<1x!tpu.dma_semaphore, #tpu.memory_space<semaphore_mem>>
    %dma_start3A_600 = tpu.memref_squeeze %dma_start3A_599 : memref<1x!tpu.dma_semaphore, #tpu.memory_space<semaphore_mem>> -> memref<!tpu.dma_semaphore, #tpu.memory_space<semaphore_mem>>
    %dma_start3A_601 = arith.constant 0 : i32
    %dma_start3A_602 = tpu.memref_slice %arg4[%add3A_590, %dma_start3A_601] : memref<32768x1024xf32, #tpu.memory_space<hbm>> -> memref<8x1024xf32, #tpu.memory_space<hbm>>
    %dma_start3A_603 = arith.constant 0 : i32
    %dma_start3A_604 = arith.constant 0 : i32
    %dma_start3A_605 = tpu.memref_slice %arg6[%dma_start3A_591, %dma_start3A_603, %dma_start3A_604] : memref<8x8x1024xf32, #tpu.memory_space<vmem>> -> memref<1x8x1024xf32, #tpu.memory_space<vmem>>
    %dma_start3A_606 = tpu.memref_squeeze %dma_start3A_605 : memref<1x8x1024xf32, #tpu.memory_space<vmem>> -> memref<8x1024xf32, #tpu.memory_space<vmem>>
    tpu.enqueue_dma source(%dma_start3A_606 : memref<8x1024xf32, #tpu.memory_space<vmem>>) target(%dma_start3A_602 : memref<8x1024xf32, #tpu.memory_space<hbm>>) target_semaphore(%dma_start3A_600 : memref<!tpu.dma_semaphore, #tpu.memory_space<semaphore_mem>>)
    %add3A_607 = arith.constant 952 : i32
    %add3A_608 = arith.addi %mul3A_2, %add3A_607 : i32
    %dma_wait3A_609 = arith.constant 7 : i32
    %dma_wait3A_610 = arith.constant 7 : i32
    %dma_wait3A_611 = arith.constant 0 : i32
    %dma_wait3A_612 = arith.constant 0 : i32
    %dma_wait3A_613 = tpu.memref_slice %arg6[%dma_wait3A_609, %dma_wait3A_611, %dma_wait3A_612] : memref<8x8x1024xf32, #tpu.memory_space<vmem>> -> memref<1x8x1024xf32, #tpu.memory_space<vmem>>
    %dma_wait3A_614 = tpu.memref_squeeze %dma_wait3A_613 : memref<1x8x1024xf32, #tpu.memory_space<vmem>> -> memref<8x1024xf32, #tpu.memory_space<vmem>>
    %dma_wait3A_615 = arith.constant 0 : i32
    %dma_wait3A_616 = tpu.memref_slice %arg4[%add3A_608, %dma_wait3A_615] : memref<32768x1024xf32, #tpu.memory_space<hbm>> -> memref<8x1024xf32, #tpu.memory_space<hbm>>
    %dma_wait3A_617 = tpu.memref_slice %arg8[%dma_wait3A_610] : memref<8x!tpu.dma_semaphore, #tpu.memory_space<semaphore_mem>> -> memref<1x!tpu.dma_semaphore, #tpu.memory_space<semaphore_mem>>
    %dma_wait3A_618 = tpu.memref_squeeze %dma_wait3A_617 : memref<1x!tpu.dma_semaphore, #tpu.memory_space<semaphore_mem>> -> memref<!tpu.dma_semaphore, #tpu.memory_space<semaphore_mem>>
    %dma_wait3A_619 = arith.constant 0 : i32
    %dma_wait3A_620 = tpu.memref_slice %arg4[%add3A_608, %dma_wait3A_619] : memref<32768x1024xf32, #tpu.memory_space<hbm>> -> memref<8x1024xf32, #tpu.memory_space<hbm>>
    %dma_wait3A_621 = arith.constant 0 : i32
    %dma_wait3A_622 = arith.constant 0 : i32
    %dma_wait3A_623 = tpu.memref_slice %arg6[%dma_wait3A_609, %dma_wait3A_621, %dma_wait3A_622] : memref<8x8x1024xf32, #tpu.memory_space<vmem>> -> memref<1x8x1024xf32, #tpu.memory_space<vmem>>
    %dma_wait3A_624 = tpu.memref_squeeze %dma_wait3A_623 : memref<1x8x1024xf32, #tpu.memory_space<vmem>> -> memref<8x1024xf32, #tpu.memory_space<vmem>>
    tpu.wait_dma2 semaphore(%dma_wait3A_618 : memref<!tpu.dma_semaphore, #tpu.memory_space<semaphore_mem>>) src(%dma_wait3A_624 : memref<8x1024xf32, #tpu.memory_space<vmem>>) dst(%dma_wait3A_620 : memref<8x1024xf32, #tpu.memory_space<hbm>>)
    %dma_start3A_625 = arith.constant 7 : i32
    %dma_start3A_626 = arith.constant 7 : i32
    %dma_start3A_627 = arith.constant 0 : i32
    %dma_start3A_628 = arith.constant 0 : i32
    %dma_start3A_629 = tpu.memref_slice %arg6[%dma_start3A_625, %dma_start3A_627, %dma_start3A_628] : memref<8x8x1024xf32, #tpu.memory_space<vmem>> -> memref<1x8x1024xf32, #tpu.memory_space<vmem>>
    %dma_start3A_630 = tpu.memref_squeeze %dma_start3A_629 : memref<1x8x1024xf32, #tpu.memory_space<vmem>> -> memref<8x1024xf32, #tpu.memory_space<vmem>>
    %dma_start3A_631 = arith.constant 1016 : i32
    %dma_start3A_632 = tpu.memref_slice %arg5[%dma_start3A_631] : memref<1024xi32, #tpu.memory_space<vmem>> -> memref<8xi32, #tpu.memory_space<vmem>>
    %dma_start3A_633 = arith.constant 0 : i32
    %dma_start3A_634 = arith.constant 0 : i32
    %dma_start3A_635 = tpu.memref_slice %arg2[%dma_start3A_633, %dma_start3A_634] : memref<8192x1024xf32, #tpu.memory_space<hbm>> -> memref<8192x1024xf32, #tpu.memory_space<hbm>>
    %dma_start3A_636 = tpu.memref_slice %arg7[%dma_start3A_626] : memref<8x!tpu.dma_semaphore, #tpu.memory_space<semaphore_mem>> -> memref<1x!tpu.dma_semaphore, #tpu.memory_space<semaphore_mem>>
    %dma_start3A_637 = tpu.memref_squeeze %dma_start3A_636 : memref<1x!tpu.dma_semaphore, #tpu.memory_space<semaphore_mem>> -> memref<!tpu.dma_semaphore, #tpu.memory_space<semaphore_mem>>
    tpu.enqueue_indirect_dma source(%dma_start3A_635 : memref<8192x1024xf32, #tpu.memory_space<hbm>>) target(%dma_start3A_630 : memref<8x1024xf32, #tpu.memory_space<vmem>>) offsets(%dma_start3A_632 : memref<8xi32, #tpu.memory_space<vmem>>) semaphore(%dma_start3A_637 : memref<!tpu.dma_semaphore, #tpu.memory_space<semaphore_mem>>)
    %dma_wait3A_638 = arith.constant 1 : i32
    %dma_wait3A_639 = arith.constant 1 : i32
    %dma_wait3A_640 = arith.constant 0 : i32
    %dma_wait3A_641 = arith.constant 0 : i32
    %dma_wait3A_642 = tpu.memref_slice %arg6[%dma_wait3A_638, %dma_wait3A_640, %dma_wait3A_641] : memref<8x8x1024xf32, #tpu.memory_space<vmem>> -> memref<1x8x1024xf32, #tpu.memory_space<vmem>>
    %dma_wait3A_643 = tpu.memref_squeeze %dma_wait3A_642 : memref<1x8x1024xf32, #tpu.memory_space<vmem>> -> memref<8x1024xf32, #tpu.memory_space<vmem>>
    %dma_wait3A_644 = arith.constant 968 : i32
    %dma_wait3A_645 = tpu.memref_slice %arg5[%dma_wait3A_644] : memref<1024xi32, #tpu.memory_space<vmem>> -> memref<8xi32, #tpu.memory_space<vmem>>
    %dma_wait3A_646 = arith.constant 0 : i32
    %dma_wait3A_647 = arith.constant 0 : i32
    %dma_wait3A_648 = tpu.memref_slice %arg2[%dma_wait3A_646, %dma_wait3A_647] : memref<8192x1024xf32, #tpu.memory_space<hbm>> -> memref<8192x1024xf32, #tpu.memory_space<hbm>>
    %dma_wait3A_649 = tpu.memref_slice %arg7[%dma_wait3A_639] : memref<8x!tpu.dma_semaphore, #tpu.memory_space<semaphore_mem>> -> memref<1x!tpu.dma_semaphore, #tpu.memory_space<semaphore_mem>>
    %dma_wait3A_650 = tpu.memref_squeeze %dma_wait3A_649 : memref<1x!tpu.dma_semaphore, #tpu.memory_space<semaphore_mem>> -> memref<!tpu.dma_semaphore, #tpu.memory_space<semaphore_mem>>
    tpu.wait_indirect_dma semaphore(%dma_wait3A_650 : memref<!tpu.dma_semaphore, #tpu.memory_space<semaphore_mem>>) src(%dma_wait3A_648 : memref<8192x1024xf32, #tpu.memory_space<hbm>>) dst(%dma_wait3A_643 : memref<8x1024xf32, #tpu.memory_space<vmem>>)
    %add3A_651 = arith.constant 968 : i32
    %add3A_652 = arith.addi %mul3A_2, %add3A_651 : i32
    %dma_start3A_653 = arith.constant 1 : i32
    %dma_start3A_654 = arith.constant 1 : i32
    %dma_start3A_655 = arith.constant 0 : i32
    %dma_start3A_656 = arith.constant 0 : i32
    %dma_start3A_657 = tpu.memref_slice %arg6[%dma_start3A_653, %dma_start3A_655, %dma_start3A_656] : memref<8x8x1024xf32, #tpu.memory_space<vmem>> -> memref<1x8x1024xf32, #tpu.memory_space<vmem>>
    %dma_start3A_658 = tpu.memref_squeeze %dma_start3A_657 : memref<1x8x1024xf32, #tpu.memory_space<vmem>> -> memref<8x1024xf32, #tpu.memory_space<vmem>>
    %dma_start3A_659 = arith.constant 0 : i32
    %dma_start3A_660 = tpu.memref_slice %arg4[%add3A_652, %dma_start3A_659] : memref<32768x1024xf32, #tpu.memory_space<hbm>> -> memref<8x1024xf32, #tpu.memory_space<hbm>>
    %dma_start3A_661 = tpu.memref_slice %arg8[%dma_start3A_654] : memref<8x!tpu.dma_semaphore, #tpu.memory_space<semaphore_mem>> -> memref<1x!tpu.dma_semaphore, #tpu.memory_space<semaphore_mem>>
    %dma_start3A_662 = tpu.memref_squeeze %dma_start3A_661 : memref<1x!tpu.dma_semaphore, #tpu.memory_space<semaphore_mem>> -> memref<!tpu.dma_semaphore, #tpu.memory_space<semaphore_mem>>
    %dma_start3A_663 = arith.constant 0 : i32
    %dma_start3A_664 = tpu.memref_slice %arg4[%add3A_652, %dma_start3A_663] : memref<32768x1024xf32, #tpu.memory_space<hbm>> -> memref<8x1024xf32, #tpu.memory_space<hbm>>
    %dma_start3A_665 = arith.constant 0 : i32
    %dma_start3A_666 = arith.constant 0 : i32
    %dma_start3A_667 = tpu.memref_slice %arg6[%dma_start3A_653, %dma_start3A_665, %dma_start3A_666] : memref<8x8x1024xf32, #tpu.memory_space<vmem>> -> memref<1x8x1024xf32, #tpu.memory_space<vmem>>
    %dma_start3A_668 = tpu.memref_squeeze %dma_start3A_667 : memref<1x8x1024xf32, #tpu.memory_space<vmem>> -> memref<8x1024xf32, #tpu.memory_space<vmem>>
    tpu.enqueue_dma source(%dma_start3A_668 : memref<8x1024xf32, #tpu.memory_space<vmem>>) target(%dma_start3A_664 : memref<8x1024xf32, #tpu.memory_space<hbm>>) target_semaphore(%dma_start3A_662 : memref<!tpu.dma_semaphore, #tpu.memory_space<semaphore_mem>>)
    %add3A_669 = arith.constant 960 : i32
    %add3A_670 = arith.addi %mul3A_2, %add3A_669 : i32
    %dma_wait3A_671 = arith.constant 0 : i32
    %dma_wait3A_672 = arith.constant 0 : i32
    %dma_wait3A_673 = arith.constant 0 : i32
    %dma_wait3A_674 = arith.constant 0 : i32
    %dma_wait3A_675 = tpu.memref_slice %arg6[%dma_wait3A_671, %dma_wait3A_673, %dma_wait3A_674] : memref<8x8x1024xf32, #tpu.memory_space<vmem>> -> memref<1x8x1024xf32, #tpu.memory_space<vmem>>
    %dma_wait3A_676 = tpu.memref_squeeze %dma_wait3A_675 : memref<1x8x1024xf32, #tpu.memory_space<vmem>> -> memref<8x1024xf32, #tpu.memory_space<vmem>>
    %dma_wait3A_677 = arith.constant 0 : i32
    %dma_wait3A_678 = tpu.memref_slice %arg4[%add3A_670, %dma_wait3A_677] : memref<32768x1024xf32, #tpu.memory_space<hbm>> -> memref<8x1024xf32, #tpu.memory_space<hbm>>
    %dma_wait3A_679 = tpu.memref_slice %arg8[%dma_wait3A_672] : memref<8x!tpu.dma_semaphore, #tpu.memory_space<semaphore_mem>> -> memref<1x!tpu.dma_semaphore, #tpu.memory_space<semaphore_mem>>
    %dma_wait3A_680 = tpu.memref_squeeze %dma_wait3A_679 : memref<1x!tpu.dma_semaphore, #tpu.memory_space<semaphore_mem>> -> memref<!tpu.dma_semaphore, #tpu.memory_space<semaphore_mem>>
    %dma_wait3A_681 = arith.constant 0 : i32
    %dma_wait3A_682 = tpu.memref_slice %arg4[%add3A_670, %dma_wait3A_681] : memref<32768x1024xf32, #tpu.memory_space<hbm>> -> memref<8x1024xf32, #tpu.memory_space<hbm>>
    %dma_wait3A_683 = arith.constant 0 : i32
    %dma_wait3A_684 = arith.constant 0 : i32
    %dma_wait3A_685 = tpu.memref_slice %arg6[%dma_wait3A_671, %dma_wait3A_683, %dma_wait3A_684] : memref<8x8x1024xf32, #tpu.memory_space<vmem>> -> memref<1x8x1024xf32, #tpu.memory_space<vmem>>
    %dma_wait3A_686 = tpu.memref_squeeze %dma_wait3A_685 : memref<1x8x1024xf32, #tpu.memory_space<vmem>> -> memref<8x1024xf32, #tpu.memory_space<vmem>>
    tpu.wait_dma2 semaphore(%dma_wait3A_680 : memref<!tpu.dma_semaphore, #tpu.memory_space<semaphore_mem>>) src(%dma_wait3A_686 : memref<8x1024xf32, #tpu.memory_space<vmem>>) dst(%dma_wait3A_682 : memref<8x1024xf32, #tpu.memory_space<hbm>>)
    %dma_wait3A_687 = arith.constant 2 : i32
    %dma_wait3A_688 = arith.constant 2 : i32
    %dma_wait3A_689 = arith.constant 0 : i32
    %dma_wait3A_690 = arith.constant 0 : i32
    %dma_wait3A_691 = tpu.memref_slice %arg6[%dma_wait3A_687, %dma_wait3A_689, %dma_wait3A_690] : memref<8x8x1024xf32, #tpu.memory_space<vmem>> -> memref<1x8x1024xf32, #tpu.memory_space<vmem>>
    %dma_wait3A_692 = tpu.memref_squeeze %dma_wait3A_691 : memref<1x8x1024xf32, #tpu.memory_space<vmem>> -> memref<8x1024xf32, #tpu.memory_space<vmem>>
    %dma_wait3A_693 = arith.constant 976 : i32
    %dma_wait3A_694 = tpu.memref_slice %arg5[%dma_wait3A_693] : memref<1024xi32, #tpu.memory_space<vmem>> -> memref<8xi32, #tpu.memory_space<vmem>>
    %dma_wait3A_695 = arith.constant 0 : i32
    %dma_wait3A_696 = arith.constant 0 : i32
    %dma_wait3A_697 = tpu.memref_slice %arg2[%dma_wait3A_695, %dma_wait3A_696] : memref<8192x1024xf32, #tpu.memory_space<hbm>> -> memref<8192x1024xf32, #tpu.memory_space<hbm>>
    %dma_wait3A_698 = tpu.memref_slice %arg7[%dma_wait3A_688] : memref<8x!tpu.dma_semaphore, #tpu.memory_space<semaphore_mem>> -> memref<1x!tpu.dma_semaphore, #tpu.memory_space<semaphore_mem>>
    %dma_wait3A_699 = tpu.memref_squeeze %dma_wait3A_698 : memref<1x!tpu.dma_semaphore, #tpu.memory_space<semaphore_mem>> -> memref<!tpu.dma_semaphore, #tpu.memory_space<semaphore_mem>>
    tpu.wait_indirect_dma semaphore(%dma_wait3A_699 : memref<!tpu.dma_semaphore, #tpu.memory_space<semaphore_mem>>) src(%dma_wait3A_697 : memref<8192x1024xf32, #tpu.memory_space<hbm>>) dst(%dma_wait3A_692 : memref<8x1024xf32, #tpu.memory_space<vmem>>)
    %add3A_700 = arith.constant 976 : i32
    %add3A_701 = arith.addi %mul3A_2, %add3A_700 : i32
    %dma_start3A_702 = arith.constant 2 : i32
    %dma_start3A_703 = arith.constant 2 : i32
    %dma_start3A_704 = arith.constant 0 : i32
    %dma_start3A_705 = arith.constant 0 : i32
    %dma_start3A_706 = tpu.memref_slice %arg6[%dma_start3A_702, %dma_start3A_704, %dma_start3A_705] : memref<8x8x1024xf32, #tpu.memory_space<vmem>> -> memref<1x8x1024xf32, #tpu.memory_space<vmem>>
    %dma_start3A_707 = tpu.memref_squeeze %dma_start3A_706 : memref<1x8x1024xf32, #tpu.memory_space<vmem>> -> memref<8x1024xf32, #tpu.memory_space<vmem>>
    %dma_start3A_708 = arith.constant 0 : i32
    %dma_start3A_709 = tpu.memref_slice %arg4[%add3A_701, %dma_start3A_708] : memref<32768x1024xf32, #tpu.memory_space<hbm>> -> memref<8x1024xf32, #tpu.memory_space<hbm>>
    %dma_start3A_710 = tpu.memref_slice %arg8[%dma_start3A_703] : memref<8x!tpu.dma_semaphore, #tpu.memory_space<semaphore_mem>> -> memref<1x!tpu.dma_semaphore, #tpu.memory_space<semaphore_mem>>
    %dma_start3A_711 = tpu.memref_squeeze %dma_start3A_710 : memref<1x!tpu.dma_semaphore, #tpu.memory_space<semaphore_mem>> -> memref<!tpu.dma_semaphore, #tpu.memory_space<semaphore_mem>>
    %dma_start3A_712 = arith.constant 0 : i32
    %dma_start3A_713 = tpu.memref_slice %arg4[%add3A_701, %dma_start3A_712] : memref<32768x1024xf32, #tpu.memory_space<hbm>> -> memref<8x1024xf32, #tpu.memory_space<hbm>>
    %dma_start3A_714 = arith.constant 0 : i32
    %dma_start3A_715 = arith.constant 0 : i32
    %dma_start3A_716 = tpu.memref_slice %arg6[%dma_start3A_702, %dma_start3A_714, %dma_start3A_715] : memref<8x8x1024xf32, #tpu.memory_space<vmem>> -> memref<1x8x1024xf32, #tpu.memory_space<vmem>>
    %dma_start3A_717 = tpu.memref_squeeze %dma_start3A_716 : memref<1x8x1024xf32, #tpu.memory_space<vmem>> -> memref<8x1024xf32, #tpu.memory_space<vmem>>
    tpu.enqueue_dma source(%dma_start3A_717 : memref<8x1024xf32, #tpu.memory_space<vmem>>) target(%dma_start3A_713 : memref<8x1024xf32, #tpu.memory_space<hbm>>) target_semaphore(%dma_start3A_711 : memref<!tpu.dma_semaphore, #tpu.memory_space<semaphore_mem>>)
    %add3A_718 = arith.constant 968 : i32
    %add3A_719 = arith.addi %mul3A_2, %add3A_718 : i32
    %dma_wait3A_720 = arith.constant 1 : i32
    %dma_wait3A_721 = arith.constant 1 : i32
    %dma_wait3A_722 = arith.constant 0 : i32
    %dma_wait3A_723 = arith.constant 0 : i32
    %dma_wait3A_724 = tpu.memref_slice %arg6[%dma_wait3A_720, %dma_wait3A_722, %dma_wait3A_723] : memref<8x8x1024xf32, #tpu.memory_space<vmem>> -> memref<1x8x1024xf32, #tpu.memory_space<vmem>>
    %dma_wait3A_725 = tpu.memref_squeeze %dma_wait3A_724 : memref<1x8x1024xf32, #tpu.memory_space<vmem>> -> memref<8x1024xf32, #tpu.memory_space<vmem>>
    %dma_wait3A_726 = arith.constant 0 : i32
    %dma_wait3A_727 = tpu.memref_slice %arg4[%add3A_719, %dma_wait3A_726] : memref<32768x1024xf32, #tpu.memory_space<hbm>> -> memref<8x1024xf32, #tpu.memory_space<hbm>>
    %dma_wait3A_728 = tpu.memref_slice %arg8[%dma_wait3A_721] : memref<8x!tpu.dma_semaphore, #tpu.memory_space<semaphore_mem>> -> memref<1x!tpu.dma_semaphore, #tpu.memory_space<semaphore_mem>>
    %dma_wait3A_729 = tpu.memref_squeeze %dma_wait3A_728 : memref<1x!tpu.dma_semaphore, #tpu.memory_space<semaphore_mem>> -> memref<!tpu.dma_semaphore, #tpu.memory_space<semaphore_mem>>
    %dma_wait3A_730 = arith.constant 0 : i32
    %dma_wait3A_731 = tpu.memref_slice %arg4[%add3A_719, %dma_wait3A_730] : memref<32768x1024xf32, #tpu.memory_space<hbm>> -> memref<8x1024xf32, #tpu.memory_space<hbm>>
    %dma_wait3A_732 = arith.constant 0 : i32
    %dma_wait3A_733 = arith.constant 0 : i32
    %dma_wait3A_734 = tpu.memref_slice %arg6[%dma_wait3A_720, %dma_wait3A_732, %dma_wait3A_733] : memref<8x8x1024xf32, #tpu.memory_space<vmem>> -> memref<1x8x1024xf32, #tpu.memory_space<vmem>>
    %dma_wait3A_735 = tpu.memref_squeeze %dma_wait3A_734 : memref<1x8x1024xf32, #tpu.memory_space<vmem>> -> memref<8x1024xf32, #tpu.memory_space<vmem>>
    tpu.wait_dma2 semaphore(%dma_wait3A_729 : memref<!tpu.dma_semaphore, #tpu.memory_space<semaphore_mem>>) src(%dma_wait3A_735 : memref<8x1024xf32, #tpu.memory_space<vmem>>) dst(%dma_wait3A_731 : memref<8x1024xf32, #tpu.memory_space<hbm>>)
    %dma_wait3A_736 = arith.constant 3 : i32
    %dma_wait3A_737 = arith.constant 3 : i32
    %dma_wait3A_738 = arith.constant 0 : i32
    %dma_wait3A_739 = arith.constant 0 : i32
    %dma_wait3A_740 = tpu.memref_slice %arg6[%dma_wait3A_736, %dma_wait3A_738, %dma_wait3A_739] : memref<8x8x1024xf32, #tpu.memory_space<vmem>> -> memref<1x8x1024xf32, #tpu.memory_space<vmem>>
    %dma_wait3A_741 = tpu.memref_squeeze %dma_wait3A_740 : memref<1x8x1024xf32, #tpu.memory_space<vmem>> -> memref<8x1024xf32, #tpu.memory_space<vmem>>
    %dma_wait3A_742 = arith.constant 984 : i32
    %dma_wait3A_743 = tpu.memref_slice %arg5[%dma_wait3A_742] : memref<1024xi32, #tpu.memory_space<vmem>> -> memref<8xi32, #tpu.memory_space<vmem>>
    %dma_wait3A_744 = arith.constant 0 : i32
    %dma_wait3A_745 = arith.constant 0 : i32
    %dma_wait3A_746 = tpu.memref_slice %arg2[%dma_wait3A_744, %dma_wait3A_745] : memref<8192x1024xf32, #tpu.memory_space<hbm>> -> memref<8192x1024xf32, #tpu.memory_space<hbm>>
    %dma_wait3A_747 = tpu.memref_slice %arg7[%dma_wait3A_737] : memref<8x!tpu.dma_semaphore, #tpu.memory_space<semaphore_mem>> -> memref<1x!tpu.dma_semaphore, #tpu.memory_space<semaphore_mem>>
    %dma_wait3A_748 = tpu.memref_squeeze %dma_wait3A_747 : memref<1x!tpu.dma_semaphore, #tpu.memory_space<semaphore_mem>> -> memref<!tpu.dma_semaphore, #tpu.memory_space<semaphore_mem>>
    tpu.wait_indirect_dma semaphore(%dma_wait3A_748 : memref<!tpu.dma_semaphore, #tpu.memory_space<semaphore_mem>>) src(%dma_wait3A_746 : memref<8192x1024xf32, #tpu.memory_space<hbm>>) dst(%dma_wait3A_741 : memref<8x1024xf32, #tpu.memory_space<vmem>>)
    %add3A_749 = arith.constant 984 : i32
    %add3A_750 = arith.addi %mul3A_2, %add3A_749 : i32
    %dma_start3A_751 = arith.constant 3 : i32
    %dma_start3A_752 = arith.constant 3 : i32
    %dma_start3A_753 = arith.constant 0 : i32
    %dma_start3A_754 = arith.constant 0 : i32
    %dma_start3A_755 = tpu.memref_slice %arg6[%dma_start3A_751, %dma_start3A_753, %dma_start3A_754] : memref<8x8x1024xf32, #tpu.memory_space<vmem>> -> memref<1x8x1024xf32, #tpu.memory_space<vmem>>
    %dma_start3A_756 = tpu.memref_squeeze %dma_start3A_755 : memref<1x8x1024xf32, #tpu.memory_space<vmem>> -> memref<8x1024xf32, #tpu.memory_space<vmem>>
    %dma_start3A_757 = arith.constant 0 : i32
    %dma_start3A_758 = tpu.memref_slice %arg4[%add3A_750, %dma_start3A_757] : memref<32768x1024xf32, #tpu.memory_space<hbm>> -> memref<8x1024xf32, #tpu.memory_space<hbm>>
    %dma_start3A_759 = tpu.memref_slice %arg8[%dma_start3A_752] : memref<8x!tpu.dma_semaphore, #tpu.memory_space<semaphore_mem>> -> memref<1x!tpu.dma_semaphore, #tpu.memory_space<semaphore_mem>>
    %dma_start3A_760 = tpu.memref_squeeze %dma_start3A_759 : memref<1x!tpu.dma_semaphore, #tpu.memory_space<semaphore_mem>> -> memref<!tpu.dma_semaphore, #tpu.memory_space<semaphore_mem>>
    %dma_start3A_761 = arith.constant 0 : i32
    %dma_start3A_762 = tpu.memref_slice %arg4[%add3A_750, %dma_start3A_761] : memref<32768x1024xf32, #tpu.memory_space<hbm>> -> memref<8x1024xf32, #tpu.memory_space<hbm>>
    %dma_start3A_763 = arith.constant 0 : i32
    %dma_start3A_764 = arith.constant 0 : i32
    %dma_start3A_765 = tpu.memref_slice %arg6[%dma_start3A_751, %dma_start3A_763, %dma_start3A_764] : memref<8x8x1024xf32, #tpu.memory_space<vmem>> -> memref<1x8x1024xf32, #tpu.memory_space<vmem>>
    %dma_start3A_766 = tpu.memref_squeeze %dma_start3A_765 : memref<1x8x1024xf32, #tpu.memory_space<vmem>> -> memref<8x1024xf32, #tpu.memory_space<vmem>>
    tpu.enqueue_dma source(%dma_start3A_766 : memref<8x1024xf32, #tpu.memory_space<vmem>>) target(%dma_start3A_762 : memref<8x1024xf32, #tpu.memory_space<hbm>>) target_semaphore(%dma_start3A_760 : memref<!tpu.dma_semaphore, #tpu.memory_space<semaphore_mem>>)
    %add3A_767 = arith.constant 976 : i32
    %add3A_768 = arith.addi %mul3A_2, %add3A_767 : i32
    %dma_wait3A_769 = arith.constant 2 : i32
    %dma_wait3A_770 = arith.constant 2 : i32
    %dma_wait3A_771 = arith.constant 0 : i32
    %dma_wait3A_772 = arith.constant 0 : i32
    %dma_wait3A_773 = tpu.memref_slice %arg6[%dma_wait3A_769, %dma_wait3A_771, %dma_wait3A_772] : memref<8x8x1024xf32, #tpu.memory_space<vmem>> -> memref<1x8x1024xf32, #tpu.memory_space<vmem>>
    %dma_wait3A_774 = tpu.memref_squeeze %dma_wait3A_773 : memref<1x8x1024xf32, #tpu.memory_space<vmem>> -> memref<8x1024xf32, #tpu.memory_space<vmem>>
    %dma_wait3A_775 = arith.constant 0 : i32
    %dma_wait3A_776 = tpu.memref_slice %arg4[%add3A_768, %dma_wait3A_775] : memref<32768x1024xf32, #tpu.memory_space<hbm>> -> memref<8x1024xf32, #tpu.memory_space<hbm>>
    %dma_wait3A_777 = tpu.memref_slice %arg8[%dma_wait3A_770] : memref<8x!tpu.dma_semaphore, #tpu.memory_space<semaphore_mem>> -> memref<1x!tpu.dma_semaphore, #tpu.memory_space<semaphore_mem>>
    %dma_wait3A_778 = tpu.memref_squeeze %dma_wait3A_777 : memref<1x!tpu.dma_semaphore, #tpu.memory_space<semaphore_mem>> -> memref<!tpu.dma_semaphore, #tpu.memory_space<semaphore_mem>>
    %dma_wait3A_779 = arith.constant 0 : i32
    %dma_wait3A_780 = tpu.memref_slice %arg4[%add3A_768, %dma_wait3A_779] : memref<32768x1024xf32, #tpu.memory_space<hbm>> -> memref<8x1024xf32, #tpu.memory_space<hbm>>
    %dma_wait3A_781 = arith.constant 0 : i32
    %dma_wait3A_782 = arith.constant 0 : i32
    %dma_wait3A_783 = tpu.memref_slice %arg6[%dma_wait3A_769, %dma_wait3A_781, %dma_wait3A_782] : memref<8x8x1024xf32, #tpu.memory_space<vmem>> -> memref<1x8x1024xf32, #tpu.memory_space<vmem>>
    %dma_wait3A_784 = tpu.memref_squeeze %dma_wait3A_783 : memref<1x8x1024xf32, #tpu.memory_space<vmem>> -> memref<8x1024xf32, #tpu.memory_space<vmem>>
    tpu.wait_dma2 semaphore(%dma_wait3A_778 : memref<!tpu.dma_semaphore, #tpu.memory_space<semaphore_mem>>) src(%dma_wait3A_784 : memref<8x1024xf32, #tpu.memory_space<vmem>>) dst(%dma_wait3A_780 : memref<8x1024xf32, #tpu.memory_space<hbm>>)
    %dma_wait3A_785 = arith.constant 4 : i32
    %dma_wait3A_786 = arith.constant 4 : i32
    %dma_wait3A_787 = arith.constant 0 : i32
    %dma_wait3A_788 = arith.constant 0 : i32
    %dma_wait3A_789 = tpu.memref_slice %arg6[%dma_wait3A_785, %dma_wait3A_787, %dma_wait3A_788] : memref<8x8x1024xf32, #tpu.memory_space<vmem>> -> memref<1x8x1024xf32, #tpu.memory_space<vmem>>
    %dma_wait3A_790 = tpu.memref_squeeze %dma_wait3A_789 : memref<1x8x1024xf32, #tpu.memory_space<vmem>> -> memref<8x1024xf32, #tpu.memory_space<vmem>>
    %dma_wait3A_791 = arith.constant 992 : i32
    %dma_wait3A_792 = tpu.memref_slice %arg5[%dma_wait3A_791] : memref<1024xi32, #tpu.memory_space<vmem>> -> memref<8xi32, #tpu.memory_space<vmem>>
    %dma_wait3A_793 = arith.constant 0 : i32
    %dma_wait3A_794 = arith.constant 0 : i32
    %dma_wait3A_795 = tpu.memref_slice %arg2[%dma_wait3A_793, %dma_wait3A_794] : memref<8192x1024xf32, #tpu.memory_space<hbm>> -> memref<8192x1024xf32, #tpu.memory_space<hbm>>
    %dma_wait3A_796 = tpu.memref_slice %arg7[%dma_wait3A_786] : memref<8x!tpu.dma_semaphore, #tpu.memory_space<semaphore_mem>> -> memref<1x!tpu.dma_semaphore, #tpu.memory_space<semaphore_mem>>
    %dma_wait3A_797 = tpu.memref_squeeze %dma_wait3A_796 : memref<1x!tpu.dma_semaphore, #tpu.memory_space<semaphore_mem>> -> memref<!tpu.dma_semaphore, #tpu.memory_space<semaphore_mem>>
    tpu.wait_indirect_dma semaphore(%dma_wait3A_797 : memref<!tpu.dma_semaphore, #tpu.memory_space<semaphore_mem>>) src(%dma_wait3A_795 : memref<8192x1024xf32, #tpu.memory_space<hbm>>) dst(%dma_wait3A_790 : memref<8x1024xf32, #tpu.memory_space<vmem>>)
    %add3A_798 = arith.constant 992 : i32
    %add3A_799 = arith.addi %mul3A_2, %add3A_798 : i32
    %dma_start3A_800 = arith.constant 4 : i32
    %dma_start3A_801 = arith.constant 4 : i32
    %dma_start3A_802 = arith.constant 0 : i32
    %dma_start3A_803 = arith.constant 0 : i32
    %dma_start3A_804 = tpu.memref_slice %arg6[%dma_start3A_800, %dma_start3A_802, %dma_start3A_803] : memref<8x8x1024xf32, #tpu.memory_space<vmem>> -> memref<1x8x1024xf32, #tpu.memory_space<vmem>>
    %dma_start3A_805 = tpu.memref_squeeze %dma_start3A_804 : memref<1x8x1024xf32, #tpu.memory_space<vmem>> -> memref<8x1024xf32, #tpu.memory_space<vmem>>
    %dma_start3A_806 = arith.constant 0 : i32
    %dma_start3A_807 = tpu.memref_slice %arg4[%add3A_799, %dma_start3A_806] : memref<32768x1024xf32, #tpu.memory_space<hbm>> -> memref<8x1024xf32, #tpu.memory_space<hbm>>
    %dma_start3A_808 = tpu.memref_slice %arg8[%dma_start3A_801] : memref<8x!tpu.dma_semaphore, #tpu.memory_space<semaphore_mem>> -> memref<1x!tpu.dma_semaphore, #tpu.memory_space<semaphore_mem>>
    %dma_start3A_809 = tpu.memref_squeeze %dma_start3A_808 : memref<1x!tpu.dma_semaphore, #tpu.memory_space<semaphore_mem>> -> memref<!tpu.dma_semaphore, #tpu.memory_space<semaphore_mem>>
    %dma_start3A_810 = arith.constant 0 : i32
    %dma_start3A_811 = tpu.memref_slice %arg4[%add3A_799, %dma_start3A_810] : memref<32768x1024xf32, #tpu.memory_space<hbm>> -> memref<8x1024xf32, #tpu.memory_space<hbm>>
    %dma_start3A_812 = arith.constant 0 : i32
    %dma_start3A_813 = arith.constant 0 : i32
    %dma_start3A_814 = tpu.memref_slice %arg6[%dma_start3A_800, %dma_start3A_812, %dma_start3A_813] : memref<8x8x1024xf32, #tpu.memory_space<vmem>> -> memref<1x8x1024xf32, #tpu.memory_space<vmem>>
    %dma_start3A_815 = tpu.memref_squeeze %dma_start3A_814 : memref<1x8x1024xf32, #tpu.memory_space<vmem>> -> memref<8x1024xf32, #tpu.memory_space<vmem>>
    tpu.enqueue_dma source(%dma_start3A_815 : memref<8x1024xf32, #tpu.memory_space<vmem>>) target(%dma_start3A_811 : memref<8x1024xf32, #tpu.memory_space<hbm>>) target_semaphore(%dma_start3A_809 : memref<!tpu.dma_semaphore, #tpu.memory_space<semaphore_mem>>)
    %add3A_816 = arith.constant 984 : i32
    %add3A_817 = arith.addi %mul3A_2, %add3A_816 : i32
    %dma_wait3A_818 = arith.constant 3 : i32
    %dma_wait3A_819 = arith.constant 3 : i32
    %dma_wait3A_820 = arith.constant 0 : i32
    %dma_wait3A_821 = arith.constant 0 : i32
    %dma_wait3A_822 = tpu.memref_slice %arg6[%dma_wait3A_818, %dma_wait3A_820, %dma_wait3A_821] : memref<8x8x1024xf32, #tpu.memory_space<vmem>> -> memref<1x8x1024xf32, #tpu.memory_space<vmem>>
    %dma_wait3A_823 = tpu.memref_squeeze %dma_wait3A_822 : memref<1x8x1024xf32, #tpu.memory_space<vmem>> -> memref<8x1024xf32, #tpu.memory_space<vmem>>
    %dma_wait3A_824 = arith.constant 0 : i32
    %dma_wait3A_825 = tpu.memref_slice %arg4[%add3A_817, %dma_wait3A_824] : memref<32768x1024xf32, #tpu.memory_space<hbm>> -> memref<8x1024xf32, #tpu.memory_space<hbm>>
    %dma_wait3A_826 = tpu.memref_slice %arg8[%dma_wait3A_819] : memref<8x!tpu.dma_semaphore, #tpu.memory_space<semaphore_mem>> -> memref<1x!tpu.dma_semaphore, #tpu.memory_space<semaphore_mem>>
    %dma_wait3A_827 = tpu.memref_squeeze %dma_wait3A_826 : memref<1x!tpu.dma_semaphore, #tpu.memory_space<semaphore_mem>> -> memref<!tpu.dma_semaphore, #tpu.memory_space<semaphore_mem>>
    %dma_wait3A_828 = arith.constant 0 : i32
    %dma_wait3A_829 = tpu.memref_slice %arg4[%add3A_817, %dma_wait3A_828] : memref<32768x1024xf32, #tpu.memory_space<hbm>> -> memref<8x1024xf32, #tpu.memory_space<hbm>>
    %dma_wait3A_830 = arith.constant 0 : i32
    %dma_wait3A_831 = arith.constant 0 : i32
    %dma_wait3A_832 = tpu.memref_slice %arg6[%dma_wait3A_818, %dma_wait3A_830, %dma_wait3A_831] : memref<8x8x1024xf32, #tpu.memory_space<vmem>> -> memref<1x8x1024xf32, #tpu.memory_space<vmem>>
    %dma_wait3A_833 = tpu.memref_squeeze %dma_wait3A_832 : memref<1x8x1024xf32, #tpu.memory_space<vmem>> -> memref<8x1024xf32, #tpu.memory_space<vmem>>
    tpu.wait_dma2 semaphore(%dma_wait3A_827 : memref<!tpu.dma_semaphore, #tpu.memory_space<semaphore_mem>>) src(%dma_wait3A_833 : memref<8x1024xf32, #tpu.memory_space<vmem>>) dst(%dma_wait3A_829 : memref<8x1024xf32, #tpu.memory_space<hbm>>)
    %dma_wait3A_834 = arith.constant 5 : i32
    %dma_wait3A_835 = arith.constant 5 : i32
    %dma_wait3A_836 = arith.constant 0 : i32
    %dma_wait3A_837 = arith.constant 0 : i32
    %dma_wait3A_838 = tpu.memref_slice %arg6[%dma_wait3A_834, %dma_wait3A_836, %dma_wait3A_837] : memref<8x8x1024xf32, #tpu.memory_space<vmem>> -> memref<1x8x1024xf32, #tpu.memory_space<vmem>>
    %dma_wait3A_839 = tpu.memref_squeeze %dma_wait3A_838 : memref<1x8x1024xf32, #tpu.memory_space<vmem>> -> memref<8x1024xf32, #tpu.memory_space<vmem>>
    %dma_wait3A_840 = arith.constant 1000 : i32
    %dma_wait3A_841 = tpu.memref_slice %arg5[%dma_wait3A_840] : memref<1024xi32, #tpu.memory_space<vmem>> -> memref<8xi32, #tpu.memory_space<vmem>>
    %dma_wait3A_842 = arith.constant 0 : i32
    %dma_wait3A_843 = arith.constant 0 : i32
    %dma_wait3A_844 = tpu.memref_slice %arg2[%dma_wait3A_842, %dma_wait3A_843] : memref<8192x1024xf32, #tpu.memory_space<hbm>> -> memref<8192x1024xf32, #tpu.memory_space<hbm>>
    %dma_wait3A_845 = tpu.memref_slice %arg7[%dma_wait3A_835] : memref<8x!tpu.dma_semaphore, #tpu.memory_space<semaphore_mem>> -> memref<1x!tpu.dma_semaphore, #tpu.memory_space<semaphore_mem>>
    %dma_wait3A_846 = tpu.memref_squeeze %dma_wait3A_845 : memref<1x!tpu.dma_semaphore, #tpu.memory_space<semaphore_mem>> -> memref<!tpu.dma_semaphore, #tpu.memory_space<semaphore_mem>>
    tpu.wait_indirect_dma semaphore(%dma_wait3A_846 : memref<!tpu.dma_semaphore, #tpu.memory_space<semaphore_mem>>) src(%dma_wait3A_844 : memref<8192x1024xf32, #tpu.memory_space<hbm>>) dst(%dma_wait3A_839 : memref<8x1024xf32, #tpu.memory_space<vmem>>)
    %add3A_847 = arith.constant 1000 : i32
    %add3A_848 = arith.addi %mul3A_2, %add3A_847 : i32
    %dma_start3A_849 = arith.constant 5 : i32
    %dma_start3A_850 = arith.constant 5 : i32
    %dma_start3A_851 = arith.constant 0 : i32
    %dma_start3A_852 = arith.constant 0 : i32
    %dma_start3A_853 = tpu.memref_slice %arg6[%dma_start3A_849, %dma_start3A_851, %dma_start3A_852] : memref<8x8x1024xf32, #tpu.memory_space<vmem>> -> memref<1x8x1024xf32, #tpu.memory_space<vmem>>
    %dma_start3A_854 = tpu.memref_squeeze %dma_start3A_853 : memref<1x8x1024xf32, #tpu.memory_space<vmem>> -> memref<8x1024xf32, #tpu.memory_space<vmem>>
    %dma_start3A_855 = arith.constant 0 : i32
    %dma_start3A_856 = tpu.memref_slice %arg4[%add3A_848, %dma_start3A_855] : memref<32768x1024xf32, #tpu.memory_space<hbm>> -> memref<8x1024xf32, #tpu.memory_space<hbm>>
    %dma_start3A_857 = tpu.memref_slice %arg8[%dma_start3A_850] : memref<8x!tpu.dma_semaphore, #tpu.memory_space<semaphore_mem>> -> memref<1x!tpu.dma_semaphore, #tpu.memory_space<semaphore_mem>>
    %dma_start3A_858 = tpu.memref_squeeze %dma_start3A_857 : memref<1x!tpu.dma_semaphore, #tpu.memory_space<semaphore_mem>> -> memref<!tpu.dma_semaphore, #tpu.memory_space<semaphore_mem>>
    %dma_start3A_859 = arith.constant 0 : i32
    %dma_start3A_860 = tpu.memref_slice %arg4[%add3A_848, %dma_start3A_859] : memref<32768x1024xf32, #tpu.memory_space<hbm>> -> memref<8x1024xf32, #tpu.memory_space<hbm>>
    %dma_start3A_861 = arith.constant 0 : i32
    %dma_start3A_862 = arith.constant 0 : i32
    %dma_start3A_863 = tpu.memref_slice %arg6[%dma_start3A_849, %dma_start3A_861, %dma_start3A_862] : memref<8x8x1024xf32, #tpu.memory_space<vmem>> -> memref<1x8x1024xf32, #tpu.memory_space<vmem>>
    %dma_start3A_864 = tpu.memref_squeeze %dma_start3A_863 : memref<1x8x1024xf32, #tpu.memory_space<vmem>> -> memref<8x1024xf32, #tpu.memory_space<vmem>>
    tpu.enqueue_dma source(%dma_start3A_864 : memref<8x1024xf32, #tpu.memory_space<vmem>>) target(%dma_start3A_860 : memref<8x1024xf32, #tpu.memory_space<hbm>>) target_semaphore(%dma_start3A_858 : memref<!tpu.dma_semaphore, #tpu.memory_space<semaphore_mem>>)
    %add3A_865 = arith.constant 992 : i32
    %add3A_866 = arith.addi %mul3A_2, %add3A_865 : i32
    %dma_wait3A_867 = arith.constant 4 : i32
    %dma_wait3A_868 = arith.constant 4 : i32
    %dma_wait3A_869 = arith.constant 0 : i32
    %dma_wait3A_870 = arith.constant 0 : i32
    %dma_wait3A_871 = tpu.memref_slice %arg6[%dma_wait3A_867, %dma_wait3A_869, %dma_wait3A_870] : memref<8x8x1024xf32, #tpu.memory_space<vmem>> -> memref<1x8x1024xf32, #tpu.memory_space<vmem>>
    %dma_wait3A_872 = tpu.memref_squeeze %dma_wait3A_871 : memref<1x8x1024xf32, #tpu.memory_space<vmem>> -> memref<8x1024xf32, #tpu.memory_space<vmem>>
    %dma_wait3A_873 = arith.constant 0 : i32
    %dma_wait3A_874 = tpu.memref_slice %arg4[%add3A_866, %dma_wait3A_873] : memref<32768x1024xf32, #tpu.memory_space<hbm>> -> memref<8x1024xf32, #tpu.memory_space<hbm>>
    %dma_wait3A_875 = tpu.memref_slice %arg8[%dma_wait3A_868] : memref<8x!tpu.dma_semaphore, #tpu.memory_space<semaphore_mem>> -> memref<1x!tpu.dma_semaphore, #tpu.memory_space<semaphore_mem>>
    %dma_wait3A_876 = tpu.memref_squeeze %dma_wait3A_875 : memref<1x!tpu.dma_semaphore, #tpu.memory_space<semaphore_mem>> -> memref<!tpu.dma_semaphore, #tpu.memory_space<semaphore_mem>>
    %dma_wait3A_877 = arith.constant 0 : i32
    %dma_wait3A_878 = tpu.memref_slice %arg4[%add3A_866, %dma_wait3A_877] : memref<32768x1024xf32, #tpu.memory_space<hbm>> -> memref<8x1024xf32, #tpu.memory_space<hbm>>
    %dma_wait3A_879 = arith.constant 0 : i32
    %dma_wait3A_880 = arith.constant 0 : i32
    %dma_wait3A_881 = tpu.memref_slice %arg6[%dma_wait3A_867, %dma_wait3A_879, %dma_wait3A_880] : memref<8x8x1024xf32, #tpu.memory_space<vmem>> -> memref<1x8x1024xf32, #tpu.memory_space<vmem>>
    %dma_wait3A_882 = tpu.memref_squeeze %dma_wait3A_881 : memref<1x8x1024xf32, #tpu.memory_space<vmem>> -> memref<8x1024xf32, #tpu.memory_space<vmem>>
    tpu.wait_dma2 semaphore(%dma_wait3A_876 : memref<!tpu.dma_semaphore, #tpu.memory_space<semaphore_mem>>) src(%dma_wait3A_882 : memref<8x1024xf32, #tpu.memory_space<vmem>>) dst(%dma_wait3A_878 : memref<8x1024xf32, #tpu.memory_space<hbm>>)
    %dma_wait3A_883 = arith.constant 6 : i32
    %dma_wait3A_884 = arith.constant 6 : i32
    %dma_wait3A_885 = arith.constant 0 : i32
    %dma_wait3A_886 = arith.constant 0 : i32
    %dma_wait3A_887 = tpu.memref_slice %arg6[%dma_wait3A_883, %dma_wait3A_885, %dma_wait3A_886] : memref<8x8x1024xf32, #tpu.memory_space<vmem>> -> memref<1x8x1024xf32, #tpu.memory_space<vmem>>
    %dma_wait3A_888 = tpu.memref_squeeze %dma_wait3A_887 : memref<1x8x1024xf32, #tpu.memory_space<vmem>> -> memref<8x1024xf32, #tpu.memory_space<vmem>>
    %dma_wait3A_889 = arith.constant 1008 : i32
    %dma_wait3A_890 = tpu.memref_slice %arg5[%dma_wait3A_889] : memref<1024xi32, #tpu.memory_space<vmem>> -> memref<8xi32, #tpu.memory_space<vmem>>
    %dma_wait3A_891 = arith.constant 0 : i32
    %dma_wait3A_892 = arith.constant 0 : i32
    %dma_wait3A_893 = tpu.memref_slice %arg2[%dma_wait3A_891, %dma_wait3A_892] : memref<8192x1024xf32, #tpu.memory_space<hbm>> -> memref<8192x1024xf32, #tpu.memory_space<hbm>>
    %dma_wait3A_894 = tpu.memref_slice %arg7[%dma_wait3A_884] : memref<8x!tpu.dma_semaphore, #tpu.memory_space<semaphore_mem>> -> memref<1x!tpu.dma_semaphore, #tpu.memory_space<semaphore_mem>>
    %dma_wait3A_895 = tpu.memref_squeeze %dma_wait3A_894 : memref<1x!tpu.dma_semaphore, #tpu.memory_space<semaphore_mem>> -> memref<!tpu.dma_semaphore, #tpu.memory_space<semaphore_mem>>
    tpu.wait_indirect_dma semaphore(%dma_wait3A_895 : memref<!tpu.dma_semaphore, #tpu.memory_space<semaphore_mem>>) src(%dma_wait3A_893 : memref<8192x1024xf32, #tpu.memory_space<hbm>>) dst(%dma_wait3A_888 : memref<8x1024xf32, #tpu.memory_space<vmem>>)
    %add3A_896 = arith.constant 1008 : i32
    %add3A_897 = arith.addi %mul3A_2, %add3A_896 : i32
    %dma_start3A_898 = arith.constant 6 : i32
    %dma_start3A_899 = arith.constant 6 : i32
    %dma_start3A_900 = arith.constant 0 : i32
    %dma_start3A_901 = arith.constant 0 : i32
    %dma_start3A_902 = tpu.memref_slice %arg6[%dma_start3A_898, %dma_start3A_900, %dma_start3A_901] : memref<8x8x1024xf32, #tpu.memory_space<vmem>> -> memref<1x8x1024xf32, #tpu.memory_space<vmem>>
    %dma_start3A_903 = tpu.memref_squeeze %dma_start3A_902 : memref<1x8x1024xf32, #tpu.memory_space<vmem>> -> memref<8x1024xf32, #tpu.memory_space<vmem>>
    %dma_start3A_904 = arith.constant 0 : i32
    %dma_start3A_905 = tpu.memref_slice %arg4[%add3A_897, %dma_start3A_904] : memref<32768x1024xf32, #tpu.memory_space<hbm>> -> memref<8x1024xf32, #tpu.memory_space<hbm>>
    %dma_start3A_906 = tpu.memref_slice %arg8[%dma_start3A_899] : memref<8x!tpu.dma_semaphore, #tpu.memory_space<semaphore_mem>> -> memref<1x!tpu.dma_semaphore, #tpu.memory_space<semaphore_mem>>
    %dma_start3A_907 = tpu.memref_squeeze %dma_start3A_906 : memref<1x!tpu.dma_semaphore, #tpu.memory_space<semaphore_mem>> -> memref<!tpu.dma_semaphore, #tpu.memory_space<semaphore_mem>>
    %dma_start3A_908 = arith.constant 0 : i32
    %dma_start3A_909 = tpu.memref_slice %arg4[%add3A_897, %dma_start3A_908] : memref<32768x1024xf32, #tpu.memory_space<hbm>> -> memref<8x1024xf32, #tpu.memory_space<hbm>>
    %dma_start3A_910 = arith.constant 0 : i32
    %dma_start3A_911 = arith.constant 0 : i32
    %dma_start3A_912 = tpu.memref_slice %arg6[%dma_start3A_898, %dma_start3A_910, %dma_start3A_911] : memref<8x8x1024xf32, #tpu.memory_space<vmem>> -> memref<1x8x1024xf32, #tpu.memory_space<vmem>>
    %dma_start3A_913 = tpu.memref_squeeze %dma_start3A_912 : memref<1x8x1024xf32, #tpu.memory_space<vmem>> -> memref<8x1024xf32, #tpu.memory_space<vmem>>
    tpu.enqueue_dma source(%dma_start3A_913 : memref<8x1024xf32, #tpu.memory_space<vmem>>) target(%dma_start3A_909 : memref<8x1024xf32, #tpu.memory_space<hbm>>) target_semaphore(%dma_start3A_907 : memref<!tpu.dma_semaphore, #tpu.memory_space<semaphore_mem>>)
    %add3A_914 = arith.constant 1000 : i32
    %add3A_915 = arith.addi %mul3A_2, %add3A_914 : i32
    %dma_wait3A_916 = arith.constant 5 : i32
    %dma_wait3A_917 = arith.constant 5 : i32
    %dma_wait3A_918 = arith.constant 0 : i32
    %dma_wait3A_919 = arith.constant 0 : i32
    %dma_wait3A_920 = tpu.memref_slice %arg6[%dma_wait3A_916, %dma_wait3A_918, %dma_wait3A_919] : memref<8x8x1024xf32, #tpu.memory_space<vmem>> -> memref<1x8x1024xf32, #tpu.memory_space<vmem>>
    %dma_wait3A_921 = tpu.memref_squeeze %dma_wait3A_920 : memref<1x8x1024xf32, #tpu.memory_space<vmem>> -> memref<8x1024xf32, #tpu.memory_space<vmem>>
    %dma_wait3A_922 = arith.constant 0 : i32
    %dma_wait3A_923 = tpu.memref_slice %arg4[%add3A_915, %dma_wait3A_922] : memref<32768x1024xf32, #tpu.memory_space<hbm>> -> memref<8x1024xf32, #tpu.memory_space<hbm>>
    %dma_wait3A_924 = tpu.memref_slice %arg8[%dma_wait3A_917] : memref<8x!tpu.dma_semaphore, #tpu.memory_space<semaphore_mem>> -> memref<1x!tpu.dma_semaphore, #tpu.memory_space<semaphore_mem>>
    %dma_wait3A_925 = tpu.memref_squeeze %dma_wait3A_924 : memref<1x!tpu.dma_semaphore, #tpu.memory_space<semaphore_mem>> -> memref<!tpu.dma_semaphore, #tpu.memory_space<semaphore_mem>>
    %dma_wait3A_926 = arith.constant 0 : i32
    %dma_wait3A_927 = tpu.memref_slice %arg4[%add3A_915, %dma_wait3A_926] : memref<32768x1024xf32, #tpu.memory_space<hbm>> -> memref<8x1024xf32, #tpu.memory_space<hbm>>
    %dma_wait3A_928 = arith.constant 0 : i32
    %dma_wait3A_929 = arith.constant 0 : i32
    %dma_wait3A_930 = tpu.memref_slice %arg6[%dma_wait3A_916, %dma_wait3A_928, %dma_wait3A_929] : memref<8x8x1024xf32, #tpu.memory_space<vmem>> -> memref<1x8x1024xf32, #tpu.memory_space<vmem>>
    %dma_wait3A_931 = tpu.memref_squeeze %dma_wait3A_930 : memref<1x8x1024xf32, #tpu.memory_space<vmem>> -> memref<8x1024xf32, #tpu.memory_space<vmem>>
    tpu.wait_dma2 semaphore(%dma_wait3A_925 : memref<!tpu.dma_semaphore, #tpu.memory_space<semaphore_mem>>) src(%dma_wait3A_931 : memref<8x1024xf32, #tpu.memory_space<vmem>>) dst(%dma_wait3A_927 : memref<8x1024xf32, #tpu.memory_space<hbm>>)
    %dma_wait3A_932 = arith.constant 7 : i32
    %dma_wait3A_933 = arith.constant 7 : i32
    %dma_wait3A_934 = arith.constant 0 : i32
    %dma_wait3A_935 = arith.constant 0 : i32
    %dma_wait3A_936 = tpu.memref_slice %arg6[%dma_wait3A_932, %dma_wait3A_934, %dma_wait3A_935] : memref<8x8x1024xf32, #tpu.memory_space<vmem>> -> memref<1x8x1024xf32, #tpu.memory_space<vmem>>
    %dma_wait3A_937 = tpu.memref_squeeze %dma_wait3A_936 : memref<1x8x1024xf32, #tpu.memory_space<vmem>> -> memref<8x1024xf32, #tpu.memory_space<vmem>>
    %dma_wait3A_938 = arith.constant 1016 : i32
    %dma_wait3A_939 = tpu.memref_slice %arg5[%dma_wait3A_938] : memref<1024xi32, #tpu.memory_space<vmem>> -> memref<8xi32, #tpu.memory_space<vmem>>
    %dma_wait3A_940 = arith.constant 0 : i32
    %dma_wait3A_941 = arith.constant 0 : i32
    %dma_wait3A_942 = tpu.memref_slice %arg2[%dma_wait3A_940, %dma_wait3A_941] : memref<8192x1024xf32, #tpu.memory_space<hbm>> -> memref<8192x1024xf32, #tpu.memory_space<hbm>>
    %dma_wait3A_943 = tpu.memref_slice %arg7[%dma_wait3A_933] : memref<8x!tpu.dma_semaphore, #tpu.memory_space<semaphore_mem>> -> memref<1x!tpu.dma_semaphore, #tpu.memory_space<semaphore_mem>>
    %dma_wait3A_944 = tpu.memref_squeeze %dma_wait3A_943 : memref<1x!tpu.dma_semaphore, #tpu.memory_space<semaphore_mem>> -> memref<!tpu.dma_semaphore, #tpu.memory_space<semaphore_mem>>
    tpu.wait_indirect_dma semaphore(%dma_wait3A_944 : memref<!tpu.dma_semaphore, #tpu.memory_space<semaphore_mem>>) src(%dma_wait3A_942 : memref<8192x1024xf32, #tpu.memory_space<hbm>>) dst(%dma_wait3A_937 : memref<8x1024xf32, #tpu.memory_space<vmem>>)
    %add3A_945 = arith.constant 1016 : i32
    %add3A_946 = arith.addi %mul3A_2, %add3A_945 : i32
    %dma_start3A_947 = arith.constant 7 : i32
    %dma_start3A_948 = arith.constant 7 : i32
    %dma_start3A_949 = arith.constant 0 : i32
    %dma_start3A_950 = arith.constant 0 : i32
    %dma_start3A_951 = tpu.memref_slice %arg6[%dma_start3A_947, %dma_start3A_949, %dma_start3A_950] : memref<8x8x1024xf32, #tpu.memory_space<vmem>> -> memref<1x8x1024xf32, #tpu.memory_space<vmem>>
    %dma_start3A_952 = tpu.memref_squeeze %dma_start3A_951 : memref<1x8x1024xf32, #tpu.memory_space<vmem>> -> memref<8x1024xf32, #tpu.memory_space<vmem>>
    %dma_start3A_953 = arith.constant 0 : i32
    %dma_start3A_954 = tpu.memref_slice %arg4[%add3A_946, %dma_start3A_953] : memref<32768x1024xf32, #tpu.memory_space<hbm>> -> memref<8x1024xf32, #tpu.memory_space<hbm>>
    %dma_start3A_955 = tpu.memref_slice %arg8[%dma_start3A_948] : memref<8x!tpu.dma_semaphore, #tpu.memory_space<semaphore_mem>> -> memref<1x!tpu.dma_semaphore, #tpu.memory_space<semaphore_mem>>
    %dma_start3A_956 = tpu.memref_squeeze %dma_start3A_955 : memref<1x!tpu.dma_semaphore, #tpu.memory_space<semaphore_mem>> -> memref<!tpu.dma_semaphore, #tpu.memory_space<semaphore_mem>>
    %dma_start3A_957 = arith.constant 0 : i32
    %dma_start3A_958 = tpu.memref_slice %arg4[%add3A_946, %dma_start3A_957] : memref<32768x1024xf32, #tpu.memory_space<hbm>> -> memref<8x1024xf32, #tpu.memory_space<hbm>>
    %dma_start3A_959 = arith.constant 0 : i32
    %dma_start3A_960 = arith.constant 0 : i32
    %dma_start3A_961 = tpu.memref_slice %arg6[%dma_start3A_947, %dma_start3A_959, %dma_start3A_960] : memref<8x8x1024xf32, #tpu.memory_space<vmem>> -> memref<1x8x1024xf32, #tpu.memory_space<vmem>>
    %dma_start3A_962 = tpu.memref_squeeze %dma_start3A_961 : memref<1x8x1024xf32, #tpu.memory_space<vmem>> -> memref<8x1024xf32, #tpu.memory_space<vmem>>
    tpu.enqueue_dma source(%dma_start3A_962 : memref<8x1024xf32, #tpu.memory_space<vmem>>) target(%dma_start3A_958 : memref<8x1024xf32, #tpu.memory_space<hbm>>) target_semaphore(%dma_start3A_956 : memref<!tpu.dma_semaphore, #tpu.memory_space<semaphore_mem>>)
    %add3A_963 = arith.constant 1008 : i32
    %add3A_964 = arith.addi %mul3A_2, %add3A_963 : i32
    %dma_wait3A_965 = arith.constant 6 : i32
    %dma_wait3A_966 = arith.constant 6 : i32
    %dma_wait3A_967 = arith.constant 0 : i32
    %dma_wait3A_968 = arith.constant 0 : i32
    %dma_wait3A_969 = tpu.memref_slice %arg6[%dma_wait3A_965, %dma_wait3A_967, %dma_wait3A_968] : memref<8x8x1024xf32, #tpu.memory_space<vmem>> -> memref<1x8x1024xf32, #tpu.memory_space<vmem>>
    %dma_wait3A_970 = tpu.memref_squeeze %dma_wait3A_969 : memref<1x8x1024xf32, #tpu.memory_space<vmem>> -> memref<8x1024xf32, #tpu.memory_space<vmem>>
    %dma_wait3A_971 = arith.constant 0 : i32
    %dma_wait3A_972 = tpu.memref_slice %arg4[%add3A_964, %dma_wait3A_971] : memref<32768x1024xf32, #tpu.memory_space<hbm>> -> memref<8x1024xf32, #tpu.memory_space<hbm>>
    %dma_wait3A_973 = tpu.memref_slice %arg8[%dma_wait3A_966] : memref<8x!tpu.dma_semaphore, #tpu.memory_space<semaphore_mem>> -> memref<1x!tpu.dma_semaphore, #tpu.memory_space<semaphore_mem>>
    %dma_wait3A_974 = tpu.memref_squeeze %dma_wait3A_973 : memref<1x!tpu.dma_semaphore, #tpu.memory_space<semaphore_mem>> -> memref<!tpu.dma_semaphore, #tpu.memory_space<semaphore_mem>>
    %dma_wait3A_975 = arith.constant 0 : i32
    %dma_wait3A_976 = tpu.memref_slice %arg4[%add3A_964, %dma_wait3A_975] : memref<32768x1024xf32, #tpu.memory_space<hbm>> -> memref<8x1024xf32, #tpu.memory_space<hbm>>
    %dma_wait3A_977 = arith.constant 0 : i32
    %dma_wait3A_978 = arith.constant 0 : i32
    %dma_wait3A_979 = tpu.memref_slice %arg6[%dma_wait3A_965, %dma_wait3A_977, %dma_wait3A_978] : memref<8x8x1024xf32, #tpu.memory_space<vmem>> -> memref<1x8x1024xf32, #tpu.memory_space<vmem>>
    %dma_wait3A_980 = tpu.memref_squeeze %dma_wait3A_979 : memref<1x8x1024xf32, #tpu.memory_space<vmem>> -> memref<8x1024xf32, #tpu.memory_space<vmem>>
    tpu.wait_dma2 semaphore(%dma_wait3A_974 : memref<!tpu.dma_semaphore, #tpu.memory_space<semaphore_mem>>) src(%dma_wait3A_980 : memref<8x1024xf32, #tpu.memory_space<vmem>>) dst(%dma_wait3A_976 : memref<8x1024xf32, #tpu.memory_space<hbm>>)
    %add3A_981 = arith.constant 1016 : i32
    %add3A_982 = arith.addi %mul3A_2, %add3A_981 : i32
    %dma_wait3A_983 = arith.constant 7 : i32
    %dma_wait3A_984 = arith.constant 7 : i32
    %dma_wait3A_985 = arith.constant 0 : i32
    %dma_wait3A_986 = arith.constant 0 : i32
    %dma_wait3A_987 = tpu.memref_slice %arg6[%dma_wait3A_983, %dma_wait3A_985, %dma_wait3A_986] : memref<8x8x1024xf32, #tpu.memory_space<vmem>> -> memref<1x8x1024xf32, #tpu.memory_space<vmem>>
    %dma_wait3A_988 = tpu.memref_squeeze %dma_wait3A_987 : memref<1x8x1024xf32, #tpu.memory_space<vmem>> -> memref<8x1024xf32, #tpu.memory_space<vmem>>
    %dma_wait3A_989 = arith.constant 0 : i32
    %dma_wait3A_990 = tpu.memref_slice %arg4[%add3A_982, %dma_wait3A_989] : memref<32768x1024xf32, #tpu.memory_space<hbm>> -> memref<8x1024xf32, #tpu.memory_space<hbm>>
    %dma_wait3A_991 = tpu.memref_slice %arg8[%dma_wait3A_984] : memref<8x!tpu.dma_semaphore, #tpu.memory_space<semaphore_mem>> -> memref<1x!tpu.dma_semaphore, #tpu.memory_space<semaphore_mem>>
    %dma_wait3A_992 = tpu.memref_squeeze %dma_wait3A_991 : memref<1x!tpu.dma_semaphore, #tpu.memory_space<semaphore_mem>> -> memref<!tpu.dma_semaphore, #tpu.memory_space<semaphore_mem>>
    %dma_wait3A_993 = arith.constant 0 : i32
    %dma_wait3A_994 = tpu.memref_slice %arg4[%add3A_982, %dma_wait3A_993] : memref<32768x1024xf32, #tpu.memory_space<hbm>> -> memref<8x1024xf32, #tpu.memory_space<hbm>>
    %dma_wait3A_995 = arith.constant 0 : i32
    %dma_wait3A_996 = arith.constant 0 : i32
    %dma_wait3A_997 = tpu.memref_slice %arg6[%dma_wait3A_983, %dma_wait3A_995, %dma_wait3A_996] : memref<8x8x1024xf32, #tpu.memory_space<vmem>> -> memref<1x8x1024xf32, #tpu.memory_space<vmem>>
    %dma_wait3A_998 = tpu.memref_squeeze %dma_wait3A_997 : memref<1x8x1024xf32, #tpu.memory_space<vmem>> -> memref<8x1024xf32, #tpu.memory_space<vmem>>
    tpu.wait_dma2 semaphore(%dma_wait3A_992 : memref<!tpu.dma_semaphore, #tpu.memory_space<semaphore_mem>>) src(%dma_wait3A_998 : memref<8x1024xf32, #tpu.memory_space<vmem>>) dst(%dma_wait3A_994 : memref<8x1024xf32, #tpu.memory_space<hbm>>)
    return
  }
}

</mosaic_0001>

<sc_bundles>
// kernel: kernel.3.cloned.1.call-start
scs
__scs_entry_jumppad:
0x0: {  	(pc) =	sbr.rel $0x88, $3  }
0x1: {  	(tag) =	ssettag $0x0;
	lr =	simm.s32 $0x1  }
0x2: {  	[smem:$0x3F9F] =	sst lr;
	_ =	strace $0xD0000000  }
0x3: {  	_ = 	snop  }
0x4: {  	_ = 	snop  }
0x5: {  	_ = 	snop  }
0x6: {  	_ = 	snop  }
0x7: {  	_ = 	snop  }
__scs_overlays_trampoline_lowered:
0x8: {  	[smem:$0x3FAE] =	sst s0  }
0x9: {  	[smem:$0x3FAF] =	sst s1  }
0xa: {  	[smem:$0x3FB0] =	sst s2  }
0xb: {  	[smem:$0x3FB1] =	sst s3  }
0xc: {  	[smem:$0x3FB2] =	sst s4  }
0xd: {  	[smem:$0x3FB3] =	sst s5  }
0xe: {  	[smem:$0x3FB4] =	sst s6  }
0xf: {  	[smem:$0x3FB5] =	sst s7  }
0x10: {  	[smem:$0x3FB6] =	sst s8  }
0x11: {  	[smem:$0x3FB7] =	sst s9;
	s0 =	simm.s32 @!p0 $0x0  }
0x12: {  	s1 =	sld [smem:$0x3F9D];
	s0 =	simm.s32 @p0 $0x1  }
0x13: {  	[smem:$0x3FB8] =	sst s0;
	s0 =	simm.s32 @!p1 $0x0  }
0x14: {  	s2 =	sld [smem:$0x3F9C];
	s0 =	simm.s32 @p1 $0x1  }
0x15: {  	[smem:$0x3FB9] =	sst s0;
	s0 =	simm.s32 @!p2 $0x0  }
0x16: {  	s3 =	sld [smem:$0x3FDB];
	s0 =	simm.s32 @p2 $0x1  }
0x17: {  	s4 =	simm.s32 $0x1BF5;
	[smem:$0x3FBB] =	sst s0  }
0x18: {  	s0 =	sld [smem:$0x3F9E];
	_ =	swait.ge [sflag:s4], $0x0  }
0x19: {  	s7 =	sld [smem:$0x3F9F]  }
0x1a: {  	s8 =	sadd.s32 $0xFFFFE003, lr  }
0x1b: {  	s9 =	sadd.s32 $0xFFFFFEF7, lr;
	s5 =	simm.s32 $0xFFFFFFFF;
	p2 =	slt.u32 s8, $0xFFFFF086  }
0x1c: {  	p1 =	slt.u32 s9, $0xF7A;
	s5 =	simm.s32 @!p2 $0x0  }
0x1d: {  	s5 =	simm.s32 @p1 $0x1;
	p0 =	seq.s32 s7, s2  }
0x1e: {  	s7 =	smul.u32 @!p0 $0xF7A, s2;
	p2 =	seq.s32 @!p0 s5, $0x0  }
0x1f: {  	s9 =	smul.u32 $0xF7A, s1;
	s8 =	simm.s32 @!p0 $0x1BF5;
	p2 =	por !p2, p0  }
0x20: {  	[sflag:s8] =	ssyncset.s32 @!p0 $0xFFFFF086;
	s6 =	sadd.s32 @!p0 s3, s7;
	s7 =	simm.s32 @!p0 $0x108  }
0x21: {  	s3 =	sadd.s32 s3, s9;
	s6 =	sadd.s32 @!p0 $0x88, s6;
	s7 =	simm.s32 @p2 $0x1082  }
0x22: {  	[simem:s7], [sflag:s8] =	dma.local @!p0 [hbm:s6], $0xF7A  }
0x23: {  	s9 =	sor.u32 $0xD0000000, s2;
	s6 =	simm.s32 $0x108;
	_ =	swait.ge @!p0 [sflag:s8], $0x0  }
0x24: {  	s3 =	sadd.s32 $0x88, s3;
	s6 =	simm.s32 @!p1 $0x1082;
	[sflag:s4] =	ssyncset.s32 $0xFFFFF086  }
0x25: {  	[simem:s6], [sflag:s4] =	dma.local [hbm:s3], $0xF7A  }
0x26: {  	[smem:$0x3F9F] =	sst s1;
	(tag) =	ssettag s2;
	_ =	strace s9  }
0x27: {  	s1 =	sld [smem:$0x3FAF]  }
0x28: {  	s2 =	sld [smem:$0x3FB0]  }
0x29: {  	s4 =	sld [smem:$0x3FB2]  }
0x2a: {  	p0 =	seq.s32 s5, $0x0;
	s5 =	sld [smem:$0x3FB3]  }
0x2b: {  	s6 =	sld [smem:$0x3FB4]  }
0x2c: {  	s7 =	sld [smem:$0x3FB5]  }
0x2d: {  	s3 =	simm.s32 $0x108;
	s8 =	sld [smem:$0x3FB6]  }
0x2e: {  	s3 =	simm.s32 @!p0 $0x1082;
	s9 =	sld [smem:$0x3FB7]  }
0x2f: {  	lr =	sadd.s32 s0, s3;
	s0 =	sld [smem:$0x3FAE]  }
0x30: {  	s3 =	sld [smem:$0x3FB1]  }
0x31: {  	[smem:$0x3FBA] =	sst s10  }
0x32: {  	s10 =	sld [smem:$0x3FB8];
	_ =	sdelay $0x3  }
0x33: {  	p0 =	seq.s32 s10, $0x1;
	s10 =	sld [smem:$0x3FBA];
	_ =	sdelay $0x3  }
0x34: {  	[smem:$0x3FBA] =	sst s10  }
0x35: {  	s10 =	sld [smem:$0x3FB9];
	_ =	sdelay $0x3  }
0x36: {  	p1 =	seq.s32 s10, $0x1;
	s10 =	sld [smem:$0x3FBA];
	_ =	sdelay $0x3  }
0x37: {  	[smem:$0x3FBA] =	sst s10  }
0x38: {  	s10 =	sld [smem:$0x3FBB]  }
0x39: {  	_ = 	snop;
	(pc) =	sbr.ind lr, $3  }
0x3a: {  	_ = 	snop  }
0x3b: {  	_ = 	snop  }
0x3c: {  	p2 =	seq.s32 s10, $0x1;
	s10 =	sld [smem:$0x3FBA]  }
0x3d: {  	_ =	shalt  }
0x3e: {  	_ =	shalt  }
0x3f: {  	_ =	shalt  }
0x40: {  	_ =	shalt  }
0x41: {  	_ =	shalt  }
0x42: {  	_ =	shalt  }
0x43: {  	_ =	shalt  }
0x44: {  	_ =	shalt  }
0x45: {  	_ =	shalt  }
0x46: {  	_ =	shalt  }
0x47: {  	_ =	shalt  }
0x48: {  	_ =	shalt  }
0x49: {  	_ =	shalt  }
0x4a: {  	_ =	shalt  }
0x4b: {  	_ =	shalt  }
0x4c: {  	_ =	shalt  }
0x4d: {  	_ =	shalt  }
0x4e: {  	_ =	shalt  }
0x4f: {  	_ =	shalt  }
0x50: {  	_ =	shalt  }
0x51: {  	_ =	shalt  }
0x52: {  	_ =	shalt  }
0x53: {  	_ =	shalt  }
0x54: {  	_ =	shalt  }
0x55: {  	_ =	shalt  }
0x56: {  	_ =	shalt  }
0x57: {  	_ =	shalt  }
0x58: {  	_ =	shalt  }
0x59: {  	_ =	shalt  }
0x5a: {  	_ =	shalt  }
0x5b: {  	_ =	shalt  }
0x5c: {  	_ =	shalt  }
0x5d: {  	_ =	shalt  }
0x5e: {  	_ =	shalt  }
0x5f: {  	_ =	shalt  }
0x60: {  	_ =	shalt  }
0x61: {  	_ =	shalt  }
0x62: {  	_ =	shalt  }
0x63: {  	_ =	shalt  }
0x64: {  	_ =	shalt  }
0x65: {  	_ =	shalt  }
0x66: {  	_ =	shalt  }
0x67: {  	_ =	shalt  }
0x68: {  	_ =	shalt  }
0x69: {  	_ =	shalt  }
0x6a: {  	_ =	shalt  }
0x6b: {  	_ =	shalt  }
0x6c: {  	_ =	shalt  }
0x6d: {  	_ =	shalt  }
0x6e: {  	_ =	shalt  }
0x6f: {  	_ =	shalt  }
0x70: {  	_ =	shalt  }
0x71: {  	_ =	shalt  }
0x72: {  	_ =	shalt  }
0x73: {  	_ =	shalt  }
0x74: {  	_ =	shalt  }
0x75: {  	_ =	shalt  }
0x76: {  	_ =	shalt  }
0x77: {  	_ =	shalt  }
0x78: {  	_ =	shalt  }
0x79: {  	_ =	shalt  }
0x7a: {  	_ =	shalt  }
0x7b: {  	_ =	shalt  }
0x7c: {  	_ =	shalt  }
0x7d: {  	_ =	shalt  }
0x7e: {  	_ =	shalt  }
0x7f: {  	_ =	shalt  }
0x80: {  	_ =	shalt  }
0x81: {  	_ =	shalt  }
0x82: {  	_ =	shalt  }
0x83: {  	_ =	shalt  }
0x84: {  	_ =	shalt  }
0x85: {  	_ =	shalt  }
0x86: {  	_ =	shalt  }
0x87: {  	_ =	shalt  }
.Lfunc_end0:
.L_simem_size_0:
called_computation_lowered:
.L_overlay_start_0:
0x88: {  	s2 =	sld [smem:$0x3FD9]  }
0x89: {  	s3 =	sld [smem:$0x3FFE];
	_ =	sdelay $0x1  }
0x8a: {  	s1 =	srdreg.scid  }
0x8b: {  	s0 =	sand.u32 $0x1, s1  }
0x8c: {  	s17 =	sshll.u32 s0, $0xA;
	s2 =	sadd.s32 s3, s2  }
0x8d: {  	s2 =	sadd.s32 s2, s17  }
0x8e: {  	[smem:$0x3FC6] =	sst s2  }
0x8f: {  	_ = 	snop  }
0x90: {  	s2 =	sld [smem:$0x3FC8]  }
0x91: {  	s18 =	sld [smem:$0x3FD0];
	(tm) =	ssettm $0x1  }
0x92: {  	s4 =	sld [smem:$0x3FFB];
	_ =	sdelay $0x3  }
0x93: {  	_ =	strace s4  }
0x94: {  	s4 =	sld [smem:$0x3FFC];
	_ =	sdelay $0x3  }
0x95: {  	_ =	strace s4  }
0x96: {  	s4 =	sld [smem:$0x3FFD];
	_ =	sdelay $0x3  }
0x97: {  	_ =	strace s4  }
0x98: {  	_ =	strace $0x8FFFFFFF  }
0x99: {  	s19 =	sld [smem:$0x3FDB];
	_ =	sdelay $0x1  }
0x9a: {  	s5 =	simm.s32 $_scs_section_size  }
0x9b: {  	s6 =	simm.s32 $_size__tile_overlayer_lowered;
	s7 =	simm.s32 $_tile_overlayer_lowered  }
0x9c: {  	s22 =	simm.s32 $0x1BFF;
	s21 =	sshll.u32 s7, $0x1;
	s4 =	sadd.s32 s5, s19  }
0x9d: {  	s8 =	simm.s32 $0x0;
	s20 =	sshll.u32 s6, $0x1;
	s6 =	sadd.s32 s21, s4  }
0x9e: {  	[timem:s8], [sflag:s22] =	dma.local [hbm:s6], s20  }
0x9f: {  	_ =	swait.ge [sflag:s22], s20  }
0xa0: {  	s5 =	ssub.s32 $0x0, s20;
	[sflag:s22] =	ssyncset.done $0x0  }
0xa1: {  	[sflag:s22] =	ssyncadd.s32 s5;
	_ =	sdelay $0x1  }
0xa2: {  	s23 =	simm.s32 $0x1B8B  }
0xa3: {  	_ =	swait.ge [sflag:s23], $0x1  }
0xa4: {  	[sflag:s23] =	ssyncset.done $0x0  }
0xa5: {  	s25 =	simm.s32 $0x1B8E;
	s24 =	sld [smem:$0x3FFE];
	[sflag:s23] =	ssyncadd.s32 $0xFFFFFFFF  }
0xa6: {  	s26 =	simm.s32 $execute0_lowered;
	[smem:$0x3FD2] =	sst s25  }
0xa7: {  	s6 =	sshll.u32 s26, $0x1;
	_ =	strace $0x80000046;
	[dreg:$0x1] =	wrdreg $0xFFFFFFFF  }
0xa8: {  	s28 =	simm.s32 $_size_execute0_lowered;
	s4 =	sadd.s32 s4, s6;
	[dreg:$0x0] =	wrdreg $0x0  }
0xa9: {  	s6 =	sshll.u32 s28, $0x1;
	[dreg:$0x2] =	wrdreg s4  }
0xaa: {  	[dreg:$0x3] =	wrdreg s6  }
0xab: {  	[dreg:$0x4] =	wrdreg $0xC0  }
0xac: {  	_ =	task [dreg:s8], $0x5FFFF  }
0xad: {  	[dreg:$0x1] =	wrdreg $0xFFFFFFFF  }
0xae: {  	[dreg:$0x0] =	wrdreg $0x60  }
0xaf: {  	[dreg:$0x2] =	wrdreg s2  }
0xb0: {  	[dreg:$0x3] =	wrdreg s24  }
0xb1: {  	[dreg:$0x4] =	wrdreg s18  }
0xb2: {  	[dreg:$0x5] =	wrdreg $0x9  }
0xb3: {  	_ =	task.clear_ibuf [dreg:s8], $0x6FFFF;
	_ =	strace $0x90000046  }
0xb4: {  	s29 =	simm.s32 $0x9;
	_ =	strace $0x80000048  }
0xb5: {  	_ =	swait.ge [sflag:s29], $0x1  }
0xb6: {  	[sflag:s29] =	ssyncadd.s32 $0xFFFFFFFF  }
0xb7: {  	_ =	strace $0x90000048  }
0xb8: {  	_ =	sfence  }
0xb9: {  	s30 =	sld [smem:$0x0];
	_ =	sdelay $0x2  }
0xba: {  	s31 =	sshll.u32 s1, $0xD;
	s1 =	sshrl.u32 s1, $0x2  }
0xbb: {  	s3 =	sand.u32 $0x4000, s31;
	s1 =	sadd.s32 s1, s30  }
0xbc: {  	s0 =	sor.u32 s3, s0;
	s1 =	sshll.u32 s1, $0x11  }
0xbd: {  	s0 =	sor.u32 s1, s0  }
0xbe: {  	s0 =	sadd.s32 $0x8F2B, s0  }
0xbf: {  	[sflag:s0] =	ssyncadd.remote.s32 $0x1  }
0xc0: {  	_ =	sfence.sel $0xFFFF  }
0xc1: {  	[dreg:$0x0] =	wrdreg $0xFFFFFFFF;
	(pc) =	sbr.abs _section_cstart, $3  }
0xc2: {  	[dreg:$0x1] =	wrdreg $0xFFFFFFFF  }
0xc3: {  	_ =	task.clear_ibuf [dreg:s8], $0x2FFFF;
	_ =	strace $0x9FFFFFFF  }
0xc4: {  	(tm) =	ssettm $0x7FFFFFFF  }
0xc5: {  	_ =	shalt  }
tec
execute0_lowered:
.L_overlay_start_1:
0x0: {  	(tag) =	ssettag $0x1  }
0x1: {  	s1 =	rddreg [dreg:$0x0]  }
0x2: {  	s0 =	srdreg.scid;
	s2 =	rddreg [dreg:$0x1]  }
0x3: {  	s9 =	stileid.u32;
	s4 =	rddreg [dreg:$0x2];
	s0 =	sand.u32 $0x1, s0  }
0x4: {  	s3 =	simm.s32 $0x0;
	s5 =	sshll.u32 s9, $0xB;
	s6 =	sshll.u32 s0, $0xA  }
0x5: {  	[smem:$0x7FF] =	sst s3;
	s7 =	ssub.s32 $0x2, s0;
	s5 =	sor.u32 s6, s5  }
0x6: {  	_ =	strace $0x80000047;
	s10 =	sshrl.u32 s7, $0x1;
	s11 =	sshll.u32 s5, $0x7  }
0x7: {  	s6 =	sshrl.u32 s5, $0x3;
	s7 =	ssub.s32 s7, s10;
	s10 =	sadd.s32 s4, s11  }
0x8: {  	s2 =	sadd.s32 s6, s2;
	s31 =	smax.u32 s7, $0x1;
	[dreg:$0x6] =	wrdreg s10  }
0x9: {  	s2 =	sadd.s32 $0x400, s2;
	[dreg:$0x16] =	wrdreg s31  }
0xa: {  	s12 =	sadd.s32 $0x800, s10;
	[dreg:$0x5] =	wrdreg s2  }
0xb: {  	s13 =	sadd.s32 $0xC00, s10;
	[dreg:$0x8] =	wrdreg s12  }
0xc: {  	s14 =	sadd.s32 $0x1000, s10;
	[dreg:$0x9] =	wrdreg s13  }
0xd: {  	s30 =	simm.s32 $0x6C00;
	s15 =	sadd.s32 $0x1400, s10;
	[dreg:$0xa] =	wrdreg s14  }
0xe: {  	s28 =	simm.s32 $0x8;
	s16 =	sadd.s32 $0x1800, s10;
	[dreg:$0xb] =	wrdreg s15  }
0xf: {  	s29 =	simm.s32 $0xF;
	s17 =	sadd.s32 $0x1C00, s10;
	[dreg:$0xc] =	wrdreg s16  }
0x10: {  	s8 =	sadd.s32 $0x300, s1;
	s18 =	sadd.s32 $0x1E000, s10;
	[dreg:$0xd] =	wrdreg s17  }
0x11: {  	s24 =	sshll.u32 s9, $0x12;
	s19 =	sadd.s32 $0x1E400, s10;
	[dreg:$0xe] =	wrdreg s18  }
0x12: {  	s0 =	sshll.u32 s0, $0x11;
	s20 =	sadd.s32 $0x1E800, s10;
	[dreg:$0xf] =	wrdreg s19  }
0x13: {  	s5 =	sadd.s32 $0x100, s1;
	s21 =	sadd.s32 $0x1EC00, s10;
	[dreg:$0x10] =	wrdreg s20  }
0x14: {  	s6 =	sadd.s32 $0x200, s1;
	s22 =	sadd.s32 $0x1F000, s10;
	[dreg:$0x11] =	wrdreg s21  }
0x15: {  	s11 =	simm.s32 $0x9400;
	s23 =	sadd.s32 $0x1F400, s10;
	[dreg:$0x12] =	wrdreg s22  }
0x16: {  	s7 =	simm.s32 $0x0;
	s25 =	sadd.s32 $0x1F800, s10;
	[dreg:$0x13] =	wrdreg s23  }
0x17: {  	s26 =	sadd.s32 $0x1FC00, s10;
	s2 =	sadd.s32 $0x400, s10;
	[dreg:$0x14] =	wrdreg s25  }
0x18: {  	[dreg:$0x15] =	wrdreg s26;
	s13 =	simm.s32 $0xC00;
	s10 =	simm.s32 $0x1400  }
0x19: {  	s17 =	simm.s32 $0x1C00;
	s21 =	simm.s32 $0x3400;
	s26 =	simm.s32 $0x3C00  }
0x1a: {  	s12 =	simm.s32 $0x8C00;
	s14 =	simm.s32 $0xAC00;
	s15 =	simm.s32 $0xCC00  }
0x1b: {  	s19 =	simm.s32 $0x5;
	s20 =	simm.s32 $0xC;
	s22 =	simm.s32 $0x6  }
0x1c: {  	v0 =	vlaneseq.u32;
	s23 =	simm.s32 $0xD;
	[dreg:$0x7] =	wrdreg s2;
	s2 =	sadd.s32 s24, s4  }
0x1d: {  	v1 =	vshrl.u32 v0, $0x3;
	s25 =	simm.s32 $0xE;
	s24 =	simm.s32 $0x7;
	s0 =	sadd.s32 s0, s2  }
0x1e: {  	vm0 =	vmmov $0xffff;
	v0 =	vand.u32 $0x7, v0;
	v1 =	vmul.u32 $0x8, v1;
	s2 =	simm.s32 $0x2C00;
	[dreg:$0x4] =	wrdreg s0;
	s0 =	simm.s32 $0x10  }
.LBB2_1:
0x1f: {  	[dreg:$0x17] =	wrdreg s7  }
0x20: {  	s4 =	rddreg [dreg:$0x5];
	s16 =	simm.s32 $0x11  }
0x21: {  	[tilespmem:s3], [sflag:$0x11] =	stream.linear.gather [hbm4b:s4+s3], $0x400, $0x38;
	[tilespmem:$0x10400] =	vst v63  }
0x22: {  	_ =	swait.ge [sflag:s16], $0x400  }
0x23: {  	[sflag:s16] =	ssyncset.done $0x0  }
0x24: {  	[sflag:s16] =	ssyncadd.s32 $0xFFFFFC00  }
0x25: {  	v2 =	vld.msk [tilespmem:$0x0], $0xff;
	_ =	sdelay $0x4  }
0x26: {  	v3 =	vshll.u32 v2, $0x3  }
0x27: {  	v2 =	vand.u32 $0x7, v2;
	v3 =	vand.u32 $0xFFFFFFC0, v3  }
0x28: {  	v2 =	vor.u32 v2, v3  }
0x29: {  	v2 =	vperm.xlane v2, v0;
	_ =	sdelay $0x1  }
0x2a: {  	v2 =	vadd.s32 v1, v2;
	_ =	sdelay $0x3  }
0x2b: {  	s9 =	simm.s32 $0x400  }
0x2c: {  	[tilespmem:s9], [sflag:$0x1] =	stream.indirect_vreg.gather [hbm4b:s1+s3], $0x80, v2, vm0, $0xb8;
	[tilespmem:$0x10400] =	vst v63  }
0x2d: {  	_ = 	snop  }
0x2e: {  	[tilespmem:s13], [sflag:$0x1] =	stream.indirect_vreg.gather [hbm4b:s5+s3], $0x80, v2, vm0, $0xb8;
	[tilespmem:$0x10400] =	vst v63  }
0x2f: {  	_ = 	snop  }
0x30: {  	[tilespmem:s10], [sflag:$0x1] =	stream.indirect_vreg.gather [hbm4b:s6+s3], $0x80, v2, vm0, $0xb8;
	[tilespmem:$0x10400] =	vst v63  }
0x31: {  	_ = 	snop  }
0x32: {  	[tilespmem:s17], [sflag:$0x1] =	stream.indirect_vreg.gather [hbm4b:s8+s3], $0x80, v2, vm0, $0xb8;
	[tilespmem:$0x10400] =	vst v63  }
0x33: {  	v2 =	vld.msk [tilespmem:$0x8], $0xff;
	_ =	sdelay $0x4  }
0x34: {  	v3 =	vshll.u32 v2, $0x3  }
0x35: {  	v2 =	vand.u32 $0x7, v2;
	v3 =	vand.u32 $0xFFFFFFC0, v3  }
0x36: {  	v2 =	vor.u32 v2, v3  }
0x37: {  	v2 =	vperm.xlane v2, v0;
	_ =	sdelay $0x1  }
0x38: {  	v2 =	vadd.s32 v1, v2;
	_ =	sdelay $0x3  }
0x39: {  	s7 =	simm.s32 $0x2400  }
0x3a: {  	[tilespmem:s7], [sflag:$0x2] =	stream.indirect_vreg.gather [hbm4b:s1+s3], $0x80, v2, vm0, $0xb8;
	[tilespmem:$0x10400] =	vst v63  }
0x3b: {  	_ = 	snop  }
0x3c: {  	[tilespmem:s2], [sflag:$0x2] =	stream.indirect_vreg.gather [hbm4b:s5+s3], $0x80, v2, vm0, $0xb8;
	[tilespmem:$0x10400] =	vst v63  }
0x3d: {  	_ = 	snop  }
0x3e: {  	[tilespmem:s21], [sflag:$0x2] =	stream.indirect_vreg.gather [hbm4b:s6+s3], $0x80, v2, vm0, $0xb8;
	[tilespmem:$0x10400] =	vst v63  }
0x3f: {  	_ = 	snop  }
0x40: {  	[tilespmem:s26], [sflag:$0x2] =	stream.indirect_vreg.gather [hbm4b:s8+s3], $0x80, v2, vm0, $0xb8;
	[tilespmem:$0x10400] =	vst v63  }
0x41: {  	v2 =	vld.msk [tilespmem:$0x10], $0xff;
	_ =	sdelay $0x4  }
0x42: {  	v3 =	vshll.u32 v2, $0x3  }
0x43: {  	v2 =	vand.u32 $0x7, v2;
	v3 =	vand.u32 $0xFFFFFFC0, v3  }
0x44: {  	v2 =	vor.u32 v2, v3  }
0x45: {  	v2 =	vperm.xlane v2, v0;
	_ =	sdelay $0x1  }
0x46: {  	v2 =	vadd.s32 v1, v2;
	_ =	sdelay $0x3  }
0x47: {  	s31 =	simm.s32 $0x4400  }
0x48: {  	[tilespmem:s31], [sflag:$0x3] =	stream.indirect_vreg.gather [hbm4b:s1+s3], $0x80, v2, vm0, $0xb8;
	[tilespmem:$0x10400] =	vst v63  }
0x49: {  	s16 =	simm.s32 $0x4C00  }
0x4a: {  	[tilespmem:s16], [sflag:$0x3] =	stream.indirect_vreg.gather [hbm4b:s5+s3], $0x80, v2, vm0, $0xb8;
	[tilespmem:$0x10400] =	vst v63  }
0x4b: {  	s18 =	simm.s32 $0x5400  }
0x4c: {  	[tilespmem:s18], [sflag:$0x3] =	stream.indirect_vreg.gather [hbm4b:s6+s3], $0x80, v2, vm0, $0xb8;
	[tilespmem:$0x10400] =	vst v63  }
0x4d: {  	s18 =	simm.s32 $0x5C00  }
0x4e: {  	[tilespmem:s18], [sflag:$0x3] =	stream.indirect_vreg.gather [hbm4b:s8+s3], $0x80, v2, vm0, $0xb8;
	[tilespmem:$0x10400] =	vst v63  }
0x4f: {  	v2 =	vld.msk [tilespmem:$0x18], $0xff;
	_ =	sdelay $0x4  }
0x50: {  	v3 =	vshll.u32 v2, $0x3  }
0x51: {  	v2 =	vand.u32 $0x7, v2;
	v3 =	vand.u32 $0xFFFFFFC0, v3  }
0x52: {  	v2 =	vor.u32 v2, v3  }
0x53: {  	v2 =	vperm.xlane v2, v0;
	_ =	sdelay $0x1  }
0x54: {  	v2 =	vadd.s32 v1, v2;
	_ =	sdelay $0x3  }
0x55: {  	s18 =	simm.s32 $0x6400  }
0x56: {  	[tilespmem:s18], [sflag:$0x4] =	stream.indirect_vreg.gather [hbm4b:s1+s3], $0x80, v2, vm0, $0xb8;
	[tilespmem:$0x10400] =	vst v63  }
0x57: {  	_ = 	snop  }
0x58: {  	[tilespmem:s30], [sflag:$0x4] =	stream.indirect_vreg.gather [hbm4b:s5+s3], $0x80, v2, vm0, $0xb8;
	[tilespmem:$0x10400] =	vst v63  }
0x59: {  	s4 =	simm.s32 $0x7400  }
0x5a: {  	[tilespmem:s4], [sflag:$0x4] =	stream.indirect_vreg.gather [hbm4b:s6+s3], $0x80, v2, vm0, $0xb8;
	[tilespmem:$0x10400] =	vst v63  }
0x5b: {  	s4 =	simm.s32 $0x7C00  }
0x5c: {  	[tilespmem:s4], [sflag:$0x4] =	stream.indirect_vreg.gather [hbm4b:s8+s3], $0x80, v2, vm0, $0xb8;
	[tilespmem:$0x10400] =	vst v63  }
0x5d: {  	v2 =	vld.msk [tilespmem:$0x20], $0xff;
	_ =	sdelay $0x4  }
0x5e: {  	v3 =	vshll.u32 v2, $0x3  }
0x5f: {  	v2 =	vand.u32 $0x7, v2;
	v3 =	vand.u32 $0xFFFFFFC0, v3  }
0x60: {  	v2 =	vor.u32 v2, v3  }
0x61: {  	v2 =	vperm.xlane v2, v0;
	_ =	sdelay $0x1  }
0x62: {  	v2 =	vadd.s32 v1, v2;
	_ =	sdelay $0x3  }
0x63: {  	s4 =	simm.s32 $0x8400  }
0x64: {  	[tilespmem:s4], [sflag:$0x5] =	stream.indirect_vreg.gather [hbm4b:s1+s3], $0x80, v2, vm0, $0xb8;
	[tilespmem:$0x10400] =	vst v63  }
0x65: {  	_ = 	snop  }
0x66: {  	[tilespmem:s12], [sflag:$0x5] =	stream.indirect_vreg.gather [hbm4b:s5+s3], $0x80, v2, vm0, $0xb8;
	[tilespmem:$0x10400] =	vst v63  }
0x67: {  	_ = 	snop  }
0x68: {  	[tilespmem:s11], [sflag:$0x5] =	stream.indirect_vreg.gather [hbm4b:s6+s3], $0x80, v2, vm0, $0xb8;
	[tilespmem:$0x10400] =	vst v63  }
0x69: {  	s4 =	simm.s32 $0x9C00  }
0x6a: {  	[tilespmem:s4], [sflag:$0x5] =	stream.indirect_vreg.gather [hbm4b:s8+s3], $0x80, v2, vm0, $0xb8;
	[tilespmem:$0x10400] =	vst v63  }
0x6b: {  	v2 =	vld.msk [tilespmem:$0x28], $0xff;
	_ =	sdelay $0x4  }
0x6c: {  	v3 =	vshll.u32 v2, $0x3  }
0x6d: {  	v2 =	vand.u32 $0x7, v2;
	v3 =	vand.u32 $0xFFFFFFC0, v3  }
0x6e: {  	v2 =	vor.u32 v2, v3  }
0x6f: {  	v2 =	vperm.xlane v2, v0;
	_ =	sdelay $0x1  }
0x70: {  	v2 =	vadd.s32 v1, v2;
	_ =	sdelay $0x3  }
0x71: {  	s4 =	simm.s32 $0xA400  }
0x72: {  	[tilespmem:s4], [sflag:$0x6] =	stream.indirect_vreg.gather [hbm4b:s1+s3], $0x80, v2, vm0, $0xb8;
	[tilespmem:$0x10400] =	vst v63  }
0x73: {  	_ = 	snop  }
0x74: {  	[tilespmem:s14], [sflag:$0x6] =	stream.indirect_vreg.gather [hbm4b:s5+s3], $0x80, v2, vm0, $0xb8;
	[tilespmem:$0x10400] =	vst v63  }
0x75: {  	s4 =	simm.s32 $0xB400  }
0x76: {  	[tilespmem:s4], [sflag:$0x6] =	stream.indirect_vreg.gather [hbm4b:s6+s3], $0x80, v2, vm0, $0xb8;
	[tilespmem:$0x10400] =	vst v63  }
0x77: {  	s4 =	simm.s32 $0xBC00  }
0x78: {  	[tilespmem:s4], [sflag:$0x6] =	stream.indirect_vreg.gather [hbm4b:s8+s3], $0x80, v2, vm0, $0xb8;
	[tilespmem:$0x10400] =	vst v63  }
0x79: {  	v2 =	vld.msk [tilespmem:$0x30], $0xff;
	_ =	sdelay $0x4  }
0x7a: {  	v3 =	vshll.u32 v2, $0x3  }
0x7b: {  	v2 =	vand.u32 $0x7, v2;
	v3 =	vand.u32 $0xFFFFFFC0, v3  }
0x7c: {  	v2 =	vor.u32 v2, v3  }
0x7d: {  	v2 =	vperm.xlane v2, v0;
	_ =	sdelay $0x1  }
0x7e: {  	v2 =	vadd.s32 v1, v2;
	_ =	sdelay $0x3  }
0x7f: {  	s4 =	simm.s32 $0xC400  }
0x80: {  	[tilespmem:s4], [sflag:$0x7] =	stream.indirect_vreg.gather [hbm4b:s1+s3], $0x80, v2, vm0, $0xb8;
	[tilespmem:$0x10400] =	vst v63  }
0x81: {  	_ = 	snop  }
0x82: {  	[tilespmem:s15], [sflag:$0x7] =	stream.indirect_vreg.gather [hbm4b:s5+s3], $0x80, v2, vm0, $0xb8;
	[tilespmem:$0x10400] =	vst v63  }
0x83: {  	s4 =	simm.s32 $0xD400  }
0x84: {  	[tilespmem:s4], [sflag:$0x7] =	stream.indirect_vreg.gather [hbm4b:s6+s3], $0x80, v2, vm0, $0xb8;
	[tilespmem:$0x10400] =	vst v63  }
0x85: {  	s4 =	simm.s32 $0xDC00  }
0x86: {  	[tilespmem:s4], [sflag:$0x7] =	stream.indirect_vreg.gather [hbm4b:s8+s3], $0x80, v2, vm0, $0xb8;
	[tilespmem:$0x10400] =	vst v63  }
0x87: {  	s4 =	simm.s32 $0x1  }
0x88: {  	_ =	swait.ge [sflag:s4], $0x2000  }
0x89: {  	[sflag:s4] =	ssyncset.done $0x0  }
0x8a: {  	[sflag:s4] =	ssyncadd.s32 $0xFFFFE000;
	s4 =	rddreg [dreg:$0x6]  }
0x8b: {  	[hbm4b:s4+s3] =	stream.linear.scatter [tilespmem:s9], [sflag:$0x9], $0x2000, $0x38;
	[tilespmem:$0x10400] =	vst v63  }
0x8c: {  	v2 =	vld.msk [tilespmem:$0x38], $0xff;
	_ =	sdelay $0x4  }
0x8d: {  	v3 =	vshll.u32 v2, $0x3  }
0x8e: {  	v2 =	vand.u32 $0x7, v2;
	v3 =	vand.u32 $0xFFFFFFC0, v3  }
0x8f: {  	v2 =	vor.u32 v2, v3  }
0x90: {  	v2 =	vperm.xlane v2, v0;
	_ =	sdelay $0x1  }
0x91: {  	v2 =	vadd.s32 v1, v2;
	_ =	sdelay $0x3  }
0x92: {  	s4 =	simm.s32 $0xE400  }
0x93: {  	[tilespmem:s4], [sflag:$0x8] =	stream.indirect_vreg.gather [hbm4b:s1+s3], $0x80, v2, vm0, $0xb8;
	[tilespmem:$0x10400] =	vst v63  }
0x94: {  	s4 =	simm.s32 $0xEC00  }
0x95: {  	[tilespmem:s4], [sflag:$0x8] =	stream.indirect_vreg.gather [hbm4b:s5+s3], $0x80, v2, vm0, $0xb8;
	[tilespmem:$0x10400] =	vst v63  }
0x96: {  	s4 =	simm.s32 $0xF400  }
0x97: {  	[tilespmem:s4], [sflag:$0x8] =	stream.indirect_vreg.gather [hbm4b:s6+s3], $0x80, v2, vm0, $0xb8;
	[tilespmem:$0x10400] =	vst v63  }
0x98: {  	s4 =	simm.s32 $0xFC00  }
0x99: {  	[tilespmem:s4], [sflag:$0x8] =	stream.indirect_vreg.gather [hbm4b:s8+s3], $0x80, v2, vm0, $0xb8;
	[tilespmem:$0x10400] =	vst v63  }
0x9a: {  	s4 =	simm.s32 $0x2  }
0x9b: {  	_ =	swait.ge [sflag:s4], $0x2000  }
0x9c: {  	[sflag:s4] =	ssyncset.done $0x0  }
0x9d: {  	[sflag:s4] =	ssyncadd.s32 $0xFFFFE000;
	s4 =	rddreg [dreg:$0x7]  }
0x9e: {  	[hbm4b:s4+s3] =	stream.linear.scatter [tilespmem:s7], [sflag:$0xA], $0x2000, $0x38;
	[tilespmem:$0x10400] =	vst v63  }
0x9f: {  	s4 =	simm.s32 $0x9  }
0xa0: {  	_ =	swait.ge [sflag:s4], $0x2000  }
0xa1: {  	[sflag:s4] =	ssyncset.done $0x0  }
0xa2: {  	[sflag:s4] =	ssyncadd.s32 $0xFFFFE000  }
0xa3: {  	v2 =	vld.msk [tilespmem:$0x40], $0xff;
	_ =	sdelay $0x4  }
0xa4: {  	v3 =	vshll.u32 v2, $0x3  }
0xa5: {  	v2 =	vand.u32 $0x7, v2;
	v3 =	vand.u32 $0xFFFFFFC0, v3  }
0xa6: {  	v2 =	vor.u32 v2, v3  }
0xa7: {  	v2 =	vperm.xlane v2, v0;
	_ =	sdelay $0x1  }
0xa8: {  	v2 =	vadd.s32 v1, v2;
	_ =	sdelay $0x4  }
0xa9: {  	[tilespmem:s9], [sflag:$0x1] =	stream.indirect_vreg.gather [hbm4b:s1+s3], $0x80, v2, vm0, $0xb8;
	[tilespmem:$0x10400] =	vst v63  }
0xaa: {  	_ = 	snop  }
0xab: {  	[tilespmem:s13], [sflag:$0x1] =	stream.indirect_vreg.gather [hbm4b:s5+s3], $0x80, v2, vm0, $0xb8;
	[tilespmem:$0x10400] =	vst v63  }
0xac: {  	_ = 	snop  }
0xad: {  	[tilespmem:s10], [sflag:$0x1] =	stream.indirect_vreg.gather [hbm4b:s6+s3], $0x80, v2, vm0, $0xb8;
	[tilespmem:$0x10400] =	vst v63  }
0xae: {  	s10 =	simm.s32 $0x3  }
0xaf: {  	[tilespmem:s17], [sflag:$0x1] =	stream.indirect_vreg.gather [hbm4b:s8+s3], $0x80, v2, vm0, $0xb8;
	[tilespmem:$0x10400] =	vst v63  }
0xb0: {  	_ =	swait.ge [sflag:s10], $0x2000  }
0xb1: {  	[sflag:s10] =	ssyncset.done $0x0  }
0xb2: {  	s17 =	simm.s32 $0xA;
	s13 =	rddreg [dreg:$0x8];
	[sflag:s10] =	ssyncadd.s32 $0xFFFFE000  }
0xb3: {  	[hbm4b:s13+s3] =	stream.linear.scatter [tilespmem:s31], [sflag:$0xB], $0x2000, $0x38;
	[tilespmem:$0x10400] =	vst v63  }
0xb4: {  	_ =	swait.ge [sflag:s17], $0x2000  }
0xb5: {  	[sflag:s17] =	ssyncset.done $0x0  }
0xb6: {  	[sflag:s17] =	ssyncadd.s32 $0xFFFFE000  }
0xb7: {  	v2 =	vld.msk [tilespmem:$0x48], $0xff;
	_ =	sdelay $0x4  }
0xb8: {  	v3 =	vshll.u32 v2, $0x3  }
0xb9: {  	v2 =	vand.u32 $0x7, v2;
	v3 =	vand.u32 $0xFFFFFFC0, v3  }
0xba: {  	v2 =	vor.u32 v2, v3  }
0xbb: {  	v2 =	vperm.xlane v2, v0;
	_ =	sdelay $0x1  }
0xbc: {  	v2 =	vadd.s32 v1, v2;
	_ =	sdelay $0x4  }
0xbd: {  	[tilespmem:s7], [sflag:$0x2] =	stream.indirect_vreg.gather [hbm4b:s1+s3], $0x80, v2, vm0, $0xb8;
	[tilespmem:$0x10400] =	vst v63  }
0xbe: {  	_ = 	snop  }
0xbf: {  	[tilespmem:s2], [sflag:$0x2] =	stream.indirect_vreg.gather [hbm4b:s5+s3], $0x80, v2, vm0, $0xb8;
	[tilespmem:$0x10400] =	vst v63  }
0xc0: {  	_ = 	snop  }
0xc1: {  	[tilespmem:s21], [sflag:$0x2] =	stream.indirect_vreg.gather [hbm4b:s6+s3], $0x80, v2, vm0, $0xb8;
	[tilespmem:$0x10400] =	vst v63  }
0xc2: {  	s9 =	simm.s32 $0x4  }
0xc3: {  	[tilespmem:s26], [sflag:$0x2] =	stream.indirect_vreg.gather [hbm4b:s8+s3], $0x80, v2, vm0, $0xb8;
	[tilespmem:$0x10400] =	vst v63  }
0xc4: {  	_ =	swait.ge [sflag:s9], $0x2000  }
0xc5: {  	s18 =	simm.s32 $0x6400;
	[sflag:s9] =	ssyncset.done $0x0  }
0xc6: {  	s13 =	simm.s32 $0xB;
	s10 =	rddreg [dreg:$0x9];
	[sflag:s9] =	ssyncadd.s32 $0xFFFFE000  }
0xc7: {  	[hbm4b:s10+s3] =	stream.linear.scatter [tilespmem:s18], [sflag:$0xC], $0x2000, $0x38;
	[tilespmem:$0x10400] =	vst v63  }
0xc8: {  	_ =	swait.ge [sflag:s13], $0x2000  }
0xc9: {  	[sflag:s13] =	ssyncset.done $0x0  }
0xca: {  	[sflag:s13] =	ssyncadd.s32 $0xFFFFE000  }
0xcb: {  	v2 =	vld.msk [tilespmem:$0x50], $0xff;
	_ =	sdelay $0x4  }
0xcc: {  	v3 =	vshll.u32 v2, $0x3  }
0xcd: {  	v2 =	vand.u32 $0x7, v2;
	v3 =	vand.u32 $0xFFFFFFC0, v3  }
0xce: {  	v2 =	vor.u32 v2, v3  }
0xcf: {  	v2 =	vperm.xlane v2, v0;
	_ =	sdelay $0x1  }
0xd0: {  	v2 =	vadd.s32 v1, v2;
	_ =	sdelay $0x4  }
0xd1: {  	[tilespmem:s31], [sflag:$0x3] =	stream.indirect_vreg.gather [hbm4b:s1+s3], $0x80, v2, vm0, $0xb8;
	[tilespmem:$0x10400] =	vst v63  }
0xd2: {  	_ = 	snop  }
0xd3: {  	[tilespmem:s16], [sflag:$0x3] =	stream.indirect_vreg.gather [hbm4b:s5+s3], $0x80, v2, vm0, $0xb8;
	[tilespmem:$0x10400] =	vst v63  }
0xd4: {  	s16 =	simm.s32 $0x5400  }
0xd5: {  	[tilespmem:s16], [sflag:$0x3] =	stream.indirect_vreg.gather [hbm4b:s6+s3], $0x80, v2, vm0, $0xb8;
	[tilespmem:$0x10400] =	vst v63  }
0xd6: {  	s17 =	simm.s32 $0x5C00  }
0xd7: {  	[tilespmem:s17], [sflag:$0x3] =	stream.indirect_vreg.gather [hbm4b:s8+s3], $0x80, v2, vm0, $0xb8;
	[tilespmem:$0x10400] =	vst v63  }
0xd8: {  	_ =	swait.ge [sflag:s19], $0x2000  }
0xd9: {  	[sflag:s19] =	ssyncset.done $0x0  }
0xda: {  	s26 =	simm.s32 $0x8400;
	s21 =	rddreg [dreg:$0xa];
	[sflag:s19] =	ssyncadd.s32 $0xFFFFE000  }
0xdb: {  	[hbm4b:s21+s3] =	stream.linear.scatter [tilespmem:s26], [sflag:$0xD], $0x2000, $0x38;
	[tilespmem:$0x10400] =	vst v63  }
0xdc: {  	_ =	swait.ge [sflag:s20], $0x2000  }
0xdd: {  	[sflag:s20] =	ssyncset.done $0x0  }
0xde: {  	[sflag:s20] =	ssyncadd.s32 $0xFFFFE000  }
0xdf: {  	v2 =	vld.msk [tilespmem:$0x58], $0xff;
	_ =	sdelay $0x4  }
0xe0: {  	v3 =	vshll.u32 v2, $0x3  }
0xe1: {  	v2 =	vand.u32 $0x7, v2;
	v3 =	vand.u32 $0xFFFFFFC0, v3  }
0xe2: {  	v2 =	vor.u32 v2, v3  }
0xe3: {  	v2 =	vperm.xlane v2, v0;
	_ =	sdelay $0x1  }
0xe4: {  	v2 =	vadd.s32 v1, v2;
	_ =	sdelay $0x4  }
0xe5: {  	[tilespmem:s18], [sflag:$0x4] =	stream.indirect_vreg.gather [hbm4b:s1+s3], $0x80, v2, vm0, $0xb8;
	[tilespmem:$0x10400] =	vst v63  }
0xe6: {  	_ = 	snop  }
0xe7: {  	[tilespmem:s30], [sflag:$0x4] =	stream.indirect_vreg.gather [hbm4b:s5+s3], $0x80, v2, vm0, $0xb8;
	[tilespmem:$0x10400] =	vst v63  }
0xe8: {  	s31 =	simm.s32 $0x7400  }
0xe9: {  	[tilespmem:s31], [sflag:$0x4] =	stream.indirect_vreg.gather [hbm4b:s6+s3], $0x80, v2, vm0, $0xb8;
	[tilespmem:$0x10400] =	vst v63  }
0xea: {  	s7 =	simm.s32 $0x7C00  }
0xeb: {  	[tilespmem:s7], [sflag:$0x4] =	stream.indirect_vreg.gather [hbm4b:s8+s3], $0x80, v2, vm0, $0xb8;
	[tilespmem:$0x10400] =	vst v63  }
0xec: {  	_ =	swait.ge [sflag:s22], $0x2000  }
0xed: {  	[sflag:s22] =	ssyncset.done $0x0  }
0xee: {  	s10 =	simm.s32 $0xA400;
	s9 =	rddreg [dreg:$0xb];
	[sflag:s22] =	ssyncadd.s32 $0xFFFFE000  }
0xef: {  	[hbm4b:s9+s3] =	stream.linear.scatter [tilespmem:s10], [sflag:$0xE], $0x2000, $0x38;
	[tilespmem:$0x10400] =	vst v63  }
0xf0: {  	_ =	swait.ge [sflag:s23], $0x2000  }
0xf1: {  	[sflag:s23] =	ssyncset.done $0x0  }
0xf2: {  	[sflag:s23] =	ssyncadd.s32 $0xFFFFE000  }
0xf3: {  	v2 =	vld.msk [tilespmem:$0x60], $0xff;
	_ =	sdelay $0x4  }
0xf4: {  	v3 =	vshll.u32 v2, $0x3  }
0xf5: {  	v2 =	vand.u32 $0x7, v2;
	v3 =	vand.u32 $0xFFFFFFC0, v3  }
0xf6: {  	v2 =	vor.u32 v2, v3  }
0xf7: {  	v2 =	vperm.xlane v2, v0;
	_ =	sdelay $0x1  }
0xf8: {  	v2 =	vadd.s32 v1, v2;
	_ =	sdelay $0x4  }
0xf9: {  	[tilespmem:s26], [sflag:$0x5] =	stream.indirect_vreg.gather [hbm4b:s1+s3], $0x80, v2, vm0, $0xb8;
	[tilespmem:$0x10400] =	vst v63  }
0xfa: {  	_ = 	snop  }
0xfb: {  	[tilespmem:s12], [sflag:$0x5] =	stream.indirect_vreg.gather [hbm4b:s5+s3], $0x80, v2, vm0, $0xb8;
	[tilespmem:$0x10400] =	vst v63  }
0xfc: {  	_ = 	snop  }
0xfd: {  	[tilespmem:s11], [sflag:$0x5] =	stream.indirect_vreg.gather [hbm4b:s6+s3], $0x80, v2, vm0, $0xb8;
	[tilespmem:$0x10400] =	vst v63  }
0xfe: {  	s12 =	simm.s32 $0x9C00  }
0xff: {  	[tilespmem:s12], [sflag:$0x5] =	stream.indirect_vreg.gather [hbm4b:s8+s3], $0x80, v2, vm0, $0xb8;
	[tilespmem:$0x10400] =	vst v63  }
0x100: {  	_ =	swait.ge [sflag:s24], $0x2000  }
0x101: {  	[sflag:s24] =	ssyncset.done $0x0  }
0x102: {  	s16 =	simm.s32 $0xC400;
	s13 =	rddreg [dreg:$0xc];
	[sflag:s24] =	ssyncadd.s32 $0xFFFFE000  }
0x103: {  	[hbm4b:s13+s3] =	stream.linear.scatter [tilespmem:s16], [sflag:$0xF], $0x2000, $0x38;
	[tilespmem:$0x10400] =	vst v63  }
0x104: {  	_ =	swait.ge [sflag:s25], $0x2000  }
0x105: {  	[sflag:s25] =	ssyncset.done $0x0  }
0x106: {  	[sflag:s25] =	ssyncadd.s32 $0xFFFFE000  }
0x107: {  	v2 =	vld.msk [tilespmem:$0x68], $0xff;
	_ =	sdelay $0x4  }
0x108: {  	v3 =	vshll.u32 v2, $0x3  }
0x109: {  	v2 =	vand.u32 $0x7, v2;
	v3 =	vand.u32 $0xFFFFFFC0, v3  }
0x10a: {  	v2 =	vor.u32 v2, v3  }
0x10b: {  	v2 =	vperm.xlane v2, v0;
	_ =	sdelay $0x1  }
0x10c: {  	v2 =	vadd.s32 v1, v2;
	_ =	sdelay $0x4  }
0x10d: {  	[tilespmem:s10], [sflag:$0x6] =	stream.indirect_vreg.gather [hbm4b:s1+s3], $0x80, v2, vm0, $0xb8;
	[tilespmem:$0x10400] =	vst v63  }
0x10e: {  	_ = 	snop  }
0x10f: {  	[tilespmem:s14], [sflag:$0x6] =	stream.indirect_vreg.gather [hbm4b:s5+s3], $0x80, v2, vm0, $0xb8;
	[tilespmem:$0x10400] =	vst v63  }
0x110: {  	s17 =	simm.s32 $0xB400  }
0x111: {  	[tilespmem:s17], [sflag:$0x6] =	stream.indirect_vreg.gather [hbm4b:s6+s3], $0x80, v2, vm0, $0xb8;
	[tilespmem:$0x10400] =	vst v63  }
0x112: {  	s18 =	simm.s32 $0xBC00  }
0x113: {  	[tilespmem:s18], [sflag:$0x6] =	stream.indirect_vreg.gather [hbm4b:s8+s3], $0x80, v2, vm0, $0xb8;
	[tilespmem:$0x10400] =	vst v63  }
0x114: {  	_ =	swait.ge [sflag:s28], $0x2000  }
0x115: {  	[sflag:s28] =	ssyncset.done $0x0  }
0x116: {  	s26 =	simm.s32 $0xE400;
	s21 =	rddreg [dreg:$0xd];
	[sflag:s28] =	ssyncadd.s32 $0xFFFFE000  }
0x117: {  	[hbm4b:s21+s3] =	stream.linear.scatter [tilespmem:s26], [sflag:$0x10], $0x2000, $0x38;
	[tilespmem:$0x10400] =	vst v63  }
0x118: {  	_ =	swait.ge [sflag:s29], $0x2000  }
0x119: {  	[sflag:s29] =	ssyncset.done $0x0  }
0x11a: {  	[sflag:s29] =	ssyncadd.s32 $0xFFFFE000  }
0x11b: {  	v2 =	vld.msk [tilespmem:$0x70], $0xff;
	_ =	sdelay $0x4  }
0x11c: {  	v3 =	vshll.u32 v2, $0x3  }
0x11d: {  	v2 =	vand.u32 $0x7, v2;
	v3 =	vand.u32 $0xFFFFFFC0, v3  }
0x11e: {  	v2 =	vor.u32 v2, v3  }
0x11f: {  	v2 =	vperm.xlane v2, v0;
	_ =	sdelay $0x1  }
0x120: {  	v2 =	vadd.s32 v1, v2;
	_ =	sdelay $0x4  }
0x121: {  	[tilespmem:s16], [sflag:$0x7] =	stream.indirect_vreg.gather [hbm4b:s1+s3], $0x80, v2, vm0, $0xb8;
	[tilespmem:$0x10400] =	vst v63  }
0x122: {  	_ = 	snop  }
0x123: {  	[tilespmem:s15], [sflag:$0x7] =	stream.indirect_vreg.gather [hbm4b:s5+s3], $0x80, v2, vm0, $0xb8;
	[tilespmem:$0x10400] =	vst v63  }
0x124: {  	s30 =	simm.s32 $0xD400  }
0x125: {  	[tilespmem:s30], [sflag:$0x7] =	stream.indirect_vreg.gather [hbm4b:s6+s3], $0x80, v2, vm0, $0xb8;
	[tilespmem:$0x10400] =	vst v63  }
0x126: {  	s4 =	simm.s32 $0xB0;
	s31 =	simm.s32 $0xDC00;
	s10 =	simm.s32 $0x0  }
0x127: {  	[tilespmem:s31], [sflag:$0x7] =	stream.indirect_vreg.gather [hbm4b:s8+s3], $0x80, v2, vm0, $0xb8;
	[tilespmem:$0x10400] =	vst v63  }
.LBB2_2:
0x128: {  	s2 =	simm.s32 $0x1  }
0x129: {  	_ =	swait.ge [sflag:s2], $0x2000  }
0x12a: {  	s26 =	rddreg [dreg:$0x4]  }
0x12b: {  	[sflag:s2] =	ssyncset.done $0x0;
	s26 =	sadd.s32 s10, s26  }
0x12c: {  	s13 =	simm.s32 $0x400;
	[sflag:s2] =	ssyncadd.s32 $0xFFFFE000;
	s31 =	sadd.s32 $0x2000, s26  }
0x12d: {  	[hbm4b:s31+s3] =	stream.linear.scatter [tilespmem:s13], [sflag:$0x9], $0x2000, $0x38;
	[tilespmem:$0x10400] =	vst v63  }
0x12e: {  	_ =	swait.ge [sflag:s0], $0x2000  }
0x12f: {  	[sflag:s0] =	ssyncset.done $0x0  }
0x130: {  	[sflag:s0] =	ssyncadd.s32 $0xFFFFE000  }
0x131: {  	v2 =	vld.msk [tilespmem:s4+$0xFFFFFFC8], $0xff;
	_ =	sdelay $0x4  }
0x132: {  	v3 =	vshll.u32 v2, $0x3  }
0x133: {  	v2 =	vand.u32 $0x7, v2;
	v3 =	vand.u32 $0xFFFFFFC0, v3  }
0x134: {  	v2 =	vor.u32 v2, v3  }
0x135: {  	v2 =	vperm.xlane v2, v0;
	_ =	sdelay $0x1  }
0x136: {  	v2 =	vadd.s32 v1, v2;
	_ =	sdelay $0x3  }
0x137: {  	s16 =	simm.s32 $0xE400  }
0x138: {  	[tilespmem:s16], [sflag:$0x8] =	stream.indirect_vreg.gather [hbm4b:s1+s3], $0x80, v2, vm0, $0xb8;
	[tilespmem:$0x10400] =	vst v63  }
0x139: {  	s9 =	simm.s32 $0xEC00  }
0x13a: {  	[tilespmem:s9], [sflag:$0x8] =	stream.indirect_vreg.gather [hbm4b:s5+s3], $0x80, v2, vm0, $0xb8;
	[tilespmem:$0x10400] =	vst v63  }
0x13b: {  	s11 =	simm.s32 $0xF400  }
0x13c: {  	[tilespmem:s11], [sflag:$0x8] =	stream.indirect_vreg.gather [hbm4b:s6+s3], $0x80, v2, vm0, $0xb8;
	[tilespmem:$0x10400] =	vst v63  }
0x13d: {  	s12 =	simm.s32 $0xFC00;
	s14 =	simm.s32 $0x2  }
0x13e: {  	[tilespmem:s12], [sflag:$0x8] =	stream.indirect_vreg.gather [hbm4b:s8+s3], $0x80, v2, vm0, $0xb8;
	[tilespmem:$0x10400] =	vst v63  }
0x13f: {  	_ =	swait.ge [sflag:s14], $0x2000  }
0x140: {  	s15 =	simm.s32 $0x2400;
	[sflag:s14] =	ssyncset.done $0x0  }
0x141: {  	s7 =	simm.s32 $0x9;
	s31 =	sadd.s32 $0x2400, s26;
	[sflag:s14] =	ssyncadd.s32 $0xFFFFE000  }
0x142: {  	[hbm4b:s31+s3] =	stream.linear.scatter [tilespmem:s15], [sflag:$0xA], $0x2000, $0x38;
	[tilespmem:$0x10400] =	vst v63  }
0x143: {  	_ =	swait.ge [sflag:s7], $0x2000  }
0x144: {  	[sflag:s7] =	ssyncset.done $0x0  }
0x145: {  	[sflag:s7] =	ssyncadd.s32 $0xFFFFE000  }
0x146: {  	v2 =	vld.msk [tilespmem:s4+$0xFFFFFFD0], $0xff;
	_ =	sdelay $0x4  }
0x147: {  	v3 =	vshll.u32 v2, $0x3  }
0x148: {  	v2 =	vand.u32 $0x7, v2;
	v3 =	vand.u32 $0xFFFFFFC0, v3  }
0x149: {  	v2 =	vor.u32 v2, v3  }
0x14a: {  	v2 =	vperm.xlane v2, v0;
	_ =	sdelay $0x1  }
0x14b: {  	v2 =	vadd.s32 v1, v2;
	_ =	sdelay $0x4  }
0x14c: {  	[tilespmem:s13], [sflag:$0x1] =	stream.indirect_vreg.gather [hbm4b:s1+s3], $0x80, v2, vm0, $0xb8;
	[tilespmem:$0x10400] =	vst v63  }
0x14d: {  	s13 =	simm.s32 $0xC00  }
0x14e: {  	[tilespmem:s13], [sflag:$0x1] =	stream.indirect_vreg.gather [hbm4b:s5+s3], $0x80, v2, vm0, $0xb8;
	[tilespmem:$0x10400] =	vst v63  }
0x14f: {  	s17 =	simm.s32 $0x1400  }
0x150: {  	[tilespmem:s17], [sflag:$0x1] =	stream.indirect_vreg.gather [hbm4b:s6+s3], $0x80, v2, vm0, $0xb8;
	[tilespmem:$0x10400] =	vst v63  }
0x151: {  	s18 =	simm.s32 $0x1C00;
	s21 =	simm.s32 $0x3  }
0x152: {  	[tilespmem:s18], [sflag:$0x1] =	stream.indirect_vreg.gather [hbm4b:s8+s3], $0x80, v2, vm0, $0xb8;
	[tilespmem:$0x10400] =	vst v63  }
0x153: {  	_ =	swait.ge [sflag:s21], $0x2000  }
0x154: {  	s11 =	simm.s32 $0xA;
	[sflag:s21] =	ssyncset.done $0x0  }
0x155: {  	s31 =	sadd.s32 $0x2800, s26;
	s17 =	simm.s32 $0x4400;
	[sflag:s21] =	ssyncadd.s32 $0xFFFFE000  }
0x156: {  	[hbm4b:s31+s3] =	stream.linear.scatter [tilespmem:s17], [sflag:$0xB], $0x2000, $0x38;
	[tilespmem:$0x10400] =	vst v63  }
0x157: {  	_ =	swait.ge [sflag:s11], $0x2000  }
0x158: {  	[sflag:s11] =	ssyncset.done $0x0  }
0x159: {  	[sflag:s11] =	ssyncadd.s32 $0xFFFFE000  }
0x15a: {  	v2 =	vld.msk [tilespmem:s4+$0xFFFFFFD8], $0xff;
	_ =	sdelay $0x4  }
0x15b: {  	v3 =	vshll.u32 v2, $0x3  }
0x15c: {  	v2 =	vand.u32 $0x7, v2;
	v3 =	vand.u32 $0xFFFFFFC0, v3  }
0x15d: {  	v2 =	vor.u32 v2, v3  }
0x15e: {  	v2 =	vperm.xlane v2, v0;
	_ =	sdelay $0x1  }
0x15f: {  	v2 =	vadd.s32 v1, v2;
	_ =	sdelay $0x4  }
0x160: {  	[tilespmem:s15], [sflag:$0x2] =	stream.indirect_vreg.gather [hbm4b:s1+s3], $0x80, v2, vm0, $0xb8;
	[tilespmem:$0x10400] =	vst v63  }
0x161: {  	s2 =	simm.s32 $0x2C00  }
0x162: {  	[tilespmem:s2], [sflag:$0x2] =	stream.indirect_vreg.gather [hbm4b:s5+s3], $0x80, v2, vm0, $0xb8;
	[tilespmem:$0x10400] =	vst v63  }
0x163: {  	s11 =	simm.s32 $0x3400  }
0x164: {  	[tilespmem:s11], [sflag:$0x2] =	stream.indirect_vreg.gather [hbm4b:s6+s3], $0x80, v2, vm0, $0xb8;
	[tilespmem:$0x10400] =	vst v63  }
0x165: {  	s12 =	simm.s32 $0x3C00;
	s14 =	simm.s32 $0x4  }
0x166: {  	[tilespmem:s12], [sflag:$0x2] =	stream.indirect_vreg.gather [hbm4b:s8+s3], $0x80, v2, vm0, $0xb8;
	[tilespmem:$0x10400] =	vst v63  }
0x167: {  	_ =	swait.ge [sflag:s14], $0x2000  }
0x168: {  	s30 =	simm.s32 $0x6400;
	[sflag:s14] =	ssyncset.done $0x0  }
0x169: {  	s31 =	sadd.s32 $0x2C00, s26;
	s15 =	simm.s32 $0xB;
	[sflag:s14] =	ssyncadd.s32 $0xFFFFE000  }
0x16a: {  	[hbm4b:s31+s3] =	stream.linear.scatter [tilespmem:s30], [sflag:$0xC], $0x2000, $0x38;
	[tilespmem:$0x10400] =	vst v63  }
0x16b: {  	_ =	swait.ge [sflag:s15], $0x2000  }
0x16c: {  	[sflag:s15] =	ssyncset.done $0x0  }
0x16d: {  	[sflag:s15] =	ssyncadd.s32 $0xFFFFE000  }
0x16e: {  	v2 =	vld.msk [tilespmem:s4+$0xFFFFFFE0], $0xff;
	_ =	sdelay $0x4  }
0x16f: {  	v3 =	vshll.u32 v2, $0x3  }
0x170: {  	v2 =	vand.u32 $0x7, v2;
	v3 =	vand.u32 $0xFFFFFFC0, v3  }
0x171: {  	v2 =	vor.u32 v2, v3  }
0x172: {  	v2 =	vperm.xlane v2, v0;
	_ =	sdelay $0x1  }
0x173: {  	v2 =	vadd.s32 v1, v2;
	_ =	sdelay $0x4  }
0x174: {  	[tilespmem:s17], [sflag:$0x3] =	stream.indirect_vreg.gather [hbm4b:s1+s3], $0x80, v2, vm0, $0xb8;
	[tilespmem:$0x10400] =	vst v63  }
0x175: {  	s17 =	simm.s32 $0x4C00  }
0x176: {  	[tilespmem:s17], [sflag:$0x3] =	stream.indirect_vreg.gather [hbm4b:s5+s3], $0x80, v2, vm0, $0xb8;
	[tilespmem:$0x10400] =	vst v63  }
0x177: {  	s18 =	simm.s32 $0x5400  }
0x178: {  	[tilespmem:s18], [sflag:$0x3] =	stream.indirect_vreg.gather [hbm4b:s6+s3], $0x80, v2, vm0, $0xb8;
	[tilespmem:$0x10400] =	vst v63  }
0x179: {  	s12 =	simm.s32 $0x5C00  }
0x17a: {  	[tilespmem:s12], [sflag:$0x3] =	stream.indirect_vreg.gather [hbm4b:s8+s3], $0x80, v2, vm0, $0xb8;
	[tilespmem:$0x10400] =	vst v63  }
0x17b: {  	_ =	swait.ge [sflag:s19], $0x2000  }
0x17c: {  	[sflag:s19] =	ssyncset.done $0x0  }
0x17d: {  	s31 =	sadd.s32 $0x3000, s26;
	s12 =	simm.s32 $0x8400;
	[sflag:s19] =	ssyncadd.s32 $0xFFFFE000  }
0x17e: {  	[hbm4b:s31+s3] =	stream.linear.scatter [tilespmem:s12], [sflag:$0xD], $0x2000, $0x38;
	[tilespmem:$0x10400] =	vst v63  }
0x17f: {  	_ =	swait.ge [sflag:s20], $0x2000  }
0x180: {  	[sflag:s20] =	ssyncset.done $0x0  }
0x181: {  	[sflag:s20] =	ssyncadd.s32 $0xFFFFE000  }
0x182: {  	v2 =	vld.msk [tilespmem:s4+$0xFFFFFFE8], $0xff;
	_ =	sdelay $0x4  }
0x183: {  	v3 =	vshll.u32 v2, $0x3  }
0x184: {  	v2 =	vand.u32 $0x7, v2;
	v3 =	vand.u32 $0xFFFFFFC0, v3  }
0x185: {  	v2 =	vor.u32 v2, v3  }
0x186: {  	v2 =	vperm.xlane v2, v0;
	_ =	sdelay $0x1  }
0x187: {  	v2 =	vadd.s32 v1, v2;
	_ =	sdelay $0x4  }
0x188: {  	[tilespmem:s30], [sflag:$0x4] =	stream.indirect_vreg.gather [hbm4b:s1+s3], $0x80, v2, vm0, $0xb8;
	[tilespmem:$0x10400] =	vst v63  }
0x189: {  	s30 =	simm.s32 $0x6C00  }
0x18a: {  	[tilespmem:s30], [sflag:$0x4] =	stream.indirect_vreg.gather [hbm4b:s5+s3], $0x80, v2, vm0, $0xb8;
	[tilespmem:$0x10400] =	vst v63  }
0x18b: {  	s14 =	simm.s32 $0x7400  }
0x18c: {  	[tilespmem:s14], [sflag:$0x4] =	stream.indirect_vreg.gather [hbm4b:s6+s3], $0x80, v2, vm0, $0xb8;
	[tilespmem:$0x10400] =	vst v63  }
0x18d: {  	s15 =	simm.s32 $0x7C00  }
0x18e: {  	[tilespmem:s15], [sflag:$0x4] =	stream.indirect_vreg.gather [hbm4b:s8+s3], $0x80, v2, vm0, $0xb8;
	[tilespmem:$0x10400] =	vst v63  }
0x18f: {  	_ =	swait.ge [sflag:s22], $0x2000  }
0x190: {  	[sflag:s22] =	ssyncset.done $0x0  }
0x191: {  	s31 =	sadd.s32 $0x3400, s26;
	s14 =	simm.s32 $0xA400;
	[sflag:s22] =	ssyncadd.s32 $0xFFFFE000  }
0x192: {  	[hbm4b:s31+s3] =	stream.linear.scatter [tilespmem:s14], [sflag:$0xE], $0x2000, $0x38;
	[tilespmem:$0x10400] =	vst v63  }
0x193: {  	_ =	swait.ge [sflag:s23], $0x2000  }
0x194: {  	[sflag:s23] =	ssyncset.done $0x0  }
0x195: {  	[sflag:s23] =	ssyncadd.s32 $0xFFFFE000  }
0x196: {  	v2 =	vld.msk [tilespmem:s4+$0xFFFFFFF0], $0xff;
	_ =	sdelay $0x4  }
0x197: {  	v3 =	vshll.u32 v2, $0x3  }
0x198: {  	v2 =	vand.u32 $0x7, v2;
	v3 =	vand.u32 $0xFFFFFFC0, v3  }
0x199: {  	v2 =	vor.u32 v2, v3  }
0x19a: {  	v2 =	vperm.xlane v2, v0;
	_ =	sdelay $0x1  }
0x19b: {  	v2 =	vadd.s32 v1, v2;
	_ =	sdelay $0x4  }
0x19c: {  	[tilespmem:s12], [sflag:$0x5] =	stream.indirect_vreg.gather [hbm4b:s1+s3], $0x80, v2, vm0, $0xb8;
	[tilespmem:$0x10400] =	vst v63  }
0x19d: {  	s12 =	simm.s32 $0x8C00  }
0x19e: {  	[tilespmem:s12], [sflag:$0x5] =	stream.indirect_vreg.gather [hbm4b:s5+s3], $0x80, v2, vm0, $0xb8;
	[tilespmem:$0x10400] =	vst v63  }
0x19f: {  	s15 =	simm.s32 $0x9400  }
0x1a0: {  	[tilespmem:s15], [sflag:$0x5] =	stream.indirect_vreg.gather [hbm4b:s6+s3], $0x80, v2, vm0, $0xb8;
	[tilespmem:$0x10400] =	vst v63  }
0x1a1: {  	s18 =	simm.s32 $0x9C00  }
0x1a2: {  	[tilespmem:s18], [sflag:$0x5] =	stream.indirect_vreg.gather [hbm4b:s8+s3], $0x80, v2, vm0, $0xb8;
	[tilespmem:$0x10400] =	vst v63  }
0x1a3: {  	_ =	swait.ge [sflag:s24], $0x2000  }
0x1a4: {  	[sflag:s24] =	ssyncset.done $0x0  }
0x1a5: {  	s31 =	sadd.s32 $0x3800, s26;
	s15 =	simm.s32 $0xC400;
	[sflag:s24] =	ssyncadd.s32 $0xFFFFE000  }
0x1a6: {  	[hbm4b:s31+s3] =	stream.linear.scatter [tilespmem:s15], [sflag:$0xF], $0x2000, $0x38;
	[tilespmem:$0x10400] =	vst v63  }
0x1a7: {  	_ =	swait.ge [sflag:s25], $0x2000  }
0x1a8: {  	[sflag:s25] =	ssyncset.done $0x0  }
0x1a9: {  	[sflag:s25] =	ssyncadd.s32 $0xFFFFE000  }
0x1aa: {  	v2 =	vld.msk [tilespmem:s4+$0xFFFFFFF8], $0xff;
	_ =	sdelay $0x4  }
0x1ab: {  	v3 =	vshll.u32 v2, $0x3  }
0x1ac: {  	v2 =	vand.u32 $0x7, v2;
	v3 =	vand.u32 $0xFFFFFFC0, v3  }
0x1ad: {  	v2 =	vor.u32 v2, v3  }
0x1ae: {  	v2 =	vperm.xlane v2, v0;
	_ =	sdelay $0x1  }
0x1af: {  	v2 =	vadd.s32 v1, v2;
	_ =	sdelay $0x4  }
0x1b0: {  	[tilespmem:s14], [sflag:$0x6] =	stream.indirect_vreg.gather [hbm4b:s1+s3], $0x80, v2, vm0, $0xb8;
	[tilespmem:$0x10400] =	vst v63  }
0x1b1: {  	s14 =	simm.s32 $0xAC00  }
0x1b2: {  	[tilespmem:s14], [sflag:$0x6] =	stream.indirect_vreg.gather [hbm4b:s5+s3], $0x80, v2, vm0, $0xb8;
	[tilespmem:$0x10400] =	vst v63  }
0x1b3: {  	s18 =	simm.s32 $0xB400  }
0x1b4: {  	[tilespmem:s18], [sflag:$0x6] =	stream.indirect_vreg.gather [hbm4b:s6+s3], $0x80, v2, vm0, $0xb8;
	[tilespmem:$0x10400] =	vst v63  }
0x1b5: {  	s18 =	simm.s32 $0xBC00  }
0x1b6: {  	[tilespmem:s18], [sflag:$0x6] =	stream.indirect_vreg.gather [hbm4b:s8+s3], $0x80, v2, vm0, $0xb8;
	[tilespmem:$0x10400] =	vst v63  }
0x1b7: {  	_ =	swait.ge [sflag:s28], $0x2000  }
0x1b8: {  	[sflag:s28] =	ssyncset.done $0x0  }
0x1b9: {  	s26 =	sadd.s32 $0x3C00, s26;
	[sflag:s28] =	ssyncadd.s32 $0xFFFFE000  }
0x1ba: {  	[hbm4b:s26+s3] =	stream.linear.scatter [tilespmem:s16], [sflag:$0x10], $0x2000, $0x38;
	[tilespmem:$0x10400] =	vst v63  }
0x1bb: {  	_ =	swait.ge [sflag:s29], $0x2000  }
0x1bc: {  	[sflag:s29] =	ssyncset.done $0x0  }
0x1bd: {  	[sflag:s29] =	ssyncadd.s32 $0xFFFFE000  }
0x1be: {  	v2 =	vld.msk [tilespmem:s4+$0x0], $0xff;
	_ =	sdelay $0x4  }
0x1bf: {  	v3 =	vshll.u32 v2, $0x3  }
0x1c0: {  	v2 =	vand.u32 $0x7, v2;
	v3 =	vand.u32 $0xFFFFFFC0, v3  }
0x1c1: {  	v2 =	vor.u32 v2, v3  }
0x1c2: {  	v2 =	vperm.xlane v2, v0;
	_ =	sdelay $0x1  }
0x1c3: {  	v2 =	vadd.s32 v1, v2;
	_ =	sdelay $0x3  }
0x1c4: {  	p0 =	sne.s32 s10, $0x1A000;
	s10 =	sadd.s32 $0x2000, s10  }
0x1c5: {  	[tilespmem:s15], [sflag:$0x7] =	stream.indirect_vreg.gather [hbm4b:s1+s3], $0x80, v2, vm0, $0xb8;
	[tilespmem:$0x10400] =	vst v63  }
0x1c6: {  	s9 =	simm.s32 $0x400;
	s7 =	simm.s32 $0x2400;
	s15 =	simm.s32 $0xCC00  }
0x1c7: {  	[tilespmem:s15], [sflag:$0x7] =	stream.indirect_vreg.gather [hbm4b:s5+s3], $0x80, v2, vm0, $0xb8;
	[tilespmem:$0x10400] =	vst v63  }
.Ltmp0:
0x1c8: {  	s21 =	simm.s32 $0x4400;
	s11 =	simm.s32 $0x8400;
	(pc) =	sbr.rel @p0 .LBB2_2-.Ltmp0, $4  }
0x1c9: {  	s17 =	simm.s32 $0x6400;
	s31 =	simm.s32 $0xA400;
	s18 =	simm.s32 $0xD400  }
0x1ca: {  	[tilespmem:s18], [sflag:$0x7] =	stream.indirect_vreg.gather [hbm4b:s6+s3], $0x80, v2, vm0, $0xb8;
	[tilespmem:$0x10400] =	vst v63  }
0x1cb: {  	s26 =	simm.s32 $0xC400;
	s4 =	sadd.s32 $0x40, s4;
	s18 =	simm.s32 $0xDC00  }
0x1cc: {  	[tilespmem:s18], [sflag:$0x7] =	stream.indirect_vreg.gather [hbm4b:s8+s3], $0x80, v2, vm0, $0xb8;
	[tilespmem:$0x10400] =	vst v63  }
0x1cd: {  	s4 =	simm.s32 $0x1  }
0x1ce: {  	_ =	swait.ge [sflag:s4], $0x2000  }
0x1cf: {  	[sflag:s4] =	ssyncset.done $0x0  }
0x1d0: {  	s10 =	rddreg [dreg:$0xe];
	[sflag:s4] =	ssyncadd.s32 $0xFFFFE000  }
0x1d1: {  	[hbm4b:s10+s3] =	stream.linear.scatter [tilespmem:s9], [sflag:$0x9], $0x2000, $0x38;
	[tilespmem:$0x10400] =	vst v63  }
0x1d2: {  	_ =	swait.ge [sflag:s0], $0x2000  }
0x1d3: {  	[sflag:s0] =	ssyncset.done $0x0  }
0x1d4: {  	[sflag:s0] =	ssyncadd.s32 $0xFFFFE000  }
0x1d5: {  	v2 =	vld.msk [tilespmem:$0x3F8], $0xff;
	_ =	sdelay $0x4  }
0x1d6: {  	v3 =	vshll.u32 v2, $0x3  }
0x1d7: {  	v2 =	vand.u32 $0x7, v2;
	v3 =	vand.u32 $0xFFFFFFC0, v3  }
0x1d8: {  	v2 =	vor.u32 v2, v3  }
0x1d9: {  	v2 =	vperm.xlane v2, v0;
	_ =	sdelay $0x1  }
0x1da: {  	v2 =	vadd.s32 v1, v2;
	_ =	sdelay $0x3  }
0x1db: {  	s9 =	simm.s32 $0xE400  }
0x1dc: {  	[tilespmem:s9], [sflag:$0x8] =	stream.indirect_vreg.gather [hbm4b:s1+s3], $0x80, v2, vm0, $0xb8;
	[tilespmem:$0x10400] =	vst v63  }
0x1dd: {  	s16 =	simm.s32 $0xEC00  }
0x1de: {  	[tilespmem:s16], [sflag:$0x8] =	stream.indirect_vreg.gather [hbm4b:s5+s3], $0x80, v2, vm0, $0xb8;
	[tilespmem:$0x10400] =	vst v63  }
0x1df: {  	s18 =	simm.s32 $0xF400  }
0x1e0: {  	[tilespmem:s18], [sflag:$0x8] =	stream.indirect_vreg.gather [hbm4b:s6+s3], $0x80, v2, vm0, $0xb8;
	[tilespmem:$0x10400] =	vst v63  }
0x1e1: {  	s10 =	simm.s32 $0xFC00;
	s16 =	simm.s32 $0x2  }
0x1e2: {  	[tilespmem:s10], [sflag:$0x8] =	stream.indirect_vreg.gather [hbm4b:s8+s3], $0x80, v2, vm0, $0xb8;
	[tilespmem:$0x10400] =	vst v63  }
0x1e3: {  	_ =	swait.ge [sflag:s16], $0x2000  }
0x1e4: {  	[sflag:s16] =	ssyncset.done $0x0  }
0x1e5: {  	s18 =	rddreg [dreg:$0xf];
	[sflag:s16] =	ssyncadd.s32 $0xFFFFE000  }
0x1e6: {  	[hbm4b:s18+s3] =	stream.linear.scatter [tilespmem:s7], [sflag:$0xA], $0x2000, $0x38;
	[tilespmem:$0x10400] =	vst v63  }
0x1e7: {  	s7 =	simm.s32 $0x9  }
0x1e8: {  	_ =	swait.ge [sflag:s7], $0x2000  }
0x1e9: {  	[sflag:s7] =	ssyncset.done $0x0  }
0x1ea: {  	s10 =	simm.s32 $0x3;
	[sflag:s7] =	ssyncadd.s32 $0xFFFFE000  }
0x1eb: {  	_ =	swait.ge [sflag:s10], $0x2000  }
0x1ec: {  	[sflag:s10] =	ssyncset.done $0x0  }
0x1ed: {  	s18 =	simm.s32 $0xA;
	s16 =	rddreg [dreg:$0x10];
	[sflag:s10] =	ssyncadd.s32 $0xFFFFE000  }
0x1ee: {  	[hbm4b:s16+s3] =	stream.linear.scatter [tilespmem:s21], [sflag:$0xB], $0x2000, $0x38;
	[tilespmem:$0x10400] =	vst v63  }
0x1ef: {  	_ =	swait.ge [sflag:s18], $0x2000  }
0x1f0: {  	[sflag:s18] =	ssyncset.done $0x0  }
0x1f1: {  	s21 =	simm.s32 $0x4;
	[sflag:s18] =	ssyncadd.s32 $0xFFFFE000  }
0x1f2: {  	_ =	swait.ge [sflag:s21], $0x2000  }
0x1f3: {  	[sflag:s21] =	ssyncset.done $0x0  }
0x1f4: {  	s10 =	simm.s32 $0xB;
	s7 =	rddreg [dreg:$0x11];
	[sflag:s21] =	ssyncadd.s32 $0xFFFFE000  }
0x1f5: {  	[hbm4b:s7+s3] =	stream.linear.scatter [tilespmem:s17], [sflag:$0xC], $0x2000, $0x38;
	[tilespmem:$0x10400] =	vst v63  }
0x1f6: {  	_ =	swait.ge [sflag:s10], $0x2000  }
0x1f7: {  	[sflag:s10] =	ssyncset.done $0x0  }
0x1f8: {  	[sflag:s10] =	ssyncadd.s32 $0xFFFFE000  }
0x1f9: {  	_ =	swait.ge [sflag:s19], $0x2000  }
0x1fa: {  	[sflag:s19] =	ssyncset.done $0x0  }
0x1fb: {  	s16 =	rddreg [dreg:$0x12];
	[sflag:s19] =	ssyncadd.s32 $0xFFFFE000  }
0x1fc: {  	[hbm4b:s16+s3] =	stream.linear.scatter [tilespmem:s11], [sflag:$0xD], $0x2000, $0x38;
	[tilespmem:$0x10400] =	vst v63  }
0x1fd: {  	_ =	swait.ge [sflag:s20], $0x2000  }
0x1fe: {  	[sflag:s20] =	ssyncset.done $0x0  }
0x1ff: {  	[sflag:s20] =	ssyncadd.s32 $0xFFFFE000  }
0x200: {  	_ =	swait.ge [sflag:s22], $0x2000  }
0x201: {  	[sflag:s22] =	ssyncset.done $0x0  }
0x202: {  	s17 =	rddreg [dreg:$0x13];
	[sflag:s22] =	ssyncadd.s32 $0xFFFFE000  }
0x203: {  	[hbm4b:s17+s3] =	stream.linear.scatter [tilespmem:s31], [sflag:$0xE], $0x2000, $0x38;
	[tilespmem:$0x10400] =	vst v63  }
0x204: {  	_ =	swait.ge [sflag:s23], $0x2000  }
0x205: {  	[sflag:s23] =	ssyncset.done $0x0  }
0x206: {  	[sflag:s23] =	ssyncadd.s32 $0xFFFFE000  }
0x207: {  	_ =	swait.ge [sflag:s24], $0x2000  }
0x208: {  	[sflag:s24] =	ssyncset.done $0x0  }
0x209: {  	s18 =	rddreg [dreg:$0x14];
	[sflag:s24] =	ssyncadd.s32 $0xFFFFE000  }
0x20a: {  	[hbm4b:s18+s3] =	stream.linear.scatter [tilespmem:s26], [sflag:$0xF], $0x2000, $0x38;
	[tilespmem:$0x10400] =	vst v63  }
0x20b: {  	_ =	swait.ge [sflag:s25], $0x2000  }
0x20c: {  	[sflag:s25] =	ssyncset.done $0x0  }
0x20d: {  	[sflag:s25] =	ssyncadd.s32 $0xFFFFE000  }
0x20e: {  	_ =	swait.ge [sflag:s28], $0x2000  }
0x20f: {  	[sflag:s28] =	ssyncset.done $0x0  }
0x210: {  	s21 =	rddreg [dreg:$0x15];
	[sflag:s28] =	ssyncadd.s32 $0xFFFFE000  }
0x211: {  	[hbm4b:s21+s3] =	stream.linear.scatter [tilespmem:s9], [sflag:$0x10], $0x2000, $0x38;
	[tilespmem:$0x10400] =	vst v63  }
0x212: {  	_ =	swait.ge [sflag:s29], $0x2000  }
0x213: {  	[sflag:s29] =	ssyncset.done $0x0  }
0x214: {  	[sflag:s29] =	ssyncadd.s32 $0xFFFFE000  }
0x215: {  	_ =	swait.ge [sflag:s0], $0x2000  }
0x216: {  	s26 =	rddreg [dreg:$0x17]  }
0x217: {  	s31 =	rddreg [dreg:$0x16];
	s7 =	sadd.s32 $0x1, s26  }
0x218: {  	p0 =	sne.s32 s7, s31  }
.Ltmp1:
0x219: {  	_ = 	snop;
	(pc) =	sbr.rel @p0 .LBB2_1-.Ltmp1, $4  }
0x21a: {  	_ = 	snop  }
0x21b: {  	s10 =	simm.s32 $0x1400  }
0x21c: {  	s11 =	simm.s32 $0x9400;
	s17 =	simm.s32 $0x1C00;
	[sflag:s0] =	ssyncset.done $0x0  }
0x21d: {  	s21 =	simm.s32 $0x3400;
	[sflag:s0] =	ssyncadd.s32 $0xFFFFE000;
	s26 =	simm.s32 $0x3C00  }
0x21e: {  	_ =	sfence.sel $0x180000  }
0x21f: {  	[bflag:$0x0] =	sbarrier.arrive $0xFFFF  }
0x220: {  	_ =	strace $0x90000047  }
0x221: {  	s0 =	stileid.u32;
	[bflag:$0x2] =	sbarrier.arrive $0xFFFF  }
0x222: {  	p0 =	sne.s32 s0, $0x0;
	s0 =	rddreg [dreg:$0x3]  }
0x223: {  	s0 =	sadd.s32 @!p0 $0x100000, s0  }
0x224: {  	[sflag:s0] =	ssyncadd.tile.s32 @!p0 $0x1;
	_ =	shalt  }
.Lfunc_end2:
_tile_overlayer_lowered:
.L_overlay_start_2:
0x225: {  	(tag) =	ssettag $0x2  }
0x226: {  	s0 =	rddreg [dreg:$0x0];
	s2 =	stileid.u32  }
0x227: {  	s1 =	rddreg [dreg:$0x1];
	p0 =	sne.s32 s2, $0x0  }
0x228: {  	s3 =	rddreg [dreg:$0x2];
	[bflag:$0x3] =	sbarrier.arrive $0xFFFF;
	s2 =	simm.s32 @!p0 $0x1C11  }
0x229: {  	[timem:s3], [sflag:s2] =	dma.local @!p0 [hbm:s0], s1  }
0x22a: {  	s0 =	simm.s32 @!p0 $0x11  }
0x22b: {  	_ =	swait.ge @!p0 [sflag:s0], s1  }
0x22c: {  	s1 =	ssub.s32 @!p0 $0x0, s1;
	[sflag:s0] =	ssyncset.done @!p0 $0x0  }
0x22d: {  	[sflag:s0] =	ssyncadd.s32 @!p0 s1  }
0x22e: {  	[bflag:$0x3] =	sbarrier.arrive $0xFFFF  }
0x22f: {  	_ =	shalt  }

</sc_bundles>
